<compile_context>
chip_gen: v7x
topology: tpu7x:2x2x1
jax: 0.10.2.dev20260603
libtpu: 0.0.44.dev20260713+nightly
codegen_flags: <defaults>
</compile_context>

<pallas_src>
import math

import jax
import jax.numpy as jnp
import numpy as np
from jax import lax
from jax.experimental import pallas as pl
from jax.experimental.pallas import tpu as pltpu
from jax.experimental.pallas import tpu_sc as plsc

K = 5
OMEGA = 1.0
D = 10
N = 10000
E = 320000
NF = 128
NH = 64
NC = 40

N_PAD = 10240
NT = 640
CPS = 32
CE = 128
KC = 160
ET = KC * CE
E_PAD = 16 * ET
TRASH = N
SB = 64
NB = NT // SB


def _taylor_coeffs():
    cos_c = np.zeros((K, D + 1), dtype=np.float32)
    sin_c = np.zeros((K, D + 1), dtype=np.float32)
    xv = np.arange(1, K + 1, dtype=np.float64) * OMEGA * np.pi
    even = np.arange(0, D + 1, 2)
    odd = np.arange(1, D + 1, 2)
    cfac = np.array([math.factorial(int(o)) for o in even], dtype=np.float64)
    sfac = np.array([math.factorial(int(o)) for o in odd], dtype=np.float64)
    for n in range(K):
        cos_c[n, 0:D + 1:2] = ((-1.0) ** (even // 2) * xv[n] ** even / cfac).astype(np.float32)
        sin_c[n, 1:D + 1:2] = ((-1.0) ** ((odd - 1) // 2) * xv[n] ** odd / sfac).astype(np.float32)
    return sin_c, cos_c


_SINC, _COSC = _taylor_coeffs()


def _mlp_body(f_ref, w1_ref, b1_ref, w2_ref, b2_ref, o_ref):
    h = jnp.dot(f_ref[...], w1_ref[...], preferred_element_type=jnp.float32)
    h = jnp.maximum(h + b1_ref[...], 0.0)
    xh = jnp.dot(h, w2_ref[...], preferred_element_type=jnp.float32) + b2_ref[...]
    o_ref[0] = xh[:, :CPS]
    o_ref[1] = xh[:, CPS:]


def _mlp(fpad, W1, b1, W2p, b2p):
    blk = 512
    grid = N_PAD // blk
    return pl.pallas_call(
        _mlp_body,
        grid=(grid,),
        in_specs=[
            pl.BlockSpec((blk, NF), lambda i: (i, 0)),
            pl.BlockSpec((NF, NH), lambda i: (0, 0)),
            pl.BlockSpec((1, NH), lambda i: (0, 0)),
            pl.BlockSpec((NH, 2 * CPS), lambda i: (0, 0)),
            pl.BlockSpec((1, 2 * CPS), lambda i: (0, 0)),
        ],
        out_specs=pl.BlockSpec((2, blk, CPS), lambda i: (0, i, 0)),
        out_shape=jax.ShapeDtypeStruct((2, N_PAD, CPS), jnp.float32),
    )(fpad, W1, b1, W2p, b2p)


def _sc_body(x_hbm, edges_hbm, coeff_hbm, out_hbm,
             row_idx, col_idx, gbuf0, gbuf1, gbuf2, gbuf3,
             zbuf, nbuf, nbuf2, hid, disv, coeffv,
             sg0, sg1, sg2, sg3, ss0, ss1, ss2, ss3,
             si0, si1, so0, so1, sz, g_sp, ag_sp):
    gb = (gbuf0, gbuf1, gbuf2, gbuf3)
    sg = (sg0, sg1, sg2, sg3)
    ss = (ss0, ss1, ss2, ss3)
    nb2 = (nbuf, nbuf2)
    si = (si0, si1)
    so = (so0, so1)
    c = lax.axis_index("c")
    s = lax.axis_index("s")
    r0 = s * NT
    zero16 = jnp.zeros((16,), jnp.float32)
    iota16 = lax.iota(jnp.int32, 16)
    zidx16 = jnp.zeros((16,), jnp.int32)
    onehot = jnp.where(iota16 == 0, 1.0, 0.0)

    pltpu.sync_copy(edges_hbm.at[0, s], row_idx)
    pltpu.sync_copy(edges_hbm.at[1, s], col_idx)
    pltpu.sync_copy(coeff_hbm, coeffv)

    def _zrow(r, carry):
        zbuf[r, pl.ds(0, 16)] = zero16
        zbuf[r, pl.ds(16, 16)] = zero16
        return carry
    lax.fori_loop(0, SB, _zrow, 0)

    def _ohrow(r, carry):
        gbuf0[r, pl.ds(0, 16)] = onehot
        gbuf0[r, pl.ds(16, 16)] = zero16
        return carry
    lax.fori_loop(0, CE, _ohrow, 0)

    def _zag(b, carry):
        pltpu.sync_copy(zbuf, ag_sp.at[pl.ds(r0 + b * SB, SB)])
        return carry
    lax.fori_loop(0, NB, _zag, 0)
    plsc.subcore_barrier()

    def _fix_chunk(k, carry):
        def _fix16(j, cin):
            sl = pl.ds(j * 16, 16)
            r = row_idx[k, sl]
            cc = col_idx[k, sl]
            m = r == cc
            col_idx[k, sl] = jnp.where(m, TRASH, cc)
            row_idx[k, sl] = jnp.where(m, TRASH, r)
            return cin
        lax.fori_loop(0, CE // 16, _fix16, 0)
        pltpu.sync_copy(gbuf0, ag_sp.at[row_idx.at[k]], add=True)
        return carry
    lax.fori_loop(0, KC, _fix_chunk, 0)
    plsc.subcore_barrier()

    def _dis_blk(b, carry):
        pltpu.sync_copy(ag_sp.at[pl.ds(r0 + b * SB, SB)], nbuf)

        def _rsqrt16(i, cin):
            d = plsc.load_gather(nbuf, [iota16 + 16 * i, zidx16])
            bi = plsc.bitcast(d, jnp.int32)
            y = plsc.bitcast(jnp.int32(0x5F3759DF) - (bi >> 1), jnp.float32)
            y = y * (1.5 - 0.5 * d * y * y)
            y = y * (1.5 - 0.5 * d * y * y)
            y = y * (1.5 - 0.5 * d * y * y)
            disv[pl.ds(b * SB + i * 16, 16)] = jnp.where(d > 0.5, y, 0.0)
            return cin
        lax.fori_loop(0, SB // 16, _rsqrt16, 0)
        return carry
    lax.fori_loop(0, NB, _dis_blk, 0)

    c0p1 = coeffv[pl.ds(16, 16)]

    def _init_blk(b, carry):
        rb = r0 + b * SB
        pltpu.sync_copy(x_hbm.at[c, pl.ds(rb, SB)], nbuf)

        def _init_row(r, cin):
            dv = plsc.load_gather(disv, [jnp.full((16,), b * SB + r, jnp.int32)])
            x0 = nbuf[r, pl.ds(0, 16)]
            x1 = nbuf[r, pl.ds(16, 16)]
            hid[b * SB + r, pl.ds(0, 16)] = c0p1 * x0
            hid[b * SB + r, pl.ds(16, 16)] = c0p1 * x1
            nbuf[r, pl.ds(0, 16)] = dv * x0
            nbuf[r, pl.ds(16, 16)] = dv * x1
            return cin
        lax.fori_loop(0, SB, _init_row, 0)
        pltpu.sync_copy(nbuf, g_sp.at[pl.ds(rb, SB)])
        pltpu.sync_copy(zbuf, ag_sp.at[pl.ds(rb, SB)])
        return carry
    lax.fori_loop(0, NB, _init_blk, 0)
    plsc.subcore_barrier()

    def _g_start(k, i):
        pltpu.async_copy(g_sp.at[row_idx.at[k]], gb[i], sg[i])

    def _g_wait(k, i):
        pltpu.make_async_copy(g_sp.at[row_idx.at[k]], gb[i], sg[i]).wait()

    def _s_start(k, i):
        pltpu.async_copy(gb[i], ag_sp.at[col_idx.at[k]], ss[i], add=True)

    def _s_wait(k, i):
        pltpu.make_async_copy(gb[i], ag_sp.at[col_idx.at[k]], ss[i]).wait()

    def _iter(d, carry):
        _g_start(0, 0)
        _g_start(1, 1)
        _g_wait(0, 0)
        _s_start(0, 0)
        _g_start(2, 2)
        _g_wait(1, 1)
        _s_start(1, 1)
        _g_start(3, 3)
        _g_wait(2, 2)
        _s_start(2, 2)
        _s_wait(0, 0)
        _g_start(4, 0)
        _g_wait(3, 3)
        _s_start(3, 3)
        _s_wait(1, 1)
        _g_start(5, 1)

        def _group(m, cin):
            k0 = 4 * m
            for i in range(4):
                k = k0 + i
                _g_wait(k, i)
                _s_start(k, i)
                _s_wait(k - 2, (i + 2) % 4)
                _g_start(k + 2, (i + 2) % 4)
            return cin
        lax.fori_loop(1, KC // 4 - 1, _group, 0)

        for i in range(4):
            k = KC - 4 + i
            _g_wait(k, i)
            _s_start(k, i)
            _s_wait(k - 2, (i + 2) % 4)
            if k + 2 <= KC - 1:
                _g_start(k + 2, (i + 2) % 4)
        _s_wait(KC - 2, 2)
        _s_wait(KC - 1, 3)
        plsc.subcore_barrier()

        cd = plsc.load_gather(coeffv, [jnp.full((16,), d, jnp.int32)])

        din = {0: pltpu.async_copy(ag_sp.at[pl.ds(r0, SB)], nb2[0], si[0])}
        dout = {}
        dz = []
        for b in range(NB):
            buf = nb2[b % 2]
            if b >= 2:
                dout[b - 2].wait()
            din[b].wait()
            if b + 1 < NB:
                din[b + 1] = pltpu.async_copy(
                    ag_sp.at[pl.ds(r0 + (b + 1) * SB, SB)],
                    nb2[(b + 1) % 2], si[(b + 1) % 2])

            def _node_row(r, cin2, b=b, buf=buf):
                dv = plsc.load_gather(
                    disv, [jnp.full((16,), b * SB + r, jnp.int32)])
                a0 = buf[r, pl.ds(0, 16)]
                a1 = buf[r, pl.ds(16, 16)]
                t0 = -(dv * a0)
                t1 = -(dv * a1)
                hr = b * SB + r
                hid[hr, pl.ds(0, 16)] = hid[hr, pl.ds(0, 16)] + cd * t0
                hid[hr, pl.ds(16, 16)] = hid[hr, pl.ds(16, 16)] + cd * t1
                buf[r, pl.ds(0, 16)] = dv * t0
                buf[r, pl.ds(16, 16)] = dv * t1
                return cin2
            lax.fori_loop(0, SB, _node_row, 0)
            dout[b] = pltpu.async_copy(
                buf, g_sp.at[pl.ds(r0 + b * SB, SB)], so[b % 2])
            dz.append(pltpu.async_copy(
                zbuf, ag_sp.at[pl.ds(r0 + b * SB, SB)], sz))
        dout[NB - 2].wait()
        dout[NB - 1].wait()
        for dd in dz:
            dd.wait()
        plsc.subcore_barrier()
        return carry
    lax.fori_loop(1, D + 1, _iter, 0)

    pltpu.sync_copy(hid, out_hbm.at[c, pl.ds(r0, NT)])


def _propagate(x2, edges_r, coeff16):
    mesh = plsc.VectorSubcoreMesh(
        core_axis_name="c", subcore_axis_name="s", num_cores=2, num_subcores=16)
    return pl.kernel(
        _sc_body,
        out_type=jax.ShapeDtypeStruct((2, N_PAD, CPS), jnp.float32),
        mesh=mesh,
        compiler_params=pltpu.CompilerParams(
            needs_layout_passes=False, use_tc_tiling_on_sc=False),
        scratch_types=[
            pltpu.VMEM((KC, CE), jnp.int32),
            pltpu.VMEM((KC, CE), jnp.int32),
            pltpu.VMEM((CE, CPS), jnp.float32),
            pltpu.VMEM((CE, CPS), jnp.float32),
            pltpu.VMEM((CE, CPS), jnp.float32),
            pltpu.VMEM((CE, CPS), jnp.float32),
            pltpu.VMEM((SB, CPS), jnp.float32),
            pltpu.VMEM((SB, CPS), jnp.float32),
            pltpu.VMEM((SB, CPS), jnp.float32),
            pltpu.VMEM((NT, CPS), jnp.float32),
            pltpu.VMEM((NT,), jnp.float32),
            pltpu.VMEM((32,), jnp.float32),
            pltpu.SemaphoreType.DMA,
            pltpu.SemaphoreType.DMA,
            pltpu.SemaphoreType.DMA,
            pltpu.SemaphoreType.DMA,
            pltpu.SemaphoreType.DMA,
            pltpu.SemaphoreType.DMA,
            pltpu.SemaphoreType.DMA,
            pltpu.SemaphoreType.DMA,
            pltpu.SemaphoreType.DMA,
            pltpu.SemaphoreType.DMA,
            pltpu.SemaphoreType.DMA,
            pltpu.SemaphoreType.DMA,
            pltpu.SemaphoreType.DMA,
            pltpu.VMEM_SHARED((N_PAD, CPS), jnp.float32),
            pltpu.VMEM_SHARED((N_PAD, CPS), jnp.float32),
        ],
    )(x2, edges_r, coeff16)


def _lsm_body(x_ref, o_ref):
    x = x_ref[...]
    m = jnp.max(x, axis=1, keepdims=True)
    sh = x - m
    o_ref[...] = sh - jnp.log(jnp.sum(jnp.exp(sh), axis=1, keepdims=True))


def _log_softmax(x):
    blk = 1000
    return pl.pallas_call(
        _lsm_body,
        grid=(N // blk,),
        in_specs=[pl.BlockSpec((blk, NC), lambda i: (i, 0))],
        out_specs=pl.BlockSpec((blk, NC), lambda i: (i, 0)),
        out_shape=jax.ShapeDtypeStruct((N, NC), jnp.float32),
    )(x)


def kernel(feature, edges, W1, b1, W2, b2, alpha, beta):
    coeff = (alpha @ _SINC + beta @ _COSC)[0]
    coeff16 = jnp.zeros((32,), jnp.float32).at[:D + 1].set(coeff)
    coeff16 = coeff16.at[16:32].set(coeff[0] + 1.0)

    fpad = jnp.pad(feature, ((0, N_PAD - N), (0, 0)))
    W2p = jnp.pad(W2, ((0, 0), (0, 2 * CPS - NC)))
    b2p = jnp.pad(b2, ((0, 2 * CPS - NC),))

    x2 = _mlp(fpad, W1, b1.reshape(1, NH), W2p, b2p.reshape(1, 2 * CPS))
    pi = np.arange(E_PAD - E)
    epad = jnp.asarray(np.stack([N + 1 + pi % 239,
                                 N + 1 + (pi + 119) % 239]), dtype=edges.dtype)
    edges_r = jnp.concatenate([edges, epad], axis=1).reshape(2, 16, KC, CE)
    hid2 = _propagate(x2, edges_r, coeff16)
    logits = jnp.concatenate([hid2[0], hid2[1]], axis=1)[:N, :NC]
    return _log_softmax(logits)

# --- scband reference (transcript-rebuilt; emitter-appended) ---
"""Pipeline reference for scband-tfgnn-64639257805189 (READ-ONLY COPY).

The authoritative reference and input builder live on the scoring server;
editing this copy changes nothing except your own understanding.
"""

import jax, jax.numpy as jnp
import numpy as np
import math

K = 5
OMEGA = 1.0
D = 10
N_NODES = 10000
N_EDGES = 320000
NUM_FEATURES = 128
HIDDEN = 64
NUM_CLASSES = 40


def _cos_taylor(Kn, omega, Dn):
    coeff = np.zeros((Kn, Dn + 1), dtype=np.float32)
    xv = np.arange(1, Kn + 1, dtype=np.float64) * omega * np.pi
    even = np.arange(0, Dn + 1, 2)
    signs = (-1.0) ** (even // 2)
    facts = np.array([math.factorial(int(o)) for o in even], dtype=np.float64)
    for n in range(Kn):
        coeff[n, 0:Dn + 1:2] = (signs * xv[n] ** even / facts).astype(np.float32)
    return jnp.asarray(coeff)


def _sin_taylor(Kn, omega, Dn):
    coeff = np.zeros((Kn, Dn + 1), dtype=np.float32)
    xv = np.arange(1, Kn + 1, dtype=np.float64) * omega * np.pi
    odd = np.arange(1, Dn + 1, 2)
    signs = (-1.0) ** ((odd - 1) // 2)
    facts = np.array([math.factorial(int(o)) for o in odd], dtype=np.float64)
    for n in range(Kn):
        coeff[n, 1:Dn + 1:2] = (signs * xv[n] ** odd / facts).astype(np.float32)
    return jnp.asarray(coeff)


SINCOEFF = _sin_taylor(K, OMEGA, D)
COSCOEFF = _cos_taylor(K, OMEGA, D)


def setup_inputs(seed: int = 0):
    key = jax.random.key(seed)
    ks = jax.random.split(key, 6)
    feature = jax.random.normal(ks[0], (N_NODES, NUM_FEATURES), dtype=jnp.float32)
    edges = jax.random.randint(ks[1], (2, N_EDGES), 0, N_NODES, dtype=jnp.int32)
    W1 = jax.random.normal(ks[2], (NUM_FEATURES, HIDDEN), dtype=jnp.float32) / np.sqrt(NUM_FEATURES)
    b1 = jnp.zeros((HIDDEN,), dtype=jnp.float32)
    W2 = jax.random.normal(ks[3], (HIDDEN, NUM_CLASSES), dtype=jnp.float32) / np.sqrt(HIDDEN)
    b2 = jnp.zeros((NUM_CLASSES,), dtype=jnp.float32)
    xav = float(np.sqrt(2.0 / (1.0 + K)))
    alpha = jax.random.normal(ks[4], (1, K), dtype=jnp.float32) * xav
    beta = jax.random.normal(ks[5], (1, K), dtype=jnp.float32) * xav
    return {"feature": feature, "edges": edges, "W1": W1, "b1": b1, "W2": W2, "b2": b2, "alpha": alpha, "beta": beta}


def _trigo_prop(x, edges, alpha, beta):
    # __norm__: remove self loops (weight 0 trick), sym-normalized Laplacian,
    # lambda_max = 2*max(edge_weight), rescale, add self-loops with -1.
    row = edges[0]
    col = edges[1]
    n = x.shape[0]
    ew = jnp.where(row == col, 0.0, 1.0).astype(x.dtype)
    deg = jnp.zeros((n,), dtype=x.dtype).at[row].add(ew)
    dis = jnp.where(deg > 0, 1.0 / jnp.sqrt(jnp.where(deg > 0, deg, 1.0)), 0.0)
    w = -(dis[row] * ew * dis[col])  # Laplacian off-diagonal entries
    # Laplacian diagonal entries are 1.0; lambda_max over all Laplacian weights
    lam = 2.0 * jnp.maximum(jnp.max(w), 1.0)
    w = 2.0 * w / lam
    diag = 2.0 * jnp.ones((n,), dtype=x.dtype) / lam - 1.0  # rescaled diag + self loop fill=-1

    def prop(t):
        agg = jnp.zeros_like(t).at[col].add(w[:, None] * t[row])
        return agg + diag[:, None] * t

    coeff = (alpha @ SINCOEFF + beta @ COSCOEFF)[0]
    Tx = x
    hidden = coeff[0] * Tx
    for d in range(1, D + 1):
        Tx = prop(Tx)
        hidden = hidden + coeff[d] * Tx
    return hidden + x


def reference(feature, edges, W1, b1, W2, b2, alpha, beta):
    # dropout layers are identity in eval mode / p=0.0
    x = jax.nn.relu(feature @ W1 + b1)
    x = x @ W2 + b2
    x = _trigo_prop(x, edges, alpha, beta)
    return jax.nn.log_softmax(x, axis=1)

if __name__ == "__main__":
    import jax
    _d = setup_inputs()
    print(jax.jit(kernel)(*tuple(_d.values())))

</pallas_src>

<mosaic_0001>
#map = affine_map<(d0, d1) -> (0, 0, 0)>
#map1 = affine_map<(d0, d1) -> (0, 0, 0, 0)>
#map2 = affine_map<(d0, d1) -> (0)>
module attributes {stable_mosaic.version = 14 : i64} {
  func.func @_sc_body(%arg0: i32, %arg1: i32, %arg2: memref<2x10240x32xf32, #tpu.memory_space<hbm>>, %arg3: memref<2x16x160x128xi32, #tpu.memory_space<hbm>>, %arg4: memref<32xf32, #tpu.memory_space<hbm>>, %arg5: memref<2x10240x32xf32, #tpu.memory_space<hbm>>, %arg6: memref<160x128xi32, #tpu.memory_space<vmem>>, %arg7: memref<160x128xi32, #tpu.memory_space<vmem>>, %arg8: memref<128x32xf32, #tpu.memory_space<vmem>>, %arg9: memref<128x32xf32, #tpu.memory_space<vmem>>, %arg10: memref<128x32xf32, #tpu.memory_space<vmem>>, %arg11: memref<128x32xf32, #tpu.memory_space<vmem>>, %arg12: memref<64x32xf32, #tpu.memory_space<vmem>>, %arg13: memref<64x32xf32, #tpu.memory_space<vmem>>, %arg14: memref<64x32xf32, #tpu.memory_space<vmem>>, %arg15: memref<640x32xf32, #tpu.memory_space<vmem>>, %arg16: memref<640xf32, #tpu.memory_space<vmem>>, %arg17: memref<32xf32, #tpu.memory_space<vmem>>, %arg18: memref<!tpu.dma_semaphore, #tpu.memory_space<semaphore_mem>>, %arg19: memref<!tpu.dma_semaphore, #tpu.memory_space<semaphore_mem>>, %arg20: memref<!tpu.dma_semaphore, #tpu.memory_space<semaphore_mem>>, %arg21: memref<!tpu.dma_semaphore, #tpu.memory_space<semaphore_mem>>, %arg22: memref<!tpu.dma_semaphore, #tpu.memory_space<semaphore_mem>>, %arg23: memref<!tpu.dma_semaphore, #tpu.memory_space<semaphore_mem>>, %arg24: memref<!tpu.dma_semaphore, #tpu.memory_space<semaphore_mem>>, %arg25: memref<!tpu.dma_semaphore, #tpu.memory_space<semaphore_mem>>, %arg26: memref<!tpu.dma_semaphore, #tpu.memory_space<semaphore_mem>>, %arg27: memref<!tpu.dma_semaphore, #tpu.memory_space<semaphore_mem>>, %arg28: memref<!tpu.dma_semaphore, #tpu.memory_space<semaphore_mem>>, %arg29: memref<!tpu.dma_semaphore, #tpu.memory_space<semaphore_mem>>, %arg30: memref<!tpu.dma_semaphore, #tpu.memory_space<semaphore_mem>>, %arg31: memref<10240x32xf32, #tpu.memory_space<vmem_shared>>, %arg32: memref<10240x32xf32, #tpu.memory_space<vmem_shared>>) attributes {dimension_semantics = [#tpu.dimension_semantics<core_parallel>, #tpu.dimension_semantics<subcore_parallel>], iteration_bounds = array<i64: 2, 16>, scalar_prefetch = 0 : i64, scratch_operands = 27 : i64, tpu.core_type = #tpu.core_type<sc_vector_subcore>, window_params = [{transform_indices = #map}, {transform_indices = #map1}, {transform_indices = #map2}, {transform_indices = #map}]} {
    %mul3A = arith.constant 640 : i32
    %mul3A_0 = arith.muli %arg1, %mul3A : i32
    %broadcast_in_dim3A = arith.constant 0.000000e+00 : f32
    %broadcast_in_dim3A_1 = vector.broadcast %broadcast_in_dim3A : f32 to vector<16xf32>
    %iota3A = tpu.iota {dimensions = array<i32: 0>} : vector<16xi32>
    %broadcast_in_dim3A_2 = arith.constant 0 : i32
    %broadcast_in_dim3A_3 = vector.broadcast %broadcast_in_dim3A_2 : i32 to vector<16xi32>
    %eq3A = arith.constant 0 : i32
    %eq3A_4 = vector.broadcast %eq3A : i32 to vector<16xi32>
    %eq3A_5 = arith.cmpi eq, %iota3A, %eq3A_4 : vector<16xi32>
    %jit3A = arith.constant 1.000000e+00 : f32
    %jit3A_6 = arith.constant 0.000000e+00 : f32
    %broadcast_in_dim3A_7 = vector.broadcast %jit3A : f32 to vector<16xf32>
    %broadcast_in_dim3A_8 = vector.broadcast %jit3A_6 : f32 to vector<16xf32>
    %select_n3A = arith.select %eq3A_5, %broadcast_in_dim3A_7, %broadcast_in_dim3A_8 : vector<16xi1>, vector<16xf32>
    %run_scoped3A = arith.constant 0 : i32
    "tpu.region"() ({
      %run_scoped3A_54 = tpu.sem_alloc : memref<!tpu.dma_semaphore, #tpu.memory_space<semaphore_mem>>
      %dma_start3A = arith.constant 0 : i32
      %dma_start3A_55 = arith.constant 0 : i32
      %dma_start3A_56 = tpu.memref_slice %arg3[%run_scoped3A, %arg1, %dma_start3A, %dma_start3A_55] : memref<2x16x160x128xi32, #tpu.memory_space<hbm>> -> memref<1x1x160x128xi32, #tpu.memory_space<hbm>>
      %dma_start3A_57 = tpu.memref_squeeze %dma_start3A_56 : memref<1x1x160x128xi32, #tpu.memory_space<hbm>> -> memref<160x128xi32, #tpu.memory_space<hbm>>
      %dma_start3A_58 = arith.constant 0 : i32
      %dma_start3A_59 = arith.constant 0 : i32
      %dma_start3A_60 = tpu.memref_slice %arg3[%run_scoped3A, %arg1, %dma_start3A_58, %dma_start3A_59] : memref<2x16x160x128xi32, #tpu.memory_space<hbm>> -> memref<1x1x160x128xi32, #tpu.memory_space<hbm>>
      %dma_start3A_61 = tpu.memref_squeeze %dma_start3A_60 : memref<1x1x160x128xi32, #tpu.memory_space<hbm>> -> memref<160x128xi32, #tpu.memory_space<hbm>>
      tpu.enqueue_dma source(%dma_start3A_61 : memref<160x128xi32, #tpu.memory_space<hbm>>) target(%arg6 : memref<160x128xi32, #tpu.memory_space<vmem>>) target_semaphore(%run_scoped3A_54 : memref<!tpu.dma_semaphore, #tpu.memory_space<semaphore_mem>>)
      %dma_wait3A = arith.constant 0 : i32
      %dma_wait3A_62 = arith.constant 0 : i32
      %dma_wait3A_63 = tpu.memref_slice %arg3[%run_scoped3A, %arg1, %dma_wait3A, %dma_wait3A_62] : memref<2x16x160x128xi32, #tpu.memory_space<hbm>> -> memref<1x1x160x128xi32, #tpu.memory_space<hbm>>
      %dma_wait3A_64 = tpu.memref_squeeze %dma_wait3A_63 : memref<1x1x160x128xi32, #tpu.memory_space<hbm>> -> memref<160x128xi32, #tpu.memory_space<hbm>>
      %dma_wait3A_65 = arith.constant 0 : i32
      %dma_wait3A_66 = arith.constant 0 : i32
      %dma_wait3A_67 = tpu.memref_slice %arg3[%run_scoped3A, %arg1, %dma_wait3A_65, %dma_wait3A_66] : memref<2x16x160x128xi32, #tpu.memory_space<hbm>> -> memref<1x1x160x128xi32, #tpu.memory_space<hbm>>
      %dma_wait3A_68 = tpu.memref_squeeze %dma_wait3A_67 : memref<1x1x160x128xi32, #tpu.memory_space<hbm>> -> memref<160x128xi32, #tpu.memory_space<hbm>>
      tpu.wait_dma2 semaphore(%run_scoped3A_54 : memref<!tpu.dma_semaphore, #tpu.memory_space<semaphore_mem>>) src(%dma_wait3A_68 : memref<160x128xi32, #tpu.memory_space<hbm>>) dst(%arg6 : memref<160x128xi32, #tpu.memory_space<vmem>>)
      tpu.yield
    }) : () -> ()
    %run_scoped3A_9 = arith.constant 1 : i32
    "tpu.region"() ({
      %run_scoped3A_54 = tpu.sem_alloc : memref<!tpu.dma_semaphore, #tpu.memory_space<semaphore_mem>>
      %dma_start3A = arith.constant 0 : i32
      %dma_start3A_55 = arith.constant 0 : i32
      %dma_start3A_56 = tpu.memref_slice %arg3[%run_scoped3A_9, %arg1, %dma_start3A, %dma_start3A_55] : memref<2x16x160x128xi32, #tpu.memory_space<hbm>> -> memref<1x1x160x128xi32, #tpu.memory_space<hbm>>
      %dma_start3A_57 = tpu.memref_squeeze %dma_start3A_56 : memref<1x1x160x128xi32, #tpu.memory_space<hbm>> -> memref<160x128xi32, #tpu.memory_space<hbm>>
      %dma_start3A_58 = arith.constant 0 : i32
      %dma_start3A_59 = arith.constant 0 : i32
      %dma_start3A_60 = tpu.memref_slice %arg3[%run_scoped3A_9, %arg1, %dma_start3A_58, %dma_start3A_59] : memref<2x16x160x128xi32, #tpu.memory_space<hbm>> -> memref<1x1x160x128xi32, #tpu.memory_space<hbm>>
      %dma_start3A_61 = tpu.memref_squeeze %dma_start3A_60 : memref<1x1x160x128xi32, #tpu.memory_space<hbm>> -> memref<160x128xi32, #tpu.memory_space<hbm>>
      tpu.enqueue_dma source(%dma_start3A_61 : memref<160x128xi32, #tpu.memory_space<hbm>>) target(%arg7 : memref<160x128xi32, #tpu.memory_space<vmem>>) target_semaphore(%run_scoped3A_54 : memref<!tpu.dma_semaphore, #tpu.memory_space<semaphore_mem>>)
      %dma_wait3A = arith.constant 0 : i32
      %dma_wait3A_62 = arith.constant 0 : i32
      %dma_wait3A_63 = tpu.memref_slice %arg3[%run_scoped3A_9, %arg1, %dma_wait3A, %dma_wait3A_62] : memref<2x16x160x128xi32, #tpu.memory_space<hbm>> -> memref<1x1x160x128xi32, #tpu.memory_space<hbm>>
      %dma_wait3A_64 = tpu.memref_squeeze %dma_wait3A_63 : memref<1x1x160x128xi32, #tpu.memory_space<hbm>> -> memref<160x128xi32, #tpu.memory_space<hbm>>
      %dma_wait3A_65 = arith.constant 0 : i32
      %dma_wait3A_66 = arith.constant 0 : i32
      %dma_wait3A_67 = tpu.memref_slice %arg3[%run_scoped3A_9, %arg1, %dma_wait3A_65, %dma_wait3A_66] : memref<2x16x160x128xi32, #tpu.memory_space<hbm>> -> memref<1x1x160x128xi32, #tpu.memory_space<hbm>>
      %dma_wait3A_68 = tpu.memref_squeeze %dma_wait3A_67 : memref<1x1x160x128xi32, #tpu.memory_space<hbm>> -> memref<160x128xi32, #tpu.memory_space<hbm>>
      tpu.wait_dma2 semaphore(%run_scoped3A_54 : memref<!tpu.dma_semaphore, #tpu.memory_space<semaphore_mem>>) src(%dma_wait3A_68 : memref<160x128xi32, #tpu.memory_space<hbm>>) dst(%arg7 : memref<160x128xi32, #tpu.memory_space<vmem>>)
      tpu.yield
    }) : () -> ()
    "tpu.region"() ({
      %run_scoped3A_54 = tpu.sem_alloc : memref<!tpu.dma_semaphore, #tpu.memory_space<semaphore_mem>>
      tpu.enqueue_dma source(%arg4 : memref<32xf32, #tpu.memory_space<hbm>>) target(%arg17 : memref<32xf32, #tpu.memory_space<vmem>>) target_semaphore(%run_scoped3A_54 : memref<!tpu.dma_semaphore, #tpu.memory_space<semaphore_mem>>)
      tpu.wait_dma2 semaphore(%run_scoped3A_54 : memref<!tpu.dma_semaphore, #tpu.memory_space<semaphore_mem>>) src(%arg4 : memref<32xf32, #tpu.memory_space<hbm>>) dst(%arg17 : memref<32xf32, #tpu.memory_space<vmem>>)
      tpu.yield
    }) : () -> ()
    %scan3A = arith.constant 0 : i32
    %scan3A_10 = arith.constant 0 : i32
    %scan3A_11 = arith.constant 64 : i32
    %scan3A_12 = arith.addi %scan3A_10, %scan3A_11 : i32
    %scan3A_13 = arith.constant 1 : i32
    scf.for %scan3A_54 = %scan3A_10 to %scan3A_12 step %scan3A_13  : i32 {
      %swap3A = arith.index_cast %scan3A_54 : i32 to index
      %swap3A_55 = arith.constant 0 : index
      %swap3A_56 = tpu.vector_load %arg12[%swap3A, %swap3A_55] {strides = array<i32>} : memref<64x32xf32, #tpu.memory_space<vmem>>, vector<16xf32>,
      tpu.vector_store %arg12[%swap3A, %swap3A_55], %broadcast_in_dim3A_1 {strides = array<i32>} : memref<64x32xf32, #tpu.memory_space<vmem>>, vector<16xf32>,
      %swap3A_57 = arith.index_cast %scan3A_54 : i32 to index
      %swap3A_58 = arith.constant 16 : index
      %swap3A_59 = tpu.vector_load %arg12[%swap3A_57, %swap3A_58] {strides = array<i32>} : memref<64x32xf32, #tpu.memory_space<vmem>>, vector<16xf32>,
      tpu.vector_store %arg12[%swap3A_57, %swap3A_58], %broadcast_in_dim3A_1 {strides = array<i32>} : memref<64x32xf32, #tpu.memory_space<vmem>>, vector<16xf32>,
    }
    %scan3A_14 = arith.constant 64 : i32
    %scan3A_15 = arith.constant 0 : i32
    %scan3A_16 = arith.constant 0 : i32
    %scan3A_17 = arith.constant 128 : i32
    %scan3A_18 = arith.addi %scan3A_16, %scan3A_17 : i32
    %scan3A_19 = arith.constant 1 : i32
    scf.for %scan3A_54 = %scan3A_16 to %scan3A_18 step %scan3A_19  : i32 {
      %swap3A = arith.index_cast %scan3A_54 : i32 to index
      %swap3A_55 = arith.constant 0 : index
      %swap3A_56 = tpu.vector_load %arg8[%swap3A, %swap3A_55] {strides = array<i32>} : memref<128x32xf32, #tpu.memory_space<vmem>>, vector<16xf32>,
      tpu.vector_store %arg8[%swap3A, %swap3A_55], %select_n3A {strides = array<i32>} : memref<128x32xf32, #tpu.memory_space<vmem>>, vector<16xf32>,
      %swap3A_57 = arith.index_cast %scan3A_54 : i32 to index
      %swap3A_58 = arith.constant 16 : index
      %swap3A_59 = tpu.vector_load %arg8[%swap3A_57, %swap3A_58] {strides = array<i32>} : memref<128x32xf32, #tpu.memory_space<vmem>>, vector<16xf32>,
      tpu.vector_store %arg8[%swap3A_57, %swap3A_58], %broadcast_in_dim3A_1 {strides = array<i32>} : memref<128x32xf32, #tpu.memory_space<vmem>>, vector<16xf32>,
    }
    %scan3A_20 = arith.constant 128 : i32
    %scan3A_21 = arith.constant 0 : i32
    %scan3A_22 = arith.constant 0 : i32
    %scan3A_23 = arith.constant 10 : i32
    %scan3A_24 = arith.addi %scan3A_22, %scan3A_23 : i32
    %scan3A_25 = arith.constant 1 : i32
    scf.for %scan3A_54 = %scan3A_22 to %scan3A_24 step %scan3A_25  : i32 {
      %mul3A_55 = arith.constant 64 : i32
      %mul3A_56 = arith.muli %scan3A_54, %mul3A_55 : i32
      %add3A = arith.addi %mul3A_0, %mul3A_56 : i32
      "tpu.region"() ({
        %run_scoped3A_57 = tpu.sem_alloc : memref<!tpu.dma_semaphore, #tpu.memory_space<semaphore_mem>>
        %dma_start3A = arith.constant 0 : i32
        %dma_start3A_58 = tpu.memref_slice %arg32[%add3A, %dma_start3A] : memref<10240x32xf32, #tpu.memory_space<vmem_shared>> -> memref<64x32xf32, #tpu.memory_space<vmem_shared>>
        %dma_start3A_59 = arith.constant 0 : i32
        %dma_start3A_60 = tpu.memref_slice %arg32[%add3A, %dma_start3A_59] : memref<10240x32xf32, #tpu.memory_space<vmem_shared>> -> memref<64x32xf32, #tpu.memory_space<vmem_shared>>
        tpu.enqueue_dma source(%arg12 : memref<64x32xf32, #tpu.memory_space<vmem>>) target(%dma_start3A_60 : memref<64x32xf32, #tpu.memory_space<vmem_shared>>) target_semaphore(%run_scoped3A_57 : memref<!tpu.dma_semaphore, #tpu.memory_space<semaphore_mem>>)
        %dma_wait3A = arith.constant 0 : i32
        %dma_wait3A_61 = tpu.memref_slice %arg32[%add3A, %dma_wait3A] : memref<10240x32xf32, #tpu.memory_space<vmem_shared>> -> memref<64x32xf32, #tpu.memory_space<vmem_shared>>
        %dma_wait3A_62 = arith.constant 0 : i32
        %dma_wait3A_63 = tpu.memref_slice %arg32[%add3A, %dma_wait3A_62] : memref<10240x32xf32, #tpu.memory_space<vmem_shared>> -> memref<64x32xf32, #tpu.memory_space<vmem_shared>>
        tpu.wait_dma2 semaphore(%run_scoped3A_57 : memref<!tpu.dma_semaphore, #tpu.memory_space<semaphore_mem>>) src(%arg12 : memref<64x32xf32, #tpu.memory_space<vmem>>) dst(%dma_wait3A_63 : memref<64x32xf32, #tpu.memory_space<vmem_shared>>)
        tpu.yield
      }) : () -> ()
    }
    %scan3A_26 = arith.constant 10 : i32
    %barrier3A = arith.constant 0 : index
    tpu.barrier barrier_id(%barrier3A)
    %scan3A_27 = arith.constant 0 : i32
    %scan3A_28 = arith.constant 0 : i32
    %scan3A_29 = arith.constant 160 : i32
    %scan3A_30 = arith.addi %scan3A_28, %scan3A_29 : i32
    %scan3A_31 = arith.constant 1 : i32
    scf.for %scan3A_54 = %scan3A_28 to %scan3A_30 step %scan3A_31  : i32 {
      %scan3A_55 = arith.constant 0 : i32
      %scan3A_56 = arith.constant 0 : i32
      %scan3A_57 = arith.constant 8 : i32
      %scan3A_58 = arith.addi %scan3A_56, %scan3A_57 : i32
      %scan3A_59 = arith.constant 1 : i32
      scf.for %scan3A_61 = %scan3A_56 to %scan3A_58 step %scan3A_59  : i32 {
        %mul3A_62 = arith.constant 16 : i32
        %mul3A_63 = arith.muli %scan3A_61, %mul3A_62 : i32
        %get3A_64 = arith.index_cast %scan3A_54 : i32 to index
        %get3A_65 = arith.index_cast %mul3A_63 : i32 to index
        %get3A_66 = tpu.vector_load %arg6[%get3A_64, %get3A_65] {strides = array<i32>} : memref<160x128xi32, #tpu.memory_space<vmem>>, vector<16xi32>,
        %get3A_67 = arith.index_cast %scan3A_54 : i32 to index
        %get3A_68 = arith.index_cast %mul3A_63 : i32 to index
        %get3A_69 = tpu.vector_load %arg7[%get3A_67, %get3A_68] {strides = array<i32>} : memref<160x128xi32, #tpu.memory_space<vmem>>, vector<16xi32>,
        %eq3A_70 = arith.cmpi eq, %get3A_66, %get3A_69 : vector<16xi32>
        %jit3A_71 = arith.constant 10000 : i32
        %broadcast_in_dim3A_72 = vector.broadcast %jit3A_71 : i32 to vector<16xi32>
        %select_n3A_73 = arith.select %eq3A_70, %broadcast_in_dim3A_72, %get3A_69 : vector<16xi1>, vector<16xi32>
        %swap3A = arith.index_cast %scan3A_54 : i32 to index
        %swap3A_74 = arith.index_cast %mul3A_63 : i32 to index
        %swap3A_75 = tpu.vector_load %arg7[%swap3A, %swap3A_74] {strides = array<i32>} : memref<160x128xi32, #tpu.memory_space<vmem>>, vector<16xi32>,
        tpu.vector_store %arg7[%swap3A, %swap3A_74], %select_n3A_73 {strides = array<i32>} : memref<160x128xi32, #tpu.memory_space<vmem>>, vector<16xi32>,
        %jit3A_76 = arith.constant 10000 : i32
        %broadcast_in_dim3A_77 = vector.broadcast %jit3A_76 : i32 to vector<16xi32>
        %select_n3A_78 = arith.select %eq3A_70, %broadcast_in_dim3A_77, %get3A_66 : vector<16xi1>, vector<16xi32>
        %swap3A_79 = arith.index_cast %scan3A_54 : i32 to index
        %swap3A_80 = arith.index_cast %mul3A_63 : i32 to index
        %swap3A_81 = tpu.vector_load %arg6[%swap3A_79, %swap3A_80] {strides = array<i32>} : memref<160x128xi32, #tpu.memory_space<vmem>>, vector<16xi32>,
        tpu.vector_store %arg6[%swap3A_79, %swap3A_80], %select_n3A_78 {strides = array<i32>} : memref<160x128xi32, #tpu.memory_space<vmem>>, vector<16xi32>,
      }
      %scan3A_60 = arith.constant 8 : i32
      "tpu.region"() ({
        %run_scoped3A_61 = tpu.sem_alloc : memref<!tpu.dma_semaphore, #tpu.memory_space<semaphore_mem>>
        %dma_start3A = arith.constant 0 : i32
        %dma_start3A_62 = tpu.memref_slice %arg6[%scan3A_54, %dma_start3A] : memref<160x128xi32, #tpu.memory_space<vmem>> -> memref<1x128xi32, #tpu.memory_space<vmem>>
        %dma_start3A_63 = tpu.memref_squeeze %dma_start3A_62 : memref<1x128xi32, #tpu.memory_space<vmem>> -> memref<128xi32, #tpu.memory_space<vmem>>
        %dma_start3A_64 = arith.constant 0 : i32
        %dma_start3A_65 = arith.constant 0 : i32
        %dma_start3A_66 = tpu.memref_slice %arg32[%dma_start3A_64, %dma_start3A_65] : memref<10240x32xf32, #tpu.memory_space<vmem_shared>> -> memref<10240x32xf32, #tpu.memory_space<vmem_shared>>
        tpu.enqueue_indirect_dma source(%arg8 : memref<128x32xf32, #tpu.memory_space<vmem>>) target(%dma_start3A_66 : memref<10240x32xf32, #tpu.memory_space<vmem_shared>>) offsets(%dma_start3A_63 : memref<128xi32, #tpu.memory_space<vmem>>) semaphore(%run_scoped3A_61 : memref<!tpu.dma_semaphore, #tpu.memory_space<semaphore_mem>>) {add = true}
        %dma_wait3A = arith.constant 0 : i32
        %dma_wait3A_67 = tpu.memref_slice %arg6[%scan3A_54, %dma_wait3A] : memref<160x128xi32, #tpu.memory_space<vmem>> -> memref<1x128xi32, #tpu.memory_space<vmem>>
        %dma_wait3A_68 = tpu.memref_squeeze %dma_wait3A_67 : memref<1x128xi32, #tpu.memory_space<vmem>> -> memref<128xi32, #tpu.memory_space<vmem>>
        %dma_wait3A_69 = arith.constant 0 : i32
        %dma_wait3A_70 = arith.constant 0 : i32
        %dma_wait3A_71 = tpu.memref_slice %arg32[%dma_wait3A_69, %dma_wait3A_70] : memref<10240x32xf32, #tpu.memory_space<vmem_shared>> -> memref<10240x32xf32, #tpu.memory_space<vmem_shared>>
        tpu.wait_indirect_dma semaphore(%run_scoped3A_61 : memref<!tpu.dma_semaphore, #tpu.memory_space<semaphore_mem>>) src(%arg8 : memref<128x32xf32, #tpu.memory_space<vmem>>) dst(%dma_wait3A_71 : memref<10240x32xf32, #tpu.memory_space<vmem_shared>>)
        tpu.yield
      }) : () -> ()
    }
    %scan3A_32 = arith.constant 160 : i32
    %barrier3A_33 = arith.constant 0 : index
    tpu.barrier barrier_id(%barrier3A_33)
    %scan3A_34 = arith.constant 0 : i32
    %scan3A_35 = arith.constant 0 : i32
    %scan3A_36 = arith.constant 10 : i32
    %scan3A_37 = arith.addi %scan3A_35, %scan3A_36 : i32
    %scan3A_38 = arith.constant 1 : i32
    scf.for %scan3A_54 = %scan3A_35 to %scan3A_37 step %scan3A_38  : i32 {
      %mul3A_55 = arith.constant 64 : i32
      %mul3A_56 = arith.muli %scan3A_54, %mul3A_55 : i32
      %add3A = arith.addi %mul3A_0, %mul3A_56 : i32
      "tpu.region"() ({
        %run_scoped3A_63 = tpu.sem_alloc : memref<!tpu.dma_semaphore, #tpu.memory_space<semaphore_mem>>
        %dma_start3A = arith.constant 0 : i32
        %dma_start3A_64 = tpu.memref_slice %arg32[%add3A, %dma_start3A] : memref<10240x32xf32, #tpu.memory_space<vmem_shared>> -> memref<64x32xf32, #tpu.memory_space<vmem_shared>>
        %dma_start3A_65 = arith.constant 0 : i32
        %dma_start3A_66 = tpu.memref_slice %arg32[%add3A, %dma_start3A_65] : memref<10240x32xf32, #tpu.memory_space<vmem_shared>> -> memref<64x32xf32, #tpu.memory_space<vmem_shared>>
        tpu.enqueue_dma source(%dma_start3A_66 : memref<64x32xf32, #tpu.memory_space<vmem_shared>>) target(%arg13 : memref<64x32xf32, #tpu.memory_space<vmem>>) target_semaphore(%run_scoped3A_63 : memref<!tpu.dma_semaphore, #tpu.memory_space<semaphore_mem>>)
        %dma_wait3A = arith.constant 0 : i32
        %dma_wait3A_67 = tpu.memref_slice %arg32[%add3A, %dma_wait3A] : memref<10240x32xf32, #tpu.memory_space<vmem_shared>> -> memref<64x32xf32, #tpu.memory_space<vmem_shared>>
        %dma_wait3A_68 = arith.constant 0 : i32
        %dma_wait3A_69 = tpu.memref_slice %arg32[%add3A, %dma_wait3A_68] : memref<10240x32xf32, #tpu.memory_space<vmem_shared>> -> memref<64x32xf32, #tpu.memory_space<vmem_shared>>
        tpu.wait_dma2 semaphore(%run_scoped3A_63 : memref<!tpu.dma_semaphore, #tpu.memory_space<semaphore_mem>>) src(%dma_wait3A_69 : memref<64x32xf32, #tpu.memory_space<vmem_shared>>) dst(%arg13 : memref<64x32xf32, #tpu.memory_space<vmem>>)
        tpu.yield
      }) : () -> ()
      %scan3A_57 = arith.constant 0 : i32
      %scan3A_58 = arith.constant 0 : i32
      %scan3A_59 = arith.constant 4 : i32
      %scan3A_60 = arith.addi %scan3A_58, %scan3A_59 : i32
      %scan3A_61 = arith.constant 1 : i32
      scf.for %scan3A_63 = %scan3A_58 to %scan3A_60 step %scan3A_61  : i32 {
        %mul3A_64 = arith.constant 16 : i32
        %mul3A_65 = arith.muli %mul3A_64, %scan3A_63 : i32
        %add3A_66 = vector.broadcast %mul3A_65 : i32 to vector<16xi32>
        %add3A_67 = arith.addi %iota3A, %add3A_66 : vector<16xi32>
        %gather3A = tpu.vector_load_idx %arg13[%add3A_67, %broadcast_in_dim3A_3] : memref<64x32xf32, #tpu.memory_space<vmem>>[vector<16xi32>, vector<16xi32>], vector<16xf32>,
        %bitcast3A = vector.bitcast %gather3A : vector<16xf32> to vector<16xi32>
        %shift_right_arithmetic3A = arith.constant 1 : i32
        %shift_right_arithmetic3A_68 = vector.broadcast %shift_right_arithmetic3A : i32 to vector<16xi32>
        %shift_right_arithmetic3A_69 = arith.shrsi %bitcast3A, %shift_right_arithmetic3A_68 : vector<16xi32>
        %sub3A = arith.constant 1597463007 : i32
        %sub3A_70 = vector.broadcast %sub3A : i32 to vector<16xi32>
        %sub3A_71 = arith.subi %sub3A_70, %shift_right_arithmetic3A_69 : vector<16xi32>
        %bitcast3A_72 = vector.bitcast %sub3A_71 : vector<16xi32> to vector<16xf32>
        %mul3A_73 = arith.constant 5.000000e-01 : f32
        %mul3A_74 = vector.broadcast %mul3A_73 : f32 to vector<16xf32>
        %mul3A_75 = arith.mulf %mul3A_74, %gather3A : vector<16xf32>
        %mul3A_76 = arith.mulf %mul3A_75, %bitcast3A_72 : vector<16xf32>
        %mul3A_77 = arith.mulf %mul3A_76, %bitcast3A_72 : vector<16xf32>
        %sub3A_78 = arith.constant 1.500000e+00 : f32
        %sub3A_79 = vector.broadcast %sub3A_78 : f32 to vector<16xf32>
        %sub3A_80 = arith.subf %sub3A_79, %mul3A_77 : vector<16xf32>
        %mul3A_81 = arith.mulf %bitcast3A_72, %sub3A_80 : vector<16xf32>
        %mul3A_82 = arith.constant 5.000000e-01 : f32
        %mul3A_83 = vector.broadcast %mul3A_82 : f32 to vector<16xf32>
        %mul3A_84 = arith.mulf %mul3A_83, %gather3A : vector<16xf32>
        %mul3A_85 = arith.mulf %mul3A_84, %mul3A_81 : vector<16xf32>
        %mul3A_86 = arith.mulf %mul3A_85, %mul3A_81 : vector<16xf32>
        %sub3A_87 = arith.constant 1.500000e+00 : f32
        %sub3A_88 = vector.broadcast %sub3A_87 : f32 to vector<16xf32>
        %sub3A_89 = arith.subf %sub3A_88, %mul3A_86 : vector<16xf32>
        %mul3A_90 = arith.mulf %mul3A_81, %sub3A_89 : vector<16xf32>
        %mul3A_91 = arith.constant 5.000000e-01 : f32
        %mul3A_92 = vector.broadcast %mul3A_91 : f32 to vector<16xf32>
        %mul3A_93 = arith.mulf %mul3A_92, %gather3A : vector<16xf32>
        %mul3A_94 = arith.mulf %mul3A_93, %mul3A_90 : vector<16xf32>
        %mul3A_95 = arith.mulf %mul3A_94, %mul3A_90 : vector<16xf32>
        %sub3A_96 = arith.constant 1.500000e+00 : f32
        %sub3A_97 = vector.broadcast %sub3A_96 : f32 to vector<16xf32>
        %sub3A_98 = arith.subf %sub3A_97, %mul3A_95 : vector<16xf32>
        %mul3A_99 = arith.mulf %mul3A_90, %sub3A_98 : vector<16xf32>
        %gt3A = arith.constant 5.000000e-01 : f32
        %gt3A_100 = vector.broadcast %gt3A : f32 to vector<16xf32>
        %gt3A_101 = arith.cmpf ogt, %gather3A, %gt3A_100 : vector<16xf32>
        %jit3A_102 = arith.constant 0.000000e+00 : f32
        %broadcast_in_dim3A_103 = vector.broadcast %jit3A_102 : f32 to vector<16xf32>
        %select_n3A_104 = arith.select %gt3A_101, %mul3A_99, %broadcast_in_dim3A_103 : vector<16xi1>, vector<16xf32>
        %mul3A_105 = arith.constant 64 : i32
        %mul3A_106 = arith.muli %scan3A_54, %mul3A_105 : i32
        %mul3A_107 = arith.constant 16 : i32
        %mul3A_108 = arith.muli %scan3A_63, %mul3A_107 : i32
        %add3A_109 = arith.addi %mul3A_106, %mul3A_108 : i32
        %swap3A = arith.index_cast %add3A_109 : i32 to index
        %swap3A_110 = tpu.vector_load %arg16[%swap3A] {strides = array<i32>} : memref<640xf32, #tpu.memory_space<vmem>>, vector<16xf32>,
        tpu.vector_store %arg16[%swap3A], %select_n3A_104 {strides = array<i32>} : memref<640xf32, #tpu.memory_space<vmem>>, vector<16xf32>,
      }
      %scan3A_62 = arith.constant 4 : i32
    }
    %scan3A_39 = arith.constant 10 : i32
    %get3A = arith.constant 16 : index
    %get3A_40 = tpu.vector_load %arg17[%get3A] {strides = array<i32>} : memref<32xf32, #tpu.memory_space<vmem>>, vector<16xf32>,
    %scan3A_41 = arith.constant 0 : i32
    %scan3A_42 = arith.constant 0 : i32
    %scan3A_43 = arith.constant 10 : i32
    %scan3A_44 = arith.addi %scan3A_42, %scan3A_43 : i32
    %scan3A_45 = arith.constant 1 : i32
    scf.for %scan3A_54 = %scan3A_42 to %scan3A_44 step %scan3A_45  : i32 {
      %mul3A_55 = arith.constant 64 : i32
      %mul3A_56 = arith.muli %scan3A_54, %mul3A_55 : i32
      %add3A = arith.addi %mul3A_0, %mul3A_56 : i32
      "tpu.region"() ({
        %run_scoped3A_63 = tpu.sem_alloc : memref<!tpu.dma_semaphore, #tpu.memory_space<semaphore_mem>>
        %dma_start3A = arith.constant 0 : i32
        %dma_start3A_64 = tpu.memref_slice %arg2[%arg0, %add3A, %dma_start3A] : memref<2x10240x32xf32, #tpu.memory_space<hbm>> -> memref<1x64x32xf32, #tpu.memory_space<hbm>>
        %dma_start3A_65 = tpu.memref_squeeze %dma_start3A_64 : memref<1x64x32xf32, #tpu.memory_space<hbm>> -> memref<64x32xf32, #tpu.memory_space<hbm>>
        %dma_start3A_66 = arith.constant 0 : i32
        %dma_start3A_67 = tpu.memref_slice %arg2[%arg0, %add3A, %dma_start3A_66] : memref<2x10240x32xf32, #tpu.memory_space<hbm>> -> memref<1x64x32xf32, #tpu.memory_space<hbm>>
        %dma_start3A_68 = tpu.memref_squeeze %dma_start3A_67 : memref<1x64x32xf32, #tpu.memory_space<hbm>> -> memref<64x32xf32, #tpu.memory_space<hbm>>
        tpu.enqueue_dma source(%dma_start3A_68 : memref<64x32xf32, #tpu.memory_space<hbm>>) target(%arg13 : memref<64x32xf32, #tpu.memory_space<vmem>>) target_semaphore(%run_scoped3A_63 : memref<!tpu.dma_semaphore, #tpu.memory_space<semaphore_mem>>)
        %dma_wait3A = arith.constant 0 : i32
        %dma_wait3A_69 = tpu.memref_slice %arg2[%arg0, %add3A, %dma_wait3A] : memref<2x10240x32xf32, #tpu.memory_space<hbm>> -> memref<1x64x32xf32, #tpu.memory_space<hbm>>
        %dma_wait3A_70 = tpu.memref_squeeze %dma_wait3A_69 : memref<1x64x32xf32, #tpu.memory_space<hbm>> -> memref<64x32xf32, #tpu.memory_space<hbm>>
        %dma_wait3A_71 = arith.constant 0 : i32
        %dma_wait3A_72 = tpu.memref_slice %arg2[%arg0, %add3A, %dma_wait3A_71] : memref<2x10240x32xf32, #tpu.memory_space<hbm>> -> memref<1x64x32xf32, #tpu.memory_space<hbm>>
        %dma_wait3A_73 = tpu.memref_squeeze %dma_wait3A_72 : memref<1x64x32xf32, #tpu.memory_space<hbm>> -> memref<64x32xf32, #tpu.memory_space<hbm>>
        tpu.wait_dma2 semaphore(%run_scoped3A_63 : memref<!tpu.dma_semaphore, #tpu.memory_space<semaphore_mem>>) src(%dma_wait3A_73 : memref<64x32xf32, #tpu.memory_space<hbm>>) dst(%arg13 : memref<64x32xf32, #tpu.memory_space<vmem>>)
        tpu.yield
      }) : () -> ()
      %scan3A_57 = arith.constant 0 : i32
      %scan3A_58 = arith.constant 0 : i32
      %scan3A_59 = arith.constant 64 : i32
      %scan3A_60 = arith.addi %scan3A_58, %scan3A_59 : i32
      %scan3A_61 = arith.constant 1 : i32
      scf.for %scan3A_63 = %scan3A_58 to %scan3A_60 step %scan3A_61  : i32 {
        %mul3A_64 = arith.constant 64 : i32
        %mul3A_65 = arith.muli %scan3A_54, %mul3A_64 : i32
        %add3A_66 = arith.addi %mul3A_65, %scan3A_63 : i32
        %broadcast_in_dim3A_67 = vector.broadcast %add3A_66 : i32 to vector<16xi32>
        %gather3A = tpu.vector_load_idx %arg16[%broadcast_in_dim3A_67] : memref<640xf32, #tpu.memory_space<vmem>>[vector<16xi32>], vector<16xf32>,
        %get3A_68 = arith.index_cast %scan3A_63 : i32 to index
        %get3A_69 = arith.constant 0 : index
        %get3A_70 = tpu.vector_load %arg13[%get3A_68, %get3A_69] {strides = array<i32>} : memref<64x32xf32, #tpu.memory_space<vmem>>, vector<16xf32>,
        %get3A_71 = arith.index_cast %scan3A_63 : i32 to index
        %get3A_72 = arith.constant 16 : index
        %get3A_73 = tpu.vector_load %arg13[%get3A_71, %get3A_72] {strides = array<i32>} : memref<64x32xf32, #tpu.memory_space<vmem>>, vector<16xf32>,
        %mul3A_74 = arith.mulf %get3A_40, %get3A_70 : vector<16xf32>
        %mul3A_75 = arith.constant 64 : i32
        %mul3A_76 = arith.muli %scan3A_54, %mul3A_75 : i32
        %add3A_77 = arith.addi %mul3A_76, %scan3A_63 : i32
        %swap3A = arith.index_cast %add3A_77 : i32 to index
        %swap3A_78 = arith.constant 0 : index
        %swap3A_79 = tpu.vector_load %arg15[%swap3A, %swap3A_78] {strides = array<i32>} : memref<640x32xf32, #tpu.memory_space<vmem>>, vector<16xf32>,
        tpu.vector_store %arg15[%swap3A, %swap3A_78], %mul3A_74 {strides = array<i32>} : memref<640x32xf32, #tpu.memory_space<vmem>>, vector<16xf32>,
        %mul3A_80 = arith.mulf %get3A_40, %get3A_73 : vector<16xf32>
        %mul3A_81 = arith.constant 64 : i32
        %mul3A_82 = arith.muli %scan3A_54, %mul3A_81 : i32
        %add3A_83 = arith.addi %mul3A_82, %scan3A_63 : i32
        %swap3A_84 = arith.index_cast %add3A_83 : i32 to index
        %swap3A_85 = arith.constant 16 : index
        %swap3A_86 = tpu.vector_load %arg15[%swap3A_84, %swap3A_85] {strides = array<i32>} : memref<640x32xf32, #tpu.memory_space<vmem>>, vector<16xf32>,
        tpu.vector_store %arg15[%swap3A_84, %swap3A_85], %mul3A_80 {strides = array<i32>} : memref<640x32xf32, #tpu.memory_space<vmem>>, vector<16xf32>,
        %mul3A_87 = arith.mulf %gather3A, %get3A_70 : vector<16xf32>
        %swap3A_88 = arith.index_cast %scan3A_63 : i32 to index
        %swap3A_89 = arith.constant 0 : index
        %swap3A_90 = tpu.vector_load %arg13[%swap3A_88, %swap3A_89] {strides = array<i32>} : memref<64x32xf32, #tpu.memory_space<vmem>>, vector<16xf32>,
        tpu.vector_store %arg13[%swap3A_88, %swap3A_89], %mul3A_87 {strides = array<i32>} : memref<64x32xf32, #tpu.memory_space<vmem>>, vector<16xf32>,
        %mul3A_91 = arith.mulf %gather3A, %get3A_73 : vector<16xf32>
        %swap3A_92 = arith.index_cast %scan3A_63 : i32 to index
        %swap3A_93 = arith.constant 16 : index
        %swap3A_94 = tpu.vector_load %arg13[%swap3A_92, %swap3A_93] {strides = array<i32>} : memref<64x32xf32, #tpu.memory_space<vmem>>, vector<16xf32>,
        tpu.vector_store %arg13[%swap3A_92, %swap3A_93], %mul3A_91 {strides = array<i32>} : memref<64x32xf32, #tpu.memory_space<vmem>>, vector<16xf32>,
      }
      %scan3A_62 = arith.constant 64 : i32
      "tpu.region"() ({
        %run_scoped3A_63 = tpu.sem_alloc : memref<!tpu.dma_semaphore, #tpu.memory_space<semaphore_mem>>
        %dma_start3A = arith.constant 0 : i32
        %dma_start3A_64 = tpu.memref_slice %arg31[%add3A, %dma_start3A] : memref<10240x32xf32, #tpu.memory_space<vmem_shared>> -> memref<64x32xf32, #tpu.memory_space<vmem_shared>>
        %dma_start3A_65 = arith.constant 0 : i32
        %dma_start3A_66 = tpu.memref_slice %arg31[%add3A, %dma_start3A_65] : memref<10240x32xf32, #tpu.memory_space<vmem_shared>> -> memref<64x32xf32, #tpu.memory_space<vmem_shared>>
        tpu.enqueue_dma source(%arg13 : memref<64x32xf32, #tpu.memory_space<vmem>>) target(%dma_start3A_66 : memref<64x32xf32, #tpu.memory_space<vmem_shared>>) target_semaphore(%run_scoped3A_63 : memref<!tpu.dma_semaphore, #tpu.memory_space<semaphore_mem>>)
        %dma_wait3A = arith.constant 0 : i32
        %dma_wait3A_67 = tpu.memref_slice %arg31[%add3A, %dma_wait3A] : memref<10240x32xf32, #tpu.memory_space<vmem_shared>> -> memref<64x32xf32, #tpu.memory_space<vmem_shared>>
        %dma_wait3A_68 = arith.constant 0 : i32
        %dma_wait3A_69 = tpu.memref_slice %arg31[%add3A, %dma_wait3A_68] : memref<10240x32xf32, #tpu.memory_space<vmem_shared>> -> memref<64x32xf32, #tpu.memory_space<vmem_shared>>
        tpu.wait_dma2 semaphore(%run_scoped3A_63 : memref<!tpu.dma_semaphore, #tpu.memory_space<semaphore_mem>>) src(%arg13 : memref<64x32xf32, #tpu.memory_space<vmem>>) dst(%dma_wait3A_69 : memref<64x32xf32, #tpu.memory_space<vmem_shared>>)
        tpu.yield
      }) : () -> ()
      "tpu.region"() ({
        %run_scoped3A_63 = tpu.sem_alloc : memref<!tpu.dma_semaphore, #tpu.memory_space<semaphore_mem>>
        %dma_start3A = arith.constant 0 : i32
        %dma_start3A_64 = tpu.memref_slice %arg32[%add3A, %dma_start3A] : memref<10240x32xf32, #tpu.memory_space<vmem_shared>> -> memref<64x32xf32, #tpu.memory_space<vmem_shared>>
        %dma_start3A_65 = arith.constant 0 : i32
        %dma_start3A_66 = tpu.memref_slice %arg32[%add3A, %dma_start3A_65] : memref<10240x32xf32, #tpu.memory_space<vmem_shared>> -> memref<64x32xf32, #tpu.memory_space<vmem_shared>>
        tpu.enqueue_dma source(%arg12 : memref<64x32xf32, #tpu.memory_space<vmem>>) target(%dma_start3A_66 : memref<64x32xf32, #tpu.memory_space<vmem_shared>>) target_semaphore(%run_scoped3A_63 : memref<!tpu.dma_semaphore, #tpu.memory_space<semaphore_mem>>)
        %dma_wait3A = arith.constant 0 : i32
        %dma_wait3A_67 = tpu.memref_slice %arg32[%add3A, %dma_wait3A] : memref<10240x32xf32, #tpu.memory_space<vmem_shared>> -> memref<64x32xf32, #tpu.memory_space<vmem_shared>>
        %dma_wait3A_68 = arith.constant 0 : i32
        %dma_wait3A_69 = tpu.memref_slice %arg32[%add3A, %dma_wait3A_68] : memref<10240x32xf32, #tpu.memory_space<vmem_shared>> -> memref<64x32xf32, #tpu.memory_space<vmem_shared>>
        tpu.wait_dma2 semaphore(%run_scoped3A_63 : memref<!tpu.dma_semaphore, #tpu.memory_space<semaphore_mem>>) src(%arg12 : memref<64x32xf32, #tpu.memory_space<vmem>>) dst(%dma_wait3A_69 : memref<64x32xf32, #tpu.memory_space<vmem_shared>>)
        tpu.yield
      }) : () -> ()
    }
    %scan3A_46 = arith.constant 10 : i32
    %barrier3A_47 = arith.constant 0 : index
    tpu.barrier barrier_id(%barrier3A_47)
    %scan3A_48 = arith.constant 0 : i32
    %scan3A_49 = arith.constant 1 : i32
    %scan3A_50 = arith.constant 10 : i32
    %scan3A_51 = arith.addi %scan3A_49, %scan3A_50 : i32
    %scan3A_52 = arith.constant 1 : i32
    scf.for %scan3A_54 = %scan3A_49 to %scan3A_51 step %scan3A_52  : i32 {
      %dma_start3A = arith.constant 0 : i32
      %dma_start3A_55 = arith.constant 0 : i32
      %dma_start3A_56 = tpu.memref_slice %arg6[%dma_start3A, %dma_start3A_55] : memref<160x128xi32, #tpu.memory_space<vmem>> -> memref<1x128xi32, #tpu.memory_space<vmem>>
      %dma_start3A_57 = tpu.memref_squeeze %dma_start3A_56 : memref<1x128xi32, #tpu.memory_space<vmem>> -> memref<128xi32, #tpu.memory_space<vmem>>
      %dma_start3A_58 = arith.constant 0 : i32
      %dma_start3A_59 = arith.constant 0 : i32
      %dma_start3A_60 = tpu.memref_slice %arg31[%dma_start3A_58, %dma_start3A_59] : memref<10240x32xf32, #tpu.memory_space<vmem_shared>> -> memref<10240x32xf32, #tpu.memory_space<vmem_shared>>
      tpu.enqueue_indirect_dma source(%dma_start3A_60 : memref<10240x32xf32, #tpu.memory_space<vmem_shared>>) target(%arg8 : memref<128x32xf32, #tpu.memory_space<vmem>>) offsets(%dma_start3A_57 : memref<128xi32, #tpu.memory_space<vmem>>) semaphore(%arg18 : memref<!tpu.dma_semaphore, #tpu.memory_space<semaphore_mem>>)
      %dma_start3A_61 = arith.constant 1 : i32
      %dma_start3A_62 = arith.constant 0 : i32
      %dma_start3A_63 = tpu.memref_slice %arg6[%dma_start3A_61, %dma_start3A_62] : memref<160x128xi32, #tpu.memory_space<vmem>> -> memref<1x128xi32, #tpu.memory_space<vmem>>
      %dma_start3A_64 = tpu.memref_squeeze %dma_start3A_63 : memref<1x128xi32, #tpu.memory_space<vmem>> -> memref<128xi32, #tpu.memory_space<vmem>>
      %dma_start3A_65 = arith.constant 0 : i32
      %dma_start3A_66 = arith.constant 0 : i32
      %dma_start3A_67 = tpu.memref_slice %arg31[%dma_start3A_65, %dma_start3A_66] : memref<10240x32xf32, #tpu.memory_space<vmem_shared>> -> memref<10240x32xf32, #tpu.memory_space<vmem_shared>>
      tpu.enqueue_indirect_dma source(%dma_start3A_67 : memref<10240x32xf32, #tpu.memory_space<vmem_shared>>) target(%arg9 : memref<128x32xf32, #tpu.memory_space<vmem>>) offsets(%dma_start3A_64 : memref<128xi32, #tpu.memory_space<vmem>>) semaphore(%arg19 : memref<!tpu.dma_semaphore, #tpu.memory_space<semaphore_mem>>)
      %dma_wait3A = arith.constant 0 : i32
      %dma_wait3A_68 = arith.constant 0 : i32
      %dma_wait3A_69 = tpu.memref_slice %arg6[%dma_wait3A, %dma_wait3A_68] : memref<160x128xi32, #tpu.memory_space<vmem>> -> memref<1x128xi32, #tpu.memory_space<vmem>>
      %dma_wait3A_70 = tpu.memref_squeeze %dma_wait3A_69 : memref<1x128xi32, #tpu.memory_space<vmem>> -> memref<128xi32, #tpu.memory_space<vmem>>
      %dma_wait3A_71 = arith.constant 0 : i32
      %dma_wait3A_72 = arith.constant 0 : i32
      %dma_wait3A_73 = tpu.memref_slice %arg31[%dma_wait3A_71, %dma_wait3A_72] : memref<10240x32xf32, #tpu.memory_space<vmem_shared>> -> memref<10240x32xf32, #tpu.memory_space<vmem_shared>>
      tpu.wait_indirect_dma semaphore(%arg18 : memref<!tpu.dma_semaphore, #tpu.memory_space<semaphore_mem>>) src(%dma_wait3A_73 : memref<10240x32xf32, #tpu.memory_space<vmem_shared>>) dst(%arg8 : memref<128x32xf32, #tpu.memory_space<vmem>>)
      %dma_start3A_74 = arith.constant 0 : i32
      %dma_start3A_75 = arith.constant 0 : i32
      %dma_start3A_76 = tpu.memref_slice %arg7[%dma_start3A_74, %dma_start3A_75] : memref<160x128xi32, #tpu.memory_space<vmem>> -> memref<1x128xi32, #tpu.memory_space<vmem>>
      %dma_start3A_77 = tpu.memref_squeeze %dma_start3A_76 : memref<1x128xi32, #tpu.memory_space<vmem>> -> memref<128xi32, #tpu.memory_space<vmem>>
      %dma_start3A_78 = arith.constant 0 : i32
      %dma_start3A_79 = arith.constant 0 : i32
      %dma_start3A_80 = tpu.memref_slice %arg32[%dma_start3A_78, %dma_start3A_79] : memref<10240x32xf32, #tpu.memory_space<vmem_shared>> -> memref<10240x32xf32, #tpu.memory_space<vmem_shared>>
      tpu.enqueue_indirect_dma source(%arg8 : memref<128x32xf32, #tpu.memory_space<vmem>>) target(%dma_start3A_80 : memref<10240x32xf32, #tpu.memory_space<vmem_shared>>) offsets(%dma_start3A_77 : memref<128xi32, #tpu.memory_space<vmem>>) semaphore(%arg22 : memref<!tpu.dma_semaphore, #tpu.memory_space<semaphore_mem>>) {add = true}
      %dma_start3A_81 = arith.constant 2 : i32
      %dma_start3A_82 = arith.constant 0 : i32
      %dma_start3A_83 = tpu.memref_slice %arg6[%dma_start3A_81, %dma_start3A_82] : memref<160x128xi32, #tpu.memory_space<vmem>> -> memref<1x128xi32, #tpu.memory_space<vmem>>
      %dma_start3A_84 = tpu.memref_squeeze %dma_start3A_83 : memref<1x128xi32, #tpu.memory_space<vmem>> -> memref<128xi32, #tpu.memory_space<vmem>>
      %dma_start3A_85 = arith.constant 0 : i32
      %dma_start3A_86 = arith.constant 0 : i32
      %dma_start3A_87 = tpu.memref_slice %arg31[%dma_start3A_85, %dma_start3A_86] : memref<10240x32xf32, #tpu.memory_space<vmem_shared>> -> memref<10240x32xf32, #tpu.memory_space<vmem_shared>>
      tpu.enqueue_indirect_dma source(%dma_start3A_87 : memref<10240x32xf32, #tpu.memory_space<vmem_shared>>) target(%arg10 : memref<128x32xf32, #tpu.memory_space<vmem>>) offsets(%dma_start3A_84 : memref<128xi32, #tpu.memory_space<vmem>>) semaphore(%arg20 : memref<!tpu.dma_semaphore, #tpu.memory_space<semaphore_mem>>)
      %dma_wait3A_88 = arith.constant 1 : i32
      %dma_wait3A_89 = arith.constant 0 : i32
      %dma_wait3A_90 = tpu.memref_slice %arg6[%dma_wait3A_88, %dma_wait3A_89] : memref<160x128xi32, #tpu.memory_space<vmem>> -> memref<1x128xi32, #tpu.memory_space<vmem>>
      %dma_wait3A_91 = tpu.memref_squeeze %dma_wait3A_90 : memref<1x128xi32, #tpu.memory_space<vmem>> -> memref<128xi32, #tpu.memory_space<vmem>>
      %dma_wait3A_92 = arith.constant 0 : i32
      %dma_wait3A_93 = arith.constant 0 : i32
      %dma_wait3A_94 = tpu.memref_slice %arg31[%dma_wait3A_92, %dma_wait3A_93] : memref<10240x32xf32, #tpu.memory_space<vmem_shared>> -> memref<10240x32xf32, #tpu.memory_space<vmem_shared>>
      tpu.wait_indirect_dma semaphore(%arg19 : memref<!tpu.dma_semaphore, #tpu.memory_space<semaphore_mem>>) src(%dma_wait3A_94 : memref<10240x32xf32, #tpu.memory_space<vmem_shared>>) dst(%arg9 : memref<128x32xf32, #tpu.memory_space<vmem>>)
      %dma_start3A_95 = arith.constant 1 : i32
      %dma_start3A_96 = arith.constant 0 : i32
      %dma_start3A_97 = tpu.memref_slice %arg7[%dma_start3A_95, %dma_start3A_96] : memref<160x128xi32, #tpu.memory_space<vmem>> -> memref<1x128xi32, #tpu.memory_space<vmem>>
      %dma_start3A_98 = tpu.memref_squeeze %dma_start3A_97 : memref<1x128xi32, #tpu.memory_space<vmem>> -> memref<128xi32, #tpu.memory_space<vmem>>
      %dma_start3A_99 = arith.constant 0 : i32
      %dma_start3A_100 = arith.constant 0 : i32
      %dma_start3A_101 = tpu.memref_slice %arg32[%dma_start3A_99, %dma_start3A_100] : memref<10240x32xf32, #tpu.memory_space<vmem_shared>> -> memref<10240x32xf32, #tpu.memory_space<vmem_shared>>
      tpu.enqueue_indirect_dma source(%arg9 : memref<128x32xf32, #tpu.memory_space<vmem>>) target(%dma_start3A_101 : memref<10240x32xf32, #tpu.memory_space<vmem_shared>>) offsets(%dma_start3A_98 : memref<128xi32, #tpu.memory_space<vmem>>) semaphore(%arg23 : memref<!tpu.dma_semaphore, #tpu.memory_space<semaphore_mem>>) {add = true}
      %dma_start3A_102 = arith.constant 3 : i32
      %dma_start3A_103 = arith.constant 0 : i32
      %dma_start3A_104 = tpu.memref_slice %arg6[%dma_start3A_102, %dma_start3A_103] : memref<160x128xi32, #tpu.memory_space<vmem>> -> memref<1x128xi32, #tpu.memory_space<vmem>>
      %dma_start3A_105 = tpu.memref_squeeze %dma_start3A_104 : memref<1x128xi32, #tpu.memory_space<vmem>> -> memref<128xi32, #tpu.memory_space<vmem>>
      %dma_start3A_106 = arith.constant 0 : i32
      %dma_start3A_107 = arith.constant 0 : i32
      %dma_start3A_108 = tpu.memref_slice %arg31[%dma_start3A_106, %dma_start3A_107] : memref<10240x32xf32, #tpu.memory_space<vmem_shared>> -> memref<10240x32xf32, #tpu.memory_space<vmem_shared>>
      tpu.enqueue_indirect_dma source(%dma_start3A_108 : memref<10240x32xf32, #tpu.memory_space<vmem_shared>>) target(%arg11 : memref<128x32xf32, #tpu.memory_space<vmem>>) offsets(%dma_start3A_105 : memref<128xi32, #tpu.memory_space<vmem>>) semaphore(%arg21 : memref<!tpu.dma_semaphore, #tpu.memory_space<semaphore_mem>>)
      %dma_wait3A_109 = arith.constant 2 : i32
      %dma_wait3A_110 = arith.constant 0 : i32
      %dma_wait3A_111 = tpu.memref_slice %arg6[%dma_wait3A_109, %dma_wait3A_110] : memref<160x128xi32, #tpu.memory_space<vmem>> -> memref<1x128xi32, #tpu.memory_space<vmem>>
      %dma_wait3A_112 = tpu.memref_squeeze %dma_wait3A_111 : memref<1x128xi32, #tpu.memory_space<vmem>> -> memref<128xi32, #tpu.memory_space<vmem>>
      %dma_wait3A_113 = arith.constant 0 : i32
      %dma_wait3A_114 = arith.constant 0 : i32
      %dma_wait3A_115 = tpu.memref_slice %arg31[%dma_wait3A_113, %dma_wait3A_114] : memref<10240x32xf32, #tpu.memory_space<vmem_shared>> -> memref<10240x32xf32, #tpu.memory_space<vmem_shared>>
      tpu.wait_indirect_dma semaphore(%arg20 : memref<!tpu.dma_semaphore, #tpu.memory_space<semaphore_mem>>) src(%dma_wait3A_115 : memref<10240x32xf32, #tpu.memory_space<vmem_shared>>) dst(%arg10 : memref<128x32xf32, #tpu.memory_space<vmem>>)
      %dma_start3A_116 = arith.constant 2 : i32
      %dma_start3A_117 = arith.constant 0 : i32
      %dma_start3A_118 = tpu.memref_slice %arg7[%dma_start3A_116, %dma_start3A_117] : memref<160x128xi32, #tpu.memory_space<vmem>> -> memref<1x128xi32, #tpu.memory_space<vmem>>
      %dma_start3A_119 = tpu.memref_squeeze %dma_start3A_118 : memref<1x128xi32, #tpu.memory_space<vmem>> -> memref<128xi32, #tpu.memory_space<vmem>>
      %dma_start3A_120 = arith.constant 0 : i32
      %dma_start3A_121 = arith.constant 0 : i32
      %dma_start3A_122 = tpu.memref_slice %arg32[%dma_start3A_120, %dma_start3A_121] : memref<10240x32xf32, #tpu.memory_space<vmem_shared>> -> memref<10240x32xf32, #tpu.memory_space<vmem_shared>>
      tpu.enqueue_indirect_dma source(%arg10 : memref<128x32xf32, #tpu.memory_space<vmem>>) target(%dma_start3A_122 : memref<10240x32xf32, #tpu.memory_space<vmem_shared>>) offsets(%dma_start3A_119 : memref<128xi32, #tpu.memory_space<vmem>>) semaphore(%arg24 : memref<!tpu.dma_semaphore, #tpu.memory_space<semaphore_mem>>) {add = true}
      %dma_wait3A_123 = arith.constant 0 : i32
      %dma_wait3A_124 = arith.constant 0 : i32
      %dma_wait3A_125 = tpu.memref_slice %arg7[%dma_wait3A_123, %dma_wait3A_124] : memref<160x128xi32, #tpu.memory_space<vmem>> -> memref<1x128xi32, #tpu.memory_space<vmem>>
      %dma_wait3A_126 = tpu.memref_squeeze %dma_wait3A_125 : memref<1x128xi32, #tpu.memory_space<vmem>> -> memref<128xi32, #tpu.memory_space<vmem>>
      %dma_wait3A_127 = arith.constant 0 : i32
      %dma_wait3A_128 = arith.constant 0 : i32
      %dma_wait3A_129 = tpu.memref_slice %arg32[%dma_wait3A_127, %dma_wait3A_128] : memref<10240x32xf32, #tpu.memory_space<vmem_shared>> -> memref<10240x32xf32, #tpu.memory_space<vmem_shared>>
      tpu.wait_indirect_dma semaphore(%arg22 : memref<!tpu.dma_semaphore, #tpu.memory_space<semaphore_mem>>) src(%arg8 : memref<128x32xf32, #tpu.memory_space<vmem>>) dst(%dma_wait3A_129 : memref<10240x32xf32, #tpu.memory_space<vmem_shared>>)
      %dma_start3A_130 = arith.constant 4 : i32
      %dma_start3A_131 = arith.constant 0 : i32
      %dma_start3A_132 = tpu.memref_slice %arg6[%dma_start3A_130, %dma_start3A_131] : memref<160x128xi32, #tpu.memory_space<vmem>> -> memref<1x128xi32, #tpu.memory_space<vmem>>
      %dma_start3A_133 = tpu.memref_squeeze %dma_start3A_132 : memref<1x128xi32, #tpu.memory_space<vmem>> -> memref<128xi32, #tpu.memory_space<vmem>>
      %dma_start3A_134 = arith.constant 0 : i32
      %dma_start3A_135 = arith.constant 0 : i32
      %dma_start3A_136 = tpu.memref_slice %arg31[%dma_start3A_134, %dma_start3A_135] : memref<10240x32xf32, #tpu.memory_space<vmem_shared>> -> memref<10240x32xf32, #tpu.memory_space<vmem_shared>>
      tpu.enqueue_indirect_dma source(%dma_start3A_136 : memref<10240x32xf32, #tpu.memory_space<vmem_shared>>) target(%arg8 : memref<128x32xf32, #tpu.memory_space<vmem>>) offsets(%dma_start3A_133 : memref<128xi32, #tpu.memory_space<vmem>>) semaphore(%arg18 : memref<!tpu.dma_semaphore, #tpu.memory_space<semaphore_mem>>)
      %dma_wait3A_137 = arith.constant 3 : i32
      %dma_wait3A_138 = arith.constant 0 : i32
      %dma_wait3A_139 = tpu.memref_slice %arg6[%dma_wait3A_137, %dma_wait3A_138] : memref<160x128xi32, #tpu.memory_space<vmem>> -> memref<1x128xi32, #tpu.memory_space<vmem>>
      %dma_wait3A_140 = tpu.memref_squeeze %dma_wait3A_139 : memref<1x128xi32, #tpu.memory_space<vmem>> -> memref<128xi32, #tpu.memory_space<vmem>>
      %dma_wait3A_141 = arith.constant 0 : i32
      %dma_wait3A_142 = arith.constant 0 : i32
      %dma_wait3A_143 = tpu.memref_slice %arg31[%dma_wait3A_141, %dma_wait3A_142] : memref<10240x32xf32, #tpu.memory_space<vmem_shared>> -> memref<10240x32xf32, #tpu.memory_space<vmem_shared>>
      tpu.wait_indirect_dma semaphore(%arg21 : memref<!tpu.dma_semaphore, #tpu.memory_space<semaphore_mem>>) src(%dma_wait3A_143 : memref<10240x32xf32, #tpu.memory_space<vmem_shared>>) dst(%arg11 : memref<128x32xf32, #tpu.memory_space<vmem>>)
      %dma_start3A_144 = arith.constant 3 : i32
      %dma_start3A_145 = arith.constant 0 : i32
      %dma_start3A_146 = tpu.memref_slice %arg7[%dma_start3A_144, %dma_start3A_145] : memref<160x128xi32, #tpu.memory_space<vmem>> -> memref<1x128xi32, #tpu.memory_space<vmem>>
      %dma_start3A_147 = tpu.memref_squeeze %dma_start3A_146 : memref<1x128xi32, #tpu.memory_space<vmem>> -> memref<128xi32, #tpu.memory_space<vmem>>
      %dma_start3A_148 = arith.constant 0 : i32
      %dma_start3A_149 = arith.constant 0 : i32
      %dma_start3A_150 = tpu.memref_slice %arg32[%dma_start3A_148, %dma_start3A_149] : memref<10240x32xf32, #tpu.memory_space<vmem_shared>> -> memref<10240x32xf32, #tpu.memory_space<vmem_shared>>
      tpu.enqueue_indirect_dma source(%arg11 : memref<128x32xf32, #tpu.memory_space<vmem>>) target(%dma_start3A_150 : memref<10240x32xf32, #tpu.memory_space<vmem_shared>>) offsets(%dma_start3A_147 : memref<128xi32, #tpu.memory_space<vmem>>) semaphore(%arg25 : memref<!tpu.dma_semaphore, #tpu.memory_space<semaphore_mem>>) {add = true}
      %dma_wait3A_151 = arith.constant 1 : i32
      %dma_wait3A_152 = arith.constant 0 : i32
      %dma_wait3A_153 = tpu.memref_slice %arg7[%dma_wait3A_151, %dma_wait3A_152] : memref<160x128xi32, #tpu.memory_space<vmem>> -> memref<1x128xi32, #tpu.memory_space<vmem>>
      %dma_wait3A_154 = tpu.memref_squeeze %dma_wait3A_153 : memref<1x128xi32, #tpu.memory_space<vmem>> -> memref<128xi32, #tpu.memory_space<vmem>>
      %dma_wait3A_155 = arith.constant 0 : i32
      %dma_wait3A_156 = arith.constant 0 : i32
      %dma_wait3A_157 = tpu.memref_slice %arg32[%dma_wait3A_155, %dma_wait3A_156] : memref<10240x32xf32, #tpu.memory_space<vmem_shared>> -> memref<10240x32xf32, #tpu.memory_space<vmem_shared>>
      tpu.wait_indirect_dma semaphore(%arg23 : memref<!tpu.dma_semaphore, #tpu.memory_space<semaphore_mem>>) src(%arg9 : memref<128x32xf32, #tpu.memory_space<vmem>>) dst(%dma_wait3A_157 : memref<10240x32xf32, #tpu.memory_space<vmem_shared>>)
      %dma_start3A_158 = arith.constant 5 : i32
      %dma_start3A_159 = arith.constant 0 : i32
      %dma_start3A_160 = tpu.memref_slice %arg6[%dma_start3A_158, %dma_start3A_159] : memref<160x128xi32, #tpu.memory_space<vmem>> -> memref<1x128xi32, #tpu.memory_space<vmem>>
      %dma_start3A_161 = tpu.memref_squeeze %dma_start3A_160 : memref<1x128xi32, #tpu.memory_space<vmem>> -> memref<128xi32, #tpu.memory_space<vmem>>
      %dma_start3A_162 = arith.constant 0 : i32
      %dma_start3A_163 = arith.constant 0 : i32
      %dma_start3A_164 = tpu.memref_slice %arg31[%dma_start3A_162, %dma_start3A_163] : memref<10240x32xf32, #tpu.memory_space<vmem_shared>> -> memref<10240x32xf32, #tpu.memory_space<vmem_shared>>
      tpu.enqueue_indirect_dma source(%dma_start3A_164 : memref<10240x32xf32, #tpu.memory_space<vmem_shared>>) target(%arg9 : memref<128x32xf32, #tpu.memory_space<vmem>>) offsets(%dma_start3A_161 : memref<128xi32, #tpu.memory_space<vmem>>) semaphore(%arg19 : memref<!tpu.dma_semaphore, #tpu.memory_space<semaphore_mem>>)
      %scan3A_165 = arith.constant 0 : i32
      %scan3A_166 = arith.constant 1 : i32
      %scan3A_167 = arith.constant 38 : i32
      %scan3A_168 = arith.addi %scan3A_166, %scan3A_167 : i32
      %scan3A_169 = arith.constant 1 : i32
      scf.for %scan3A_643 = %scan3A_166 to %scan3A_168 step %scan3A_169  : i32 {
        %mul3A_644 = arith.constant 4 : i32
        %mul3A_645 = arith.muli %mul3A_644, %scan3A_643 : i32
        %add3A_646 = arith.constant 0 : i32
        %add3A_647 = arith.addi %mul3A_645, %add3A_646 : i32
        %dma_wait3A_648 = arith.constant 0 : i32
        %dma_wait3A_649 = tpu.memref_slice %arg6[%add3A_647, %dma_wait3A_648] : memref<160x128xi32, #tpu.memory_space<vmem>> -> memref<1x128xi32, #tpu.memory_space<vmem>>
        %dma_wait3A_650 = tpu.memref_squeeze %dma_wait3A_649 : memref<1x128xi32, #tpu.memory_space<vmem>> -> memref<128xi32, #tpu.memory_space<vmem>>
        %dma_wait3A_651 = arith.constant 0 : i32
        %dma_wait3A_652 = arith.constant 0 : i32
        %dma_wait3A_653 = tpu.memref_slice %arg31[%dma_wait3A_651, %dma_wait3A_652] : memref<10240x32xf32, #tpu.memory_space<vmem_shared>> -> memref<10240x32xf32, #tpu.memory_space<vmem_shared>>
        tpu.wait_indirect_dma semaphore(%arg18 : memref<!tpu.dma_semaphore, #tpu.memory_space<semaphore_mem>>) src(%dma_wait3A_653 : memref<10240x32xf32, #tpu.memory_space<vmem_shared>>) dst(%arg8 : memref<128x32xf32, #tpu.memory_space<vmem>>)
        %dma_start3A_654 = arith.constant 0 : i32
        %dma_start3A_655 = tpu.memref_slice %arg7[%add3A_647, %dma_start3A_654] : memref<160x128xi32, #tpu.memory_space<vmem>> -> memref<1x128xi32, #tpu.memory_space<vmem>>
        %dma_start3A_656 = tpu.memref_squeeze %dma_start3A_655 : memref<1x128xi32, #tpu.memory_space<vmem>> -> memref<128xi32, #tpu.memory_space<vmem>>
        %dma_start3A_657 = arith.constant 0 : i32
        %dma_start3A_658 = arith.constant 0 : i32
        %dma_start3A_659 = tpu.memref_slice %arg32[%dma_start3A_657, %dma_start3A_658] : memref<10240x32xf32, #tpu.memory_space<vmem_shared>> -> memref<10240x32xf32, #tpu.memory_space<vmem_shared>>
        tpu.enqueue_indirect_dma source(%arg8 : memref<128x32xf32, #tpu.memory_space<vmem>>) target(%dma_start3A_659 : memref<10240x32xf32, #tpu.memory_space<vmem_shared>>) offsets(%dma_start3A_656 : memref<128xi32, #tpu.memory_space<vmem>>) semaphore(%arg22 : memref<!tpu.dma_semaphore, #tpu.memory_space<semaphore_mem>>) {add = true}
        %sub3A = arith.constant 2 : i32
        %sub3A_660 = arith.subi %add3A_647, %sub3A : i32
        %dma_wait3A_661 = arith.constant 0 : i32
        %dma_wait3A_662 = tpu.memref_slice %arg7[%sub3A_660, %dma_wait3A_661] : memref<160x128xi32, #tpu.memory_space<vmem>> -> memref<1x128xi32, #tpu.memory_space<vmem>>
        %dma_wait3A_663 = tpu.memref_squeeze %dma_wait3A_662 : memref<1x128xi32, #tpu.memory_space<vmem>> -> memref<128xi32, #tpu.memory_space<vmem>>
        %dma_wait3A_664 = arith.constant 0 : i32
        %dma_wait3A_665 = arith.constant 0 : i32
        %dma_wait3A_666 = tpu.memref_slice %arg32[%dma_wait3A_664, %dma_wait3A_665] : memref<10240x32xf32, #tpu.memory_space<vmem_shared>> -> memref<10240x32xf32, #tpu.memory_space<vmem_shared>>
        tpu.wait_indirect_dma semaphore(%arg24 : memref<!tpu.dma_semaphore, #tpu.memory_space<semaphore_mem>>) src(%arg10 : memref<128x32xf32, #tpu.memory_space<vmem>>) dst(%dma_wait3A_666 : memref<10240x32xf32, #tpu.memory_space<vmem_shared>>)
        %add3A_667 = arith.constant 2 : i32
        %add3A_668 = arith.addi %add3A_647, %add3A_667 : i32
        %dma_start3A_669 = arith.constant 0 : i32
        %dma_start3A_670 = tpu.memref_slice %arg6[%add3A_668, %dma_start3A_669] : memref<160x128xi32, #tpu.memory_space<vmem>> -> memref<1x128xi32, #tpu.memory_space<vmem>>
        %dma_start3A_671 = tpu.memref_squeeze %dma_start3A_670 : memref<1x128xi32, #tpu.memory_space<vmem>> -> memref<128xi32, #tpu.memory_space<vmem>>
        %dma_start3A_672 = arith.constant 0 : i32
        %dma_start3A_673 = arith.constant 0 : i32
        %dma_start3A_674 = tpu.memref_slice %arg31[%dma_start3A_672, %dma_start3A_673] : memref<10240x32xf32, #tpu.memory_space<vmem_shared>> -> memref<10240x32xf32, #tpu.memory_space<vmem_shared>>
        tpu.enqueue_indirect_dma source(%dma_start3A_674 : memref<10240x32xf32, #tpu.memory_space<vmem_shared>>) target(%arg10 : memref<128x32xf32, #tpu.memory_space<vmem>>) offsets(%dma_start3A_671 : memref<128xi32, #tpu.memory_space<vmem>>) semaphore(%arg20 : memref<!tpu.dma_semaphore, #tpu.memory_space<semaphore_mem>>)
        %add3A_675 = arith.constant 1 : i32
        %add3A_676 = arith.addi %mul3A_645, %add3A_675 : i32
        %dma_wait3A_677 = arith.constant 0 : i32
        %dma_wait3A_678 = tpu.memref_slice %arg6[%add3A_676, %dma_wait3A_677] : memref<160x128xi32, #tpu.memory_space<vmem>> -> memref<1x128xi32, #tpu.memory_space<vmem>>
        %dma_wait3A_679 = tpu.memref_squeeze %dma_wait3A_678 : memref<1x128xi32, #tpu.memory_space<vmem>> -> memref<128xi32, #tpu.memory_space<vmem>>
        %dma_wait3A_680 = arith.constant 0 : i32
        %dma_wait3A_681 = arith.constant 0 : i32
        %dma_wait3A_682 = tpu.memref_slice %arg31[%dma_wait3A_680, %dma_wait3A_681] : memref<10240x32xf32, #tpu.memory_space<vmem_shared>> -> memref<10240x32xf32, #tpu.memory_space<vmem_shared>>
        tpu.wait_indirect_dma semaphore(%arg19 : memref<!tpu.dma_semaphore, #tpu.memory_space<semaphore_mem>>) src(%dma_wait3A_682 : memref<10240x32xf32, #tpu.memory_space<vmem_shared>>) dst(%arg9 : memref<128x32xf32, #tpu.memory_space<vmem>>)
        %dma_start3A_683 = arith.constant 0 : i32
        %dma_start3A_684 = tpu.memref_slice %arg7[%add3A_676, %dma_start3A_683] : memref<160x128xi32, #tpu.memory_space<vmem>> -> memref<1x128xi32, #tpu.memory_space<vmem>>
        %dma_start3A_685 = tpu.memref_squeeze %dma_start3A_684 : memref<1x128xi32, #tpu.memory_space<vmem>> -> memref<128xi32, #tpu.memory_space<vmem>>
        %dma_start3A_686 = arith.constant 0 : i32
        %dma_start3A_687 = arith.constant 0 : i32
        %dma_start3A_688 = tpu.memref_slice %arg32[%dma_start3A_686, %dma_start3A_687] : memref<10240x32xf32, #tpu.memory_space<vmem_shared>> -> memref<10240x32xf32, #tpu.memory_space<vmem_shared>>
        tpu.enqueue_indirect_dma source(%arg9 : memref<128x32xf32, #tpu.memory_space<vmem>>) target(%dma_start3A_688 : memref<10240x32xf32, #tpu.memory_space<vmem_shared>>) offsets(%dma_start3A_685 : memref<128xi32, #tpu.memory_space<vmem>>) semaphore(%arg23 : memref<!tpu.dma_semaphore, #tpu.memory_space<semaphore_mem>>) {add = true}
        %sub3A_689 = arith.constant 2 : i32
        %sub3A_690 = arith.subi %add3A_676, %sub3A_689 : i32
        %dma_wait3A_691 = arith.constant 0 : i32
        %dma_wait3A_692 = tpu.memref_slice %arg7[%sub3A_690, %dma_wait3A_691] : memref<160x128xi32, #tpu.memory_space<vmem>> -> memref<1x128xi32, #tpu.memory_space<vmem>>
        %dma_wait3A_693 = tpu.memref_squeeze %dma_wait3A_692 : memref<1x128xi32, #tpu.memory_space<vmem>> -> memref<128xi32, #tpu.memory_space<vmem>>
        %dma_wait3A_694 = arith.constant 0 : i32
        %dma_wait3A_695 = arith.constant 0 : i32
        %dma_wait3A_696 = tpu.memref_slice %arg32[%dma_wait3A_694, %dma_wait3A_695] : memref<10240x32xf32, #tpu.memory_space<vmem_shared>> -> memref<10240x32xf32, #tpu.memory_space<vmem_shared>>
        tpu.wait_indirect_dma semaphore(%arg25 : memref<!tpu.dma_semaphore, #tpu.memory_space<semaphore_mem>>) src(%arg11 : memref<128x32xf32, #tpu.memory_space<vmem>>) dst(%dma_wait3A_696 : memref<10240x32xf32, #tpu.memory_space<vmem_shared>>)
        %add3A_697 = arith.constant 2 : i32
        %add3A_698 = arith.addi %add3A_676, %add3A_697 : i32
        %dma_start3A_699 = arith.constant 0 : i32
        %dma_start3A_700 = tpu.memref_slice %arg6[%add3A_698, %dma_start3A_699] : memref<160x128xi32, #tpu.memory_space<vmem>> -> memref<1x128xi32, #tpu.memory_space<vmem>>
        %dma_start3A_701 = tpu.memref_squeeze %dma_start3A_700 : memref<1x128xi32, #tpu.memory_space<vmem>> -> memref<128xi32, #tpu.memory_space<vmem>>
        %dma_start3A_702 = arith.constant 0 : i32
        %dma_start3A_703 = arith.constant 0 : i32
        %dma_start3A_704 = tpu.memref_slice %arg31[%dma_start3A_702, %dma_start3A_703] : memref<10240x32xf32, #tpu.memory_space<vmem_shared>> -> memref<10240x32xf32, #tpu.memory_space<vmem_shared>>
        tpu.enqueue_indirect_dma source(%dma_start3A_704 : memref<10240x32xf32, #tpu.memory_space<vmem_shared>>) target(%arg11 : memref<128x32xf32, #tpu.memory_space<vmem>>) offsets(%dma_start3A_701 : memref<128xi32, #tpu.memory_space<vmem>>) semaphore(%arg21 : memref<!tpu.dma_semaphore, #tpu.memory_space<semaphore_mem>>)
        %add3A_705 = arith.constant 2 : i32
        %add3A_706 = arith.addi %mul3A_645, %add3A_705 : i32
        %dma_wait3A_707 = arith.constant 0 : i32
        %dma_wait3A_708 = tpu.memref_slice %arg6[%add3A_706, %dma_wait3A_707] : memref<160x128xi32, #tpu.memory_space<vmem>> -> memref<1x128xi32, #tpu.memory_space<vmem>>
        %dma_wait3A_709 = tpu.memref_squeeze %dma_wait3A_708 : memref<1x128xi32, #tpu.memory_space<vmem>> -> memref<128xi32, #tpu.memory_space<vmem>>
        %dma_wait3A_710 = arith.constant 0 : i32
        %dma_wait3A_711 = arith.constant 0 : i32
        %dma_wait3A_712 = tpu.memref_slice %arg31[%dma_wait3A_710, %dma_wait3A_711] : memref<10240x32xf32, #tpu.memory_space<vmem_shared>> -> memref<10240x32xf32, #tpu.memory_space<vmem_shared>>
        tpu.wait_indirect_dma semaphore(%arg20 : memref<!tpu.dma_semaphore, #tpu.memory_space<semaphore_mem>>) src(%dma_wait3A_712 : memref<10240x32xf32, #tpu.memory_space<vmem_shared>>) dst(%arg10 : memref<128x32xf32, #tpu.memory_space<vmem>>)
        %dma_start3A_713 = arith.constant 0 : i32
        %dma_start3A_714 = tpu.memref_slice %arg7[%add3A_706, %dma_start3A_713] : memref<160x128xi32, #tpu.memory_space<vmem>> -> memref<1x128xi32, #tpu.memory_space<vmem>>
        %dma_start3A_715 = tpu.memref_squeeze %dma_start3A_714 : memref<1x128xi32, #tpu.memory_space<vmem>> -> memref<128xi32, #tpu.memory_space<vmem>>
        %dma_start3A_716 = arith.constant 0 : i32
        %dma_start3A_717 = arith.constant 0 : i32
        %dma_start3A_718 = tpu.memref_slice %arg32[%dma_start3A_716, %dma_start3A_717] : memref<10240x32xf32, #tpu.memory_space<vmem_shared>> -> memref<10240x32xf32, #tpu.memory_space<vmem_shared>>
        tpu.enqueue_indirect_dma source(%arg10 : memref<128x32xf32, #tpu.memory_space<vmem>>) target(%dma_start3A_718 : memref<10240x32xf32, #tpu.memory_space<vmem_shared>>) offsets(%dma_start3A_715 : memref<128xi32, #tpu.memory_space<vmem>>) semaphore(%arg24 : memref<!tpu.dma_semaphore, #tpu.memory_space<semaphore_mem>>) {add = true}
        %sub3A_719 = arith.constant 2 : i32
        %sub3A_720 = arith.subi %add3A_706, %sub3A_719 : i32
        %dma_wait3A_721 = arith.constant 0 : i32
        %dma_wait3A_722 = tpu.memref_slice %arg7[%sub3A_720, %dma_wait3A_721] : memref<160x128xi32, #tpu.memory_space<vmem>> -> memref<1x128xi32, #tpu.memory_space<vmem>>
        %dma_wait3A_723 = tpu.memref_squeeze %dma_wait3A_722 : memref<1x128xi32, #tpu.memory_space<vmem>> -> memref<128xi32, #tpu.memory_space<vmem>>
        %dma_wait3A_724 = arith.constant 0 : i32
        %dma_wait3A_725 = arith.constant 0 : i32
        %dma_wait3A_726 = tpu.memref_slice %arg32[%dma_wait3A_724, %dma_wait3A_725] : memref<10240x32xf32, #tpu.memory_space<vmem_shared>> -> memref<10240x32xf32, #tpu.memory_space<vmem_shared>>
        tpu.wait_indirect_dma semaphore(%arg22 : memref<!tpu.dma_semaphore, #tpu.memory_space<semaphore_mem>>) src(%arg8 : memref<128x32xf32, #tpu.memory_space<vmem>>) dst(%dma_wait3A_726 : memref<10240x32xf32, #tpu.memory_space<vmem_shared>>)
        %add3A_727 = arith.constant 2 : i32
        %add3A_728 = arith.addi %add3A_706, %add3A_727 : i32
        %dma_start3A_729 = arith.constant 0 : i32
        %dma_start3A_730 = tpu.memref_slice %arg6[%add3A_728, %dma_start3A_729] : memref<160x128xi32, #tpu.memory_space<vmem>> -> memref<1x128xi32, #tpu.memory_space<vmem>>
        %dma_start3A_731 = tpu.memref_squeeze %dma_start3A_730 : memref<1x128xi32, #tpu.memory_space<vmem>> -> memref<128xi32, #tpu.memory_space<vmem>>
        %dma_start3A_732 = arith.constant 0 : i32
        %dma_start3A_733 = arith.constant 0 : i32
        %dma_start3A_734 = tpu.memref_slice %arg31[%dma_start3A_732, %dma_start3A_733] : memref<10240x32xf32, #tpu.memory_space<vmem_shared>> -> memref<10240x32xf32, #tpu.memory_space<vmem_shared>>
        tpu.enqueue_indirect_dma source(%dma_start3A_734 : memref<10240x32xf32, #tpu.memory_space<vmem_shared>>) target(%arg8 : memref<128x32xf32, #tpu.memory_space<vmem>>) offsets(%dma_start3A_731 : memref<128xi32, #tpu.memory_space<vmem>>) semaphore(%arg18 : memref<!tpu.dma_semaphore, #tpu.memory_space<semaphore_mem>>)
        %add3A_735 = arith.constant 3 : i32
        %add3A_736 = arith.addi %mul3A_645, %add3A_735 : i32
        %dma_wait3A_737 = arith.constant 0 : i32
        %dma_wait3A_738 = tpu.memref_slice %arg6[%add3A_736, %dma_wait3A_737] : memref<160x128xi32, #tpu.memory_space<vmem>> -> memref<1x128xi32, #tpu.memory_space<vmem>>
        %dma_wait3A_739 = tpu.memref_squeeze %dma_wait3A_738 : memref<1x128xi32, #tpu.memory_space<vmem>> -> memref<128xi32, #tpu.memory_space<vmem>>
        %dma_wait3A_740 = arith.constant 0 : i32
        %dma_wait3A_741 = arith.constant 0 : i32
        %dma_wait3A_742 = tpu.memref_slice %arg31[%dma_wait3A_740, %dma_wait3A_741] : memref<10240x32xf32, #tpu.memory_space<vmem_shared>> -> memref<10240x32xf32, #tpu.memory_space<vmem_shared>>
        tpu.wait_indirect_dma semaphore(%arg21 : memref<!tpu.dma_semaphore, #tpu.memory_space<semaphore_mem>>) src(%dma_wait3A_742 : memref<10240x32xf32, #tpu.memory_space<vmem_shared>>) dst(%arg11 : memref<128x32xf32, #tpu.memory_space<vmem>>)
        %dma_start3A_743 = arith.constant 0 : i32
        %dma_start3A_744 = tpu.memref_slice %arg7[%add3A_736, %dma_start3A_743] : memref<160x128xi32, #tpu.memory_space<vmem>> -> memref<1x128xi32, #tpu.memory_space<vmem>>
        %dma_start3A_745 = tpu.memref_squeeze %dma_start3A_744 : memref<1x128xi32, #tpu.memory_space<vmem>> -> memref<128xi32, #tpu.memory_space<vmem>>
        %dma_start3A_746 = arith.constant 0 : i32
        %dma_start3A_747 = arith.constant 0 : i32
        %dma_start3A_748 = tpu.memref_slice %arg32[%dma_start3A_746, %dma_start3A_747] : memref<10240x32xf32, #tpu.memory_space<vmem_shared>> -> memref<10240x32xf32, #tpu.memory_space<vmem_shared>>
        tpu.enqueue_indirect_dma source(%arg11 : memref<128x32xf32, #tpu.memory_space<vmem>>) target(%dma_start3A_748 : memref<10240x32xf32, #tpu.memory_space<vmem_shared>>) offsets(%dma_start3A_745 : memref<128xi32, #tpu.memory_space<vmem>>) semaphore(%arg25 : memref<!tpu.dma_semaphore, #tpu.memory_space<semaphore_mem>>) {add = true}
        %sub3A_749 = arith.constant 2 : i32
        %sub3A_750 = arith.subi %add3A_736, %sub3A_749 : i32
        %dma_wait3A_751 = arith.constant 0 : i32
        %dma_wait3A_752 = tpu.memref_slice %arg7[%sub3A_750, %dma_wait3A_751] : memref<160x128xi32, #tpu.memory_space<vmem>> -> memref<1x128xi32, #tpu.memory_space<vmem>>
        %dma_wait3A_753 = tpu.memref_squeeze %dma_wait3A_752 : memref<1x128xi32, #tpu.memory_space<vmem>> -> memref<128xi32, #tpu.memory_space<vmem>>
        %dma_wait3A_754 = arith.constant 0 : i32
        %dma_wait3A_755 = arith.constant 0 : i32
        %dma_wait3A_756 = tpu.memref_slice %arg32[%dma_wait3A_754, %dma_wait3A_755] : memref<10240x32xf32, #tpu.memory_space<vmem_shared>> -> memref<10240x32xf32, #tpu.memory_space<vmem_shared>>
        tpu.wait_indirect_dma semaphore(%arg23 : memref<!tpu.dma_semaphore, #tpu.memory_space<semaphore_mem>>) src(%arg9 : memref<128x32xf32, #tpu.memory_space<vmem>>) dst(%dma_wait3A_756 : memref<10240x32xf32, #tpu.memory_space<vmem_shared>>)
        %add3A_757 = arith.constant 2 : i32
        %add3A_758 = arith.addi %add3A_736, %add3A_757 : i32
        %dma_start3A_759 = arith.constant 0 : i32
        %dma_start3A_760 = tpu.memref_slice %arg6[%add3A_758, %dma_start3A_759] : memref<160x128xi32, #tpu.memory_space<vmem>> -> memref<1x128xi32, #tpu.memory_space<vmem>>
        %dma_start3A_761 = tpu.memref_squeeze %dma_start3A_760 : memref<1x128xi32, #tpu.memory_space<vmem>> -> memref<128xi32, #tpu.memory_space<vmem>>
        %dma_start3A_762 = arith.constant 0 : i32
        %dma_start3A_763 = arith.constant 0 : i32
        %dma_start3A_764 = tpu.memref_slice %arg31[%dma_start3A_762, %dma_start3A_763] : memref<10240x32xf32, #tpu.memory_space<vmem_shared>> -> memref<10240x32xf32, #tpu.memory_space<vmem_shared>>
        tpu.enqueue_indirect_dma source(%dma_start3A_764 : memref<10240x32xf32, #tpu.memory_space<vmem_shared>>) target(%arg9 : memref<128x32xf32, #tpu.memory_space<vmem>>) offsets(%dma_start3A_761 : memref<128xi32, #tpu.memory_space<vmem>>) semaphore(%arg19 : memref<!tpu.dma_semaphore, #tpu.memory_space<semaphore_mem>>)
      }
      %scan3A_170 = arith.constant 38 : i32
      %dma_wait3A_171 = arith.constant 156 : i32
      %dma_wait3A_172 = arith.constant 0 : i32
      %dma_wait3A_173 = tpu.memref_slice %arg6[%dma_wait3A_171, %dma_wait3A_172] : memref<160x128xi32, #tpu.memory_space<vmem>> -> memref<1x128xi32, #tpu.memory_space<vmem>>
      %dma_wait3A_174 = tpu.memref_squeeze %dma_wait3A_173 : memref<1x128xi32, #tpu.memory_space<vmem>> -> memref<128xi32, #tpu.memory_space<vmem>>
      %dma_wait3A_175 = arith.constant 0 : i32
      %dma_wait3A_176 = arith.constant 0 : i32
      %dma_wait3A_177 = tpu.memref_slice %arg31[%dma_wait3A_175, %dma_wait3A_176] : memref<10240x32xf32, #tpu.memory_space<vmem_shared>> -> memref<10240x32xf32, #tpu.memory_space<vmem_shared>>
      tpu.wait_indirect_dma semaphore(%arg18 : memref<!tpu.dma_semaphore, #tpu.memory_space<semaphore_mem>>) src(%dma_wait3A_177 : memref<10240x32xf32, #tpu.memory_space<vmem_shared>>) dst(%arg8 : memref<128x32xf32, #tpu.memory_space<vmem>>)
      %dma_start3A_178 = arith.constant 156 : i32
      %dma_start3A_179 = arith.constant 0 : i32
      %dma_start3A_180 = tpu.memref_slice %arg7[%dma_start3A_178, %dma_start3A_179] : memref<160x128xi32, #tpu.memory_space<vmem>> -> memref<1x128xi32, #tpu.memory_space<vmem>>
      %dma_start3A_181 = tpu.memref_squeeze %dma_start3A_180 : memref<1x128xi32, #tpu.memory_space<vmem>> -> memref<128xi32, #tpu.memory_space<vmem>>
      %dma_start3A_182 = arith.constant 0 : i32
      %dma_start3A_183 = arith.constant 0 : i32
      %dma_start3A_184 = tpu.memref_slice %arg32[%dma_start3A_182, %dma_start3A_183] : memref<10240x32xf32, #tpu.memory_space<vmem_shared>> -> memref<10240x32xf32, #tpu.memory_space<vmem_shared>>
      tpu.enqueue_indirect_dma source(%arg8 : memref<128x32xf32, #tpu.memory_space<vmem>>) target(%dma_start3A_184 : memref<10240x32xf32, #tpu.memory_space<vmem_shared>>) offsets(%dma_start3A_181 : memref<128xi32, #tpu.memory_space<vmem>>) semaphore(%arg22 : memref<!tpu.dma_semaphore, #tpu.memory_space<semaphore_mem>>) {add = true}
      %dma_wait3A_185 = arith.constant 154 : i32
      %dma_wait3A_186 = arith.constant 0 : i32
      %dma_wait3A_187 = tpu.memref_slice %arg7[%dma_wait3A_185, %dma_wait3A_186] : memref<160x128xi32, #tpu.memory_space<vmem>> -> memref<1x128xi32, #tpu.memory_space<vmem>>
      %dma_wait3A_188 = tpu.memref_squeeze %dma_wait3A_187 : memref<1x128xi32, #tpu.memory_space<vmem>> -> memref<128xi32, #tpu.memory_space<vmem>>
      %dma_wait3A_189 = arith.constant 0 : i32
      %dma_wait3A_190 = arith.constant 0 : i32
      %dma_wait3A_191 = tpu.memref_slice %arg32[%dma_wait3A_189, %dma_wait3A_190] : memref<10240x32xf32, #tpu.memory_space<vmem_shared>> -> memref<10240x32xf32, #tpu.memory_space<vmem_shared>>
      tpu.wait_indirect_dma semaphore(%arg24 : memref<!tpu.dma_semaphore, #tpu.memory_space<semaphore_mem>>) src(%arg10 : memref<128x32xf32, #tpu.memory_space<vmem>>) dst(%dma_wait3A_191 : memref<10240x32xf32, #tpu.memory_space<vmem_shared>>)
      %dma_start3A_192 = arith.constant 158 : i32
      %dma_start3A_193 = arith.constant 0 : i32
      %dma_start3A_194 = tpu.memref_slice %arg6[%dma_start3A_192, %dma_start3A_193] : memref<160x128xi32, #tpu.memory_space<vmem>> -> memref<1x128xi32, #tpu.memory_space<vmem>>
      %dma_start3A_195 = tpu.memref_squeeze %dma_start3A_194 : memref<1x128xi32, #tpu.memory_space<vmem>> -> memref<128xi32, #tpu.memory_space<vmem>>
      %dma_start3A_196 = arith.constant 0 : i32
      %dma_start3A_197 = arith.constant 0 : i32
      %dma_start3A_198 = tpu.memref_slice %arg31[%dma_start3A_196, %dma_start3A_197] : memref<10240x32xf32, #tpu.memory_space<vmem_shared>> -> memref<10240x32xf32, #tpu.memory_space<vmem_shared>>
      tpu.enqueue_indirect_dma source(%dma_start3A_198 : memref<10240x32xf32, #tpu.memory_space<vmem_shared>>) target(%arg10 : memref<128x32xf32, #tpu.memory_space<vmem>>) offsets(%dma_start3A_195 : memref<128xi32, #tpu.memory_space<vmem>>) semaphore(%arg20 : memref<!tpu.dma_semaphore, #tpu.memory_space<semaphore_mem>>)
      %dma_wait3A_199 = arith.constant 157 : i32
      %dma_wait3A_200 = arith.constant 0 : i32
      %dma_wait3A_201 = tpu.memref_slice %arg6[%dma_wait3A_199, %dma_wait3A_200] : memref<160x128xi32, #tpu.memory_space<vmem>> -> memref<1x128xi32, #tpu.memory_space<vmem>>
      %dma_wait3A_202 = tpu.memref_squeeze %dma_wait3A_201 : memref<1x128xi32, #tpu.memory_space<vmem>> -> memref<128xi32, #tpu.memory_space<vmem>>
      %dma_wait3A_203 = arith.constant 0 : i32
      %dma_wait3A_204 = arith.constant 0 : i32
      %dma_wait3A_205 = tpu.memref_slice %arg31[%dma_wait3A_203, %dma_wait3A_204] : memref<10240x32xf32, #tpu.memory_space<vmem_shared>> -> memref<10240x32xf32, #tpu.memory_space<vmem_shared>>
      tpu.wait_indirect_dma semaphore(%arg19 : memref<!tpu.dma_semaphore, #tpu.memory_space<semaphore_mem>>) src(%dma_wait3A_205 : memref<10240x32xf32, #tpu.memory_space<vmem_shared>>) dst(%arg9 : memref<128x32xf32, #tpu.memory_space<vmem>>)
      %dma_start3A_206 = arith.constant 157 : i32
      %dma_start3A_207 = arith.constant 0 : i32
      %dma_start3A_208 = tpu.memref_slice %arg7[%dma_start3A_206, %dma_start3A_207] : memref<160x128xi32, #tpu.memory_space<vmem>> -> memref<1x128xi32, #tpu.memory_space<vmem>>
      %dma_start3A_209 = tpu.memref_squeeze %dma_start3A_208 : memref<1x128xi32, #tpu.memory_space<vmem>> -> memref<128xi32, #tpu.memory_space<vmem>>
      %dma_start3A_210 = arith.constant 0 : i32
      %dma_start3A_211 = arith.constant 0 : i32
      %dma_start3A_212 = tpu.memref_slice %arg32[%dma_start3A_210, %dma_start3A_211] : memref<10240x32xf32, #tpu.memory_space<vmem_shared>> -> memref<10240x32xf32, #tpu.memory_space<vmem_shared>>
      tpu.enqueue_indirect_dma source(%arg9 : memref<128x32xf32, #tpu.memory_space<vmem>>) target(%dma_start3A_212 : memref<10240x32xf32, #tpu.memory_space<vmem_shared>>) offsets(%dma_start3A_209 : memref<128xi32, #tpu.memory_space<vmem>>) semaphore(%arg23 : memref<!tpu.dma_semaphore, #tpu.memory_space<semaphore_mem>>) {add = true}
      %dma_wait3A_213 = arith.constant 155 : i32
      %dma_wait3A_214 = arith.constant 0 : i32
      %dma_wait3A_215 = tpu.memref_slice %arg7[%dma_wait3A_213, %dma_wait3A_214] : memref<160x128xi32, #tpu.memory_space<vmem>> -> memref<1x128xi32, #tpu.memory_space<vmem>>
      %dma_wait3A_216 = tpu.memref_squeeze %dma_wait3A_215 : memref<1x128xi32, #tpu.memory_space<vmem>> -> memref<128xi32, #tpu.memory_space<vmem>>
      %dma_wait3A_217 = arith.constant 0 : i32
      %dma_wait3A_218 = arith.constant 0 : i32
      %dma_wait3A_219 = tpu.memref_slice %arg32[%dma_wait3A_217, %dma_wait3A_218] : memref<10240x32xf32, #tpu.memory_space<vmem_shared>> -> memref<10240x32xf32, #tpu.memory_space<vmem_shared>>
      tpu.wait_indirect_dma semaphore(%arg25 : memref<!tpu.dma_semaphore, #tpu.memory_space<semaphore_mem>>) src(%arg11 : memref<128x32xf32, #tpu.memory_space<vmem>>) dst(%dma_wait3A_219 : memref<10240x32xf32, #tpu.memory_space<vmem_shared>>)
      %dma_start3A_220 = arith.constant 159 : i32
      %dma_start3A_221 = arith.constant 0 : i32
      %dma_start3A_222 = tpu.memref_slice %arg6[%dma_start3A_220, %dma_start3A_221] : memref<160x128xi32, #tpu.memory_space<vmem>> -> memref<1x128xi32, #tpu.memory_space<vmem>>
      %dma_start3A_223 = tpu.memref_squeeze %dma_start3A_222 : memref<1x128xi32, #tpu.memory_space<vmem>> -> memref<128xi32, #tpu.memory_space<vmem>>
      %dma_start3A_224 = arith.constant 0 : i32
      %dma_start3A_225 = arith.constant 0 : i32
      %dma_start3A_226 = tpu.memref_slice %arg31[%dma_start3A_224, %dma_start3A_225] : memref<10240x32xf32, #tpu.memory_space<vmem_shared>> -> memref<10240x32xf32, #tpu.memory_space<vmem_shared>>
      tpu.enqueue_indirect_dma source(%dma_start3A_226 : memref<10240x32xf32, #tpu.memory_space<vmem_shared>>) target(%arg11 : memref<128x32xf32, #tpu.memory_space<vmem>>) offsets(%dma_start3A_223 : memref<128xi32, #tpu.memory_space<vmem>>) semaphore(%arg21 : memref<!tpu.dma_semaphore, #tpu.memory_space<semaphore_mem>>)
      %dma_wait3A_227 = arith.constant 158 : i32
      %dma_wait3A_228 = arith.constant 0 : i32
      %dma_wait3A_229 = tpu.memref_slice %arg6[%dma_wait3A_227, %dma_wait3A_228] : memref<160x128xi32, #tpu.memory_space<vmem>> -> memref<1x128xi32, #tpu.memory_space<vmem>>
      %dma_wait3A_230 = tpu.memref_squeeze %dma_wait3A_229 : memref<1x128xi32, #tpu.memory_space<vmem>> -> memref<128xi32, #tpu.memory_space<vmem>>
      %dma_wait3A_231 = arith.constant 0 : i32
      %dma_wait3A_232 = arith.constant 0 : i32
      %dma_wait3A_233 = tpu.memref_slice %arg31[%dma_wait3A_231, %dma_wait3A_232] : memref<10240x32xf32, #tpu.memory_space<vmem_shared>> -> memref<10240x32xf32, #tpu.memory_space<vmem_shared>>
      tpu.wait_indirect_dma semaphore(%arg20 : memref<!tpu.dma_semaphore, #tpu.memory_space<semaphore_mem>>) src(%dma_wait3A_233 : memref<10240x32xf32, #tpu.memory_space<vmem_shared>>) dst(%arg10 : memref<128x32xf32, #tpu.memory_space<vmem>>)
      %dma_start3A_234 = arith.constant 158 : i32
      %dma_start3A_235 = arith.constant 0 : i32
      %dma_start3A_236 = tpu.memref_slice %arg7[%dma_start3A_234, %dma_start3A_235] : memref<160x128xi32, #tpu.memory_space<vmem>> -> memref<1x128xi32, #tpu.memory_space<vmem>>
      %dma_start3A_237 = tpu.memref_squeeze %dma_start3A_236 : memref<1x128xi32, #tpu.memory_space<vmem>> -> memref<128xi32, #tpu.memory_space<vmem>>
      %dma_start3A_238 = arith.constant 0 : i32
      %dma_start3A_239 = arith.constant 0 : i32
      %dma_start3A_240 = tpu.memref_slice %arg32[%dma_start3A_238, %dma_start3A_239] : memref<10240x32xf32, #tpu.memory_space<vmem_shared>> -> memref<10240x32xf32, #tpu.memory_space<vmem_shared>>
      tpu.enqueue_indirect_dma source(%arg10 : memref<128x32xf32, #tpu.memory_space<vmem>>) target(%dma_start3A_240 : memref<10240x32xf32, #tpu.memory_space<vmem_shared>>) offsets(%dma_start3A_237 : memref<128xi32, #tpu.memory_space<vmem>>) semaphore(%arg24 : memref<!tpu.dma_semaphore, #tpu.memory_space<semaphore_mem>>) {add = true}
      %dma_wait3A_241 = arith.constant 156 : i32
      %dma_wait3A_242 = arith.constant 0 : i32
      %dma_wait3A_243 = tpu.memref_slice %arg7[%dma_wait3A_241, %dma_wait3A_242] : memref<160x128xi32, #tpu.memory_space<vmem>> -> memref<1x128xi32, #tpu.memory_space<vmem>>
      %dma_wait3A_244 = tpu.memref_squeeze %dma_wait3A_243 : memref<1x128xi32, #tpu.memory_space<vmem>> -> memref<128xi32, #tpu.memory_space<vmem>>
      %dma_wait3A_245 = arith.constant 0 : i32
      %dma_wait3A_246 = arith.constant 0 : i32
      %dma_wait3A_247 = tpu.memref_slice %arg32[%dma_wait3A_245, %dma_wait3A_246] : memref<10240x32xf32, #tpu.memory_space<vmem_shared>> -> memref<10240x32xf32, #tpu.memory_space<vmem_shared>>
      tpu.wait_indirect_dma semaphore(%arg22 : memref<!tpu.dma_semaphore, #tpu.memory_space<semaphore_mem>>) src(%arg8 : memref<128x32xf32, #tpu.memory_space<vmem>>) dst(%dma_wait3A_247 : memref<10240x32xf32, #tpu.memory_space<vmem_shared>>)
      %dma_wait3A_248 = arith.constant 159 : i32
      %dma_wait3A_249 = arith.constant 0 : i32
      %dma_wait3A_250 = tpu.memref_slice %arg6[%dma_wait3A_248, %dma_wait3A_249] : memref<160x128xi32, #tpu.memory_space<vmem>> -> memref<1x128xi32, #tpu.memory_space<vmem>>
      %dma_wait3A_251 = tpu.memref_squeeze %dma_wait3A_250 : memref<1x128xi32, #tpu.memory_space<vmem>> -> memref<128xi32, #tpu.memory_space<vmem>>
      %dma_wait3A_252 = arith.constant 0 : i32
      %dma_wait3A_253 = arith.constant 0 : i32
      %dma_wait3A_254 = tpu.memref_slice %arg31[%dma_wait3A_252, %dma_wait3A_253] : memref<10240x32xf32, #tpu.memory_space<vmem_shared>> -> memref<10240x32xf32, #tpu.memory_space<vmem_shared>>
      tpu.wait_indirect_dma semaphore(%arg21 : memref<!tpu.dma_semaphore, #tpu.memory_space<semaphore_mem>>) src(%dma_wait3A_254 : memref<10240x32xf32, #tpu.memory_space<vmem_shared>>) dst(%arg11 : memref<128x32xf32, #tpu.memory_space<vmem>>)
      %dma_start3A_255 = arith.constant 159 : i32
      %dma_start3A_256 = arith.constant 0 : i32
      %dma_start3A_257 = tpu.memref_slice %arg7[%dma_start3A_255, %dma_start3A_256] : memref<160x128xi32, #tpu.memory_space<vmem>> -> memref<1x128xi32, #tpu.memory_space<vmem>>
      %dma_start3A_258 = tpu.memref_squeeze %dma_start3A_257 : memref<1x128xi32, #tpu.memory_space<vmem>> -> memref<128xi32, #tpu.memory_space<vmem>>
      %dma_start3A_259 = arith.constant 0 : i32
      %dma_start3A_260 = arith.constant 0 : i32
      %dma_start3A_261 = tpu.memref_slice %arg32[%dma_start3A_259, %dma_start3A_260] : memref<10240x32xf32, #tpu.memory_space<vmem_shared>> -> memref<10240x32xf32, #tpu.memory_space<vmem_shared>>
      tpu.enqueue_indirect_dma source(%arg11 : memref<128x32xf32, #tpu.memory_space<vmem>>) target(%dma_start3A_261 : memref<10240x32xf32, #tpu.memory_space<vmem_shared>>) offsets(%dma_start3A_258 : memref<128xi32, #tpu.memory_space<vmem>>) semaphore(%arg25 : memref<!tpu.dma_semaphore, #tpu.memory_space<semaphore_mem>>) {add = true}
      %dma_wait3A_262 = arith.constant 157 : i32
      %dma_wait3A_263 = arith.constant 0 : i32
      %dma_wait3A_264 = tpu.memref_slice %arg7[%dma_wait3A_262, %dma_wait3A_263] : memref<160x128xi32, #tpu.memory_space<vmem>> -> memref<1x128xi32, #tpu.memory_space<vmem>>
      %dma_wait3A_265 = tpu.memref_squeeze %dma_wait3A_264 : memref<1x128xi32, #tpu.memory_space<vmem>> -> memref<128xi32, #tpu.memory_space<vmem>>
      %dma_wait3A_266 = arith.constant 0 : i32
      %dma_wait3A_267 = arith.constant 0 : i32
      %dma_wait3A_268 = tpu.memref_slice %arg32[%dma_wait3A_266, %dma_wait3A_267] : memref<10240x32xf32, #tpu.memory_space<vmem_shared>> -> memref<10240x32xf32, #tpu.memory_space<vmem_shared>>
      tpu.wait_indirect_dma semaphore(%arg23 : memref<!tpu.dma_semaphore, #tpu.memory_space<semaphore_mem>>) src(%arg9 : memref<128x32xf32, #tpu.memory_space<vmem>>) dst(%dma_wait3A_268 : memref<10240x32xf32, #tpu.memory_space<vmem_shared>>)
      %dma_wait3A_269 = arith.constant 158 : i32
      %dma_wait3A_270 = arith.constant 0 : i32
      %dma_wait3A_271 = tpu.memref_slice %arg7[%dma_wait3A_269, %dma_wait3A_270] : memref<160x128xi32, #tpu.memory_space<vmem>> -> memref<1x128xi32, #tpu.memory_space<vmem>>
      %dma_wait3A_272 = tpu.memref_squeeze %dma_wait3A_271 : memref<1x128xi32, #tpu.memory_space<vmem>> -> memref<128xi32, #tpu.memory_space<vmem>>
      %dma_wait3A_273 = arith.constant 0 : i32
      %dma_wait3A_274 = arith.constant 0 : i32
      %dma_wait3A_275 = tpu.memref_slice %arg32[%dma_wait3A_273, %dma_wait3A_274] : memref<10240x32xf32, #tpu.memory_space<vmem_shared>> -> memref<10240x32xf32, #tpu.memory_space<vmem_shared>>
      tpu.wait_indirect_dma semaphore(%arg24 : memref<!tpu.dma_semaphore, #tpu.memory_space<semaphore_mem>>) src(%arg10 : memref<128x32xf32, #tpu.memory_space<vmem>>) dst(%dma_wait3A_275 : memref<10240x32xf32, #tpu.memory_space<vmem_shared>>)
      %dma_wait3A_276 = arith.constant 159 : i32
      %dma_wait3A_277 = arith.constant 0 : i32
      %dma_wait3A_278 = tpu.memref_slice %arg7[%dma_wait3A_276, %dma_wait3A_277] : memref<160x128xi32, #tpu.memory_space<vmem>> -> memref<1x128xi32, #tpu.memory_space<vmem>>
      %dma_wait3A_279 = tpu.memref_squeeze %dma_wait3A_278 : memref<1x128xi32, #tpu.memory_space<vmem>> -> memref<128xi32, #tpu.memory_space<vmem>>
      %dma_wait3A_280 = arith.constant 0 : i32
      %dma_wait3A_281 = arith.constant 0 : i32
      %dma_wait3A_282 = tpu.memref_slice %arg32[%dma_wait3A_280, %dma_wait3A_281] : memref<10240x32xf32, #tpu.memory_space<vmem_shared>> -> memref<10240x32xf32, #tpu.memory_space<vmem_shared>>
      tpu.wait_indirect_dma semaphore(%arg25 : memref<!tpu.dma_semaphore, #tpu.memory_space<semaphore_mem>>) src(%arg11 : memref<128x32xf32, #tpu.memory_space<vmem>>) dst(%dma_wait3A_282 : memref<10240x32xf32, #tpu.memory_space<vmem_shared>>)
      %barrier3A_283 = arith.constant 0 : index
      tpu.barrier barrier_id(%barrier3A_283)
      %broadcast_in_dim3A_284 = vector.broadcast %scan3A_54 : i32 to vector<16xi32>
      %gather3A = tpu.vector_load_idx %arg17[%broadcast_in_dim3A_284] : memref<32xf32, #tpu.memory_space<vmem>>[vector<16xi32>], vector<16xf32>,
      %dma_start3A_285 = arith.constant 0 : i32
      %dma_start3A_286 = tpu.memref_slice %arg32[%mul3A_0, %dma_start3A_285] : memref<10240x32xf32, #tpu.memory_space<vmem_shared>> -> memref<64x32xf32, #tpu.memory_space<vmem_shared>>
      %dma_start3A_287 = arith.constant 0 : i32
      %dma_start3A_288 = tpu.memref_slice %arg32[%mul3A_0, %dma_start3A_287] : memref<10240x32xf32, #tpu.memory_space<vmem_shared>> -> memref<64x32xf32, #tpu.memory_space<vmem_shared>>
      tpu.enqueue_dma source(%dma_start3A_288 : memref<64x32xf32, #tpu.memory_space<vmem_shared>>) target(%arg13 : memref<64x32xf32, #tpu.memory_space<vmem>>) target_semaphore(%arg26 : memref<!tpu.dma_semaphore, #tpu.memory_space<semaphore_mem>>)
      %dma_wait3A_289 = arith.constant 0 : i32
      %dma_wait3A_290 = tpu.memref_slice %arg32[%mul3A_0, %dma_wait3A_289] : memref<10240x32xf32, #tpu.memory_space<vmem_shared>> -> memref<64x32xf32, #tpu.memory_space<vmem_shared>>
      %dma_wait3A_291 = arith.constant 0 : i32
      %dma_wait3A_292 = tpu.memref_slice %arg32[%mul3A_0, %dma_wait3A_291] : memref<10240x32xf32, #tpu.memory_space<vmem_shared>> -> memref<64x32xf32, #tpu.memory_space<vmem_shared>>
      tpu.wait_dma2 semaphore(%arg26 : memref<!tpu.dma_semaphore, #tpu.memory_space<semaphore_mem>>) src(%dma_wait3A_292 : memref<64x32xf32, #tpu.memory_space<vmem_shared>>) dst(%arg13 : memref<64x32xf32, #tpu.memory_space<vmem>>)
      %add3A = arith.constant 64 : i32
      %add3A_293 = arith.addi %mul3A_0, %add3A : i32
      %dma_start3A_294 = arith.constant 0 : i32
      %dma_start3A_295 = tpu.memref_slice %arg32[%add3A_293, %dma_start3A_294] : memref<10240x32xf32, #tpu.memory_space<vmem_shared>> -> memref<64x32xf32, #tpu.memory_space<vmem_shared>>
      %dma_start3A_296 = arith.constant 0 : i32
      %dma_start3A_297 = tpu.memref_slice %arg32[%add3A_293, %dma_start3A_296] : memref<10240x32xf32, #tpu.memory_space<vmem_shared>> -> memref<64x32xf32, #tpu.memory_space<vmem_shared>>
      tpu.enqueue_dma source(%dma_start3A_297 : memref<64x32xf32, #tpu.memory_space<vmem_shared>>) target(%arg14 : memref<64x32xf32, #tpu.memory_space<vmem>>) target_semaphore(%arg27 : memref<!tpu.dma_semaphore, #tpu.memory_space<semaphore_mem>>)
      %scan3A_298 = arith.constant 0 : i32
      %scan3A_299 = arith.constant 0 : i32
      %scan3A_300 = arith.constant 64 : i32
      %scan3A_301 = arith.addi %scan3A_299, %scan3A_300 : i32
      %scan3A_302 = arith.constant 1 : i32
      scf.for %scan3A_643 = %scan3A_299 to %scan3A_301 step %scan3A_302  : i32 {
        %add3A_644 = arith.constant 0 : i32
        %add3A_645 = arith.addi %add3A_644, %scan3A_643 : i32
        %broadcast_in_dim3A_646 = vector.broadcast %add3A_645 : i32 to vector<16xi32>
        %gather3A_647 = tpu.vector_load_idx %arg16[%broadcast_in_dim3A_646] : memref<640xf32, #tpu.memory_space<vmem>>[vector<16xi32>], vector<16xf32>,
        %get3A_648 = arith.index_cast %scan3A_643 : i32 to index
        %get3A_649 = arith.constant 0 : index
        %get3A_650 = tpu.vector_load %arg13[%get3A_648, %get3A_649] {strides = array<i32>} : memref<64x32xf32, #tpu.memory_space<vmem>>, vector<16xf32>,
        %get3A_651 = arith.index_cast %scan3A_643 : i32 to index
        %get3A_652 = arith.constant 16 : index
        %get3A_653 = tpu.vector_load %arg13[%get3A_651, %get3A_652] {strides = array<i32>} : memref<64x32xf32, #tpu.memory_space<vmem>>, vector<16xf32>,
        %mul3A_654 = arith.mulf %gather3A_647, %get3A_650 : vector<16xf32>
        %neg3A = arith.constant 0.000000e+00 : f32
        %neg3A_655 = vector.broadcast %neg3A : f32 to vector<16xf32>
        %neg3A_656 = arith.subf %neg3A_655, %mul3A_654 : vector<16xf32>
        %mul3A_657 = arith.mulf %gather3A_647, %get3A_653 : vector<16xf32>
        %neg3A_658 = arith.constant 0.000000e+00 : f32
        %neg3A_659 = vector.broadcast %neg3A_658 : f32 to vector<16xf32>
        %neg3A_660 = arith.subf %neg3A_659, %mul3A_657 : vector<16xf32>
        %add3A_661 = arith.constant 0 : i32
        %add3A_662 = arith.addi %add3A_661, %scan3A_643 : i32
        %get3A_663 = arith.index_cast %add3A_662 : i32 to index
        %get3A_664 = arith.constant 0 : index
        %get3A_665 = tpu.vector_load %arg15[%get3A_663, %get3A_664] {strides = array<i32>} : memref<640x32xf32, #tpu.memory_space<vmem>>, vector<16xf32>,
        %mul3A_666 = arith.mulf %gather3A, %neg3A_656 : vector<16xf32>
        %add3A_667 = arith.addf %get3A_665, %mul3A_666 : vector<16xf32>
        %swap3A = arith.index_cast %add3A_662 : i32 to index
        %swap3A_668 = arith.constant 0 : index
        %swap3A_669 = tpu.vector_load %arg15[%swap3A, %swap3A_668] {strides = array<i32>} : memref<640x32xf32, #tpu.memory_space<vmem>>, vector<16xf32>,
        tpu.vector_store %arg15[%swap3A, %swap3A_668], %add3A_667 {strides = array<i32>} : memref<640x32xf32, #tpu.memory_space<vmem>>, vector<16xf32>,
        %get3A_670 = arith.index_cast %add3A_662 : i32 to index
        %get3A_671 = arith.constant 16 : index
        %get3A_672 = tpu.vector_load %arg15[%get3A_670, %get3A_671] {strides = array<i32>} : memref<640x32xf32, #tpu.memory_space<vmem>>, vector<16xf32>,
        %mul3A_673 = arith.mulf %gather3A, %neg3A_660 : vector<16xf32>
        %add3A_674 = arith.addf %get3A_672, %mul3A_673 : vector<16xf32>
        %swap3A_675 = arith.index_cast %add3A_662 : i32 to index
        %swap3A_676 = arith.constant 16 : index
        %swap3A_677 = tpu.vector_load %arg15[%swap3A_675, %swap3A_676] {strides = array<i32>} : memref<640x32xf32, #tpu.memory_space<vmem>>, vector<16xf32>,
        tpu.vector_store %arg15[%swap3A_675, %swap3A_676], %add3A_674 {strides = array<i32>} : memref<640x32xf32, #tpu.memory_space<vmem>>, vector<16xf32>,
        %mul3A_678 = arith.mulf %gather3A_647, %neg3A_656 : vector<16xf32>
        %swap3A_679 = arith.index_cast %scan3A_643 : i32 to index
        %swap3A_680 = arith.constant 0 : index
        %swap3A_681 = tpu.vector_load %arg13[%swap3A_679, %swap3A_680] {strides = array<i32>} : memref<64x32xf32, #tpu.memory_space<vmem>>, vector<16xf32>,
        tpu.vector_store %arg13[%swap3A_679, %swap3A_680], %mul3A_678 {strides = array<i32>} : memref<64x32xf32, #tpu.memory_space<vmem>>, vector<16xf32>,
        %mul3A_682 = arith.mulf %gather3A_647, %neg3A_660 : vector<16xf32>
        %swap3A_683 = arith.index_cast %scan3A_643 : i32 to index
        %swap3A_684 = arith.constant 16 : index
        %swap3A_685 = tpu.vector_load %arg13[%swap3A_683, %swap3A_684] {strides = array<i32>} : memref<64x32xf32, #tpu.memory_space<vmem>>, vector<16xf32>,
        tpu.vector_store %arg13[%swap3A_683, %swap3A_684], %mul3A_682 {strides = array<i32>} : memref<64x32xf32, #tpu.memory_space<vmem>>, vector<16xf32>,
      }
      %scan3A_303 = arith.constant 64 : i32
      %add3A_304 = arith.constant 0 : i32
      %add3A_305 = arith.addi %mul3A_0, %add3A_304 : i32
      %dma_start3A_306 = arith.constant 0 : i32
      %dma_start3A_307 = tpu.memref_slice %arg31[%add3A_305, %dma_start3A_306] : memref<10240x32xf32, #tpu.memory_space<vmem_shared>> -> memref<64x32xf32, #tpu.memory_space<vmem_shared>>
      %dma_start3A_308 = arith.constant 0 : i32
      %dma_start3A_309 = tpu.memref_slice %arg31[%add3A_305, %dma_start3A_308] : memref<10240x32xf32, #tpu.memory_space<vmem_shared>> -> memref<64x32xf32, #tpu.memory_space<vmem_shared>>
      tpu.enqueue_dma source(%arg13 : memref<64x32xf32, #tpu.memory_space<vmem>>) target(%dma_start3A_309 : memref<64x32xf32, #tpu.memory_space<vmem_shared>>) target_semaphore(%arg28 : memref<!tpu.dma_semaphore, #tpu.memory_space<semaphore_mem>>)
      %add3A_310 = arith.constant 0 : i32
      %add3A_311 = arith.addi %mul3A_0, %add3A_310 : i32
      %dma_start3A_312 = arith.constant 0 : i32
      %dma_start3A_313 = tpu.memref_slice %arg32[%add3A_311, %dma_start3A_312] : memref<10240x32xf32, #tpu.memory_space<vmem_shared>> -> memref<64x32xf32, #tpu.memory_space<vmem_shared>>
      %dma_start3A_314 = arith.constant 0 : i32
      %dma_start3A_315 = tpu.memref_slice %arg32[%add3A_311, %dma_start3A_314] : memref<10240x32xf32, #tpu.memory_space<vmem_shared>> -> memref<64x32xf32, #tpu.memory_space<vmem_shared>>
      tpu.enqueue_dma source(%arg12 : memref<64x32xf32, #tpu.memory_space<vmem>>) target(%dma_start3A_315 : memref<64x32xf32, #tpu.memory_space<vmem_shared>>) target_semaphore(%arg30 : memref<!tpu.dma_semaphore, #tpu.memory_space<semaphore_mem>>)
      %dma_wait3A_316 = arith.constant 0 : i32
      %dma_wait3A_317 = tpu.memref_slice %arg32[%add3A_293, %dma_wait3A_316] : memref<10240x32xf32, #tpu.memory_space<vmem_shared>> -> memref<64x32xf32, #tpu.memory_space<vmem_shared>>
      %dma_wait3A_318 = arith.constant 0 : i32
      %dma_wait3A_319 = tpu.memref_slice %arg32[%add3A_293, %dma_wait3A_318] : memref<10240x32xf32, #tpu.memory_space<vmem_shared>> -> memref<64x32xf32, #tpu.memory_space<vmem_shared>>
      tpu.wait_dma2 semaphore(%arg27 : memref<!tpu.dma_semaphore, #tpu.memory_space<semaphore_mem>>) src(%dma_wait3A_319 : memref<64x32xf32, #tpu.memory_space<vmem_shared>>) dst(%arg14 : memref<64x32xf32, #tpu.memory_space<vmem>>)
      %add3A_320 = arith.constant 128 : i32
      %add3A_321 = arith.addi %mul3A_0, %add3A_320 : i32
      %dma_start3A_322 = arith.constant 0 : i32
      %dma_start3A_323 = tpu.memref_slice %arg32[%add3A_321, %dma_start3A_322] : memref<10240x32xf32, #tpu.memory_space<vmem_shared>> -> memref<64x32xf32, #tpu.memory_space<vmem_shared>>
      %dma_start3A_324 = arith.constant 0 : i32
      %dma_start3A_325 = tpu.memref_slice %arg32[%add3A_321, %dma_start3A_324] : memref<10240x32xf32, #tpu.memory_space<vmem_shared>> -> memref<64x32xf32, #tpu.memory_space<vmem_shared>>
      tpu.enqueue_dma source(%dma_start3A_325 : memref<64x32xf32, #tpu.memory_space<vmem_shared>>) target(%arg13 : memref<64x32xf32, #tpu.memory_space<vmem>>) target_semaphore(%arg26 : memref<!tpu.dma_semaphore, #tpu.memory_space<semaphore_mem>>)
      %scan3A_326 = arith.constant 0 : i32
      %scan3A_327 = arith.constant 0 : i32
      %scan3A_328 = arith.constant 64 : i32
      %scan3A_329 = arith.addi %scan3A_327, %scan3A_328 : i32
      %scan3A_330 = arith.constant 1 : i32
      scf.for %scan3A_643 = %scan3A_327 to %scan3A_329 step %scan3A_330  : i32 {
        %add3A_644 = arith.constant 64 : i32
        %add3A_645 = arith.addi %add3A_644, %scan3A_643 : i32
        %broadcast_in_dim3A_646 = vector.broadcast %add3A_645 : i32 to vector<16xi32>
        %gather3A_647 = tpu.vector_load_idx %arg16[%broadcast_in_dim3A_646] : memref<640xf32, #tpu.memory_space<vmem>>[vector<16xi32>], vector<16xf32>,
        %get3A_648 = arith.index_cast %scan3A_643 : i32 to index
        %get3A_649 = arith.constant 0 : index
        %get3A_650 = tpu.vector_load %arg14[%get3A_648, %get3A_649] {strides = array<i32>} : memref<64x32xf32, #tpu.memory_space<vmem>>, vector<16xf32>,
        %get3A_651 = arith.index_cast %scan3A_643 : i32 to index
        %get3A_652 = arith.constant 16 : index
        %get3A_653 = tpu.vector_load %arg14[%get3A_651, %get3A_652] {strides = array<i32>} : memref<64x32xf32, #tpu.memory_space<vmem>>, vector<16xf32>,
        %mul3A_654 = arith.mulf %gather3A_647, %get3A_650 : vector<16xf32>
        %neg3A = arith.constant 0.000000e+00 : f32
        %neg3A_655 = vector.broadcast %neg3A : f32 to vector<16xf32>
        %neg3A_656 = arith.subf %neg3A_655, %mul3A_654 : vector<16xf32>
        %mul3A_657 = arith.mulf %gather3A_647, %get3A_653 : vector<16xf32>
        %neg3A_658 = arith.constant 0.000000e+00 : f32
        %neg3A_659 = vector.broadcast %neg3A_658 : f32 to vector<16xf32>
        %neg3A_660 = arith.subf %neg3A_659, %mul3A_657 : vector<16xf32>
        %add3A_661 = arith.constant 64 : i32
        %add3A_662 = arith.addi %add3A_661, %scan3A_643 : i32
        %get3A_663 = arith.index_cast %add3A_662 : i32 to index
        %get3A_664 = arith.constant 0 : index
        %get3A_665 = tpu.vector_load %arg15[%get3A_663, %get3A_664] {strides = array<i32>} : memref<640x32xf32, #tpu.memory_space<vmem>>, vector<16xf32>,
        %mul3A_666 = arith.mulf %gather3A, %neg3A_656 : vector<16xf32>
        %add3A_667 = arith.addf %get3A_665, %mul3A_666 : vector<16xf32>
        %swap3A = arith.index_cast %add3A_662 : i32 to index
        %swap3A_668 = arith.constant 0 : index
        %swap3A_669 = tpu.vector_load %arg15[%swap3A, %swap3A_668] {strides = array<i32>} : memref<640x32xf32, #tpu.memory_space<vmem>>, vector<16xf32>,
        tpu.vector_store %arg15[%swap3A, %swap3A_668], %add3A_667 {strides = array<i32>} : memref<640x32xf32, #tpu.memory_space<vmem>>, vector<16xf32>,
        %get3A_670 = arith.index_cast %add3A_662 : i32 to index
        %get3A_671 = arith.constant 16 : index
        %get3A_672 = tpu.vector_load %arg15[%get3A_670, %get3A_671] {strides = array<i32>} : memref<640x32xf32, #tpu.memory_space<vmem>>, vector<16xf32>,
        %mul3A_673 = arith.mulf %gather3A, %neg3A_660 : vector<16xf32>
        %add3A_674 = arith.addf %get3A_672, %mul3A_673 : vector<16xf32>
        %swap3A_675 = arith.index_cast %add3A_662 : i32 to index
        %swap3A_676 = arith.constant 16 : index
        %swap3A_677 = tpu.vector_load %arg15[%swap3A_675, %swap3A_676] {strides = array<i32>} : memref<640x32xf32, #tpu.memory_space<vmem>>, vector<16xf32>,
        tpu.vector_store %arg15[%swap3A_675, %swap3A_676], %add3A_674 {strides = array<i32>} : memref<640x32xf32, #tpu.memory_space<vmem>>, vector<16xf32>,
        %mul3A_678 = arith.mulf %gather3A_647, %neg3A_656 : vector<16xf32>
        %swap3A_679 = arith.index_cast %scan3A_643 : i32 to index
        %swap3A_680 = arith.constant 0 : index
        %swap3A_681 = tpu.vector_load %arg14[%swap3A_679, %swap3A_680] {strides = array<i32>} : memref<64x32xf32, #tpu.memory_space<vmem>>, vector<16xf32>,
        tpu.vector_store %arg14[%swap3A_679, %swap3A_680], %mul3A_678 {strides = array<i32>} : memref<64x32xf32, #tpu.memory_space<vmem>>, vector<16xf32>,
        %mul3A_682 = arith.mulf %gather3A_647, %neg3A_660 : vector<16xf32>
        %swap3A_683 = arith.index_cast %scan3A_643 : i32 to index
        %swap3A_684 = arith.constant 16 : index
        %swap3A_685 = tpu.vector_load %arg14[%swap3A_683, %swap3A_684] {strides = array<i32>} : memref<64x32xf32, #tpu.memory_space<vmem>>, vector<16xf32>,
        tpu.vector_store %arg14[%swap3A_683, %swap3A_684], %mul3A_682 {strides = array<i32>} : memref<64x32xf32, #tpu.memory_space<vmem>>, vector<16xf32>,
      }
      %scan3A_331 = arith.constant 64 : i32
      %add3A_332 = arith.constant 64 : i32
      %add3A_333 = arith.addi %mul3A_0, %add3A_332 : i32
      %dma_start3A_334 = arith.constant 0 : i32
      %dma_start3A_335 = tpu.memref_slice %arg31[%add3A_333, %dma_start3A_334] : memref<10240x32xf32, #tpu.memory_space<vmem_shared>> -> memref<64x32xf32, #tpu.memory_space<vmem_shared>>
      %dma_start3A_336 = arith.constant 0 : i32
      %dma_start3A_337 = tpu.memref_slice %arg31[%add3A_333, %dma_start3A_336] : memref<10240x32xf32, #tpu.memory_space<vmem_shared>> -> memref<64x32xf32, #tpu.memory_space<vmem_shared>>
      tpu.enqueue_dma source(%arg14 : memref<64x32xf32, #tpu.memory_space<vmem>>) target(%dma_start3A_337 : memref<64x32xf32, #tpu.memory_space<vmem_shared>>) target_semaphore(%arg29 : memref<!tpu.dma_semaphore, #tpu.memory_space<semaphore_mem>>)
      %add3A_338 = arith.constant 64 : i32
      %add3A_339 = arith.addi %mul3A_0, %add3A_338 : i32
      %dma_start3A_340 = arith.constant 0 : i32
      %dma_start3A_341 = tpu.memref_slice %arg32[%add3A_339, %dma_start3A_340] : memref<10240x32xf32, #tpu.memory_space<vmem_shared>> -> memref<64x32xf32, #tpu.memory_space<vmem_shared>>
      %dma_start3A_342 = arith.constant 0 : i32
      %dma_start3A_343 = tpu.memref_slice %arg32[%add3A_339, %dma_start3A_342] : memref<10240x32xf32, #tpu.memory_space<vmem_shared>> -> memref<64x32xf32, #tpu.memory_space<vmem_shared>>
      tpu.enqueue_dma source(%arg12 : memref<64x32xf32, #tpu.memory_space<vmem>>) target(%dma_start3A_343 : memref<64x32xf32, #tpu.memory_space<vmem_shared>>) target_semaphore(%arg30 : memref<!tpu.dma_semaphore, #tpu.memory_space<semaphore_mem>>)
      %dma_wait3A_344 = arith.constant 0 : i32
      %dma_wait3A_345 = tpu.memref_slice %arg31[%add3A_305, %dma_wait3A_344] : memref<10240x32xf32, #tpu.memory_space<vmem_shared>> -> memref<64x32xf32, #tpu.memory_space<vmem_shared>>
      %dma_wait3A_346 = arith.constant 0 : i32
      %dma_wait3A_347 = tpu.memref_slice %arg31[%add3A_305, %dma_wait3A_346] : memref<10240x32xf32, #tpu.memory_space<vmem_shared>> -> memref<64x32xf32, #tpu.memory_space<vmem_shared>>
      tpu.wait_dma2 semaphore(%arg28 : memref<!tpu.dma_semaphore, #tpu.memory_space<semaphore_mem>>) src(%arg13 : memref<64x32xf32, #tpu.memory_space<vmem>>) dst(%dma_wait3A_347 : memref<64x32xf32, #tpu.memory_space<vmem_shared>>)
      %dma_wait3A_348 = arith.constant 0 : i32
      %dma_wait3A_349 = tpu.memref_slice %arg32[%add3A_321, %dma_wait3A_348] : memref<10240x32xf32, #tpu.memory_space<vmem_shared>> -> memref<64x32xf32, #tpu.memory_space<vmem_shared>>
      %dma_wait3A_350 = arith.constant 0 : i32
      %dma_wait3A_351 = tpu.memref_slice %arg32[%add3A_321, %dma_wait3A_350] : memref<10240x32xf32, #tpu.memory_space<vmem_shared>> -> memref<64x32xf32, #tpu.memory_space<vmem_shared>>
      tpu.wait_dma2 semaphore(%arg26 : memref<!tpu.dma_semaphore, #tpu.memory_space<semaphore_mem>>) src(%dma_wait3A_351 : memref<64x32xf32, #tpu.memory_space<vmem_shared>>) dst(%arg13 : memref<64x32xf32, #tpu.memory_space<vmem>>)
      %add3A_352 = arith.constant 192 : i32
      %add3A_353 = arith.addi %mul3A_0, %add3A_352 : i32
      %dma_start3A_354 = arith.constant 0 : i32
      %dma_start3A_355 = tpu.memref_slice %arg32[%add3A_353, %dma_start3A_354] : memref<10240x32xf32, #tpu.memory_space<vmem_shared>> -> memref<64x32xf32, #tpu.memory_space<vmem_shared>>
      %dma_start3A_356 = arith.constant 0 : i32
      %dma_start3A_357 = tpu.memref_slice %arg32[%add3A_353, %dma_start3A_356] : memref<10240x32xf32, #tpu.memory_space<vmem_shared>> -> memref<64x32xf32, #tpu.memory_space<vmem_shared>>
      tpu.enqueue_dma source(%dma_start3A_357 : memref<64x32xf32, #tpu.memory_space<vmem_shared>>) target(%arg14 : memref<64x32xf32, #tpu.memory_space<vmem>>) target_semaphore(%arg27 : memref<!tpu.dma_semaphore, #tpu.memory_space<semaphore_mem>>)
      %scan3A_358 = arith.constant 0 : i32
      %scan3A_359 = arith.constant 0 : i32
      %scan3A_360 = arith.constant 64 : i32
      %scan3A_361 = arith.addi %scan3A_359, %scan3A_360 : i32
      %scan3A_362 = arith.constant 1 : i32
      scf.for %scan3A_643 = %scan3A_359 to %scan3A_361 step %scan3A_362  : i32 {
        %add3A_644 = arith.constant 128 : i32
        %add3A_645 = arith.addi %add3A_644, %scan3A_643 : i32
        %broadcast_in_dim3A_646 = vector.broadcast %add3A_645 : i32 to vector<16xi32>
        %gather3A_647 = tpu.vector_load_idx %arg16[%broadcast_in_dim3A_646] : memref<640xf32, #tpu.memory_space<vmem>>[vector<16xi32>], vector<16xf32>,
        %get3A_648 = arith.index_cast %scan3A_643 : i32 to index
        %get3A_649 = arith.constant 0 : index
        %get3A_650 = tpu.vector_load %arg13[%get3A_648, %get3A_649] {strides = array<i32>} : memref<64x32xf32, #tpu.memory_space<vmem>>, vector<16xf32>,
        %get3A_651 = arith.index_cast %scan3A_643 : i32 to index
        %get3A_652 = arith.constant 16 : index
        %get3A_653 = tpu.vector_load %arg13[%get3A_651, %get3A_652] {strides = array<i32>} : memref<64x32xf32, #tpu.memory_space<vmem>>, vector<16xf32>,
        %mul3A_654 = arith.mulf %gather3A_647, %get3A_650 : vector<16xf32>
        %neg3A = arith.constant 0.000000e+00 : f32
        %neg3A_655 = vector.broadcast %neg3A : f32 to vector<16xf32>
        %neg3A_656 = arith.subf %neg3A_655, %mul3A_654 : vector<16xf32>
        %mul3A_657 = arith.mulf %gather3A_647, %get3A_653 : vector<16xf32>
        %neg3A_658 = arith.constant 0.000000e+00 : f32
        %neg3A_659 = vector.broadcast %neg3A_658 : f32 to vector<16xf32>
        %neg3A_660 = arith.subf %neg3A_659, %mul3A_657 : vector<16xf32>
        %add3A_661 = arith.constant 128 : i32
        %add3A_662 = arith.addi %add3A_661, %scan3A_643 : i32
        %get3A_663 = arith.index_cast %add3A_662 : i32 to index
        %get3A_664 = arith.constant 0 : index
        %get3A_665 = tpu.vector_load %arg15[%get3A_663, %get3A_664] {strides = array<i32>} : memref<640x32xf32, #tpu.memory_space<vmem>>, vector<16xf32>,
        %mul3A_666 = arith.mulf %gather3A, %neg3A_656 : vector<16xf32>
        %add3A_667 = arith.addf %get3A_665, %mul3A_666 : vector<16xf32>
        %swap3A = arith.index_cast %add3A_662 : i32 to index
        %swap3A_668 = arith.constant 0 : index
        %swap3A_669 = tpu.vector_load %arg15[%swap3A, %swap3A_668] {strides = array<i32>} : memref<640x32xf32, #tpu.memory_space<vmem>>, vector<16xf32>,
        tpu.vector_store %arg15[%swap3A, %swap3A_668], %add3A_667 {strides = array<i32>} : memref<640x32xf32, #tpu.memory_space<vmem>>, vector<16xf32>,
        %get3A_670 = arith.index_cast %add3A_662 : i32 to index
        %get3A_671 = arith.constant 16 : index
        %get3A_672 = tpu.vector_load %arg15[%get3A_670, %get3A_671] {strides = array<i32>} : memref<640x32xf32, #tpu.memory_space<vmem>>, vector<16xf32>,
        %mul3A_673 = arith.mulf %gather3A, %neg3A_660 : vector<16xf32>
        %add3A_674 = arith.addf %get3A_672, %mul3A_673 : vector<16xf32>
        %swap3A_675 = arith.index_cast %add3A_662 : i32 to index
        %swap3A_676 = arith.constant 16 : index
        %swap3A_677 = tpu.vector_load %arg15[%swap3A_675, %swap3A_676] {strides = array<i32>} : memref<640x32xf32, #tpu.memory_space<vmem>>, vector<16xf32>,
        tpu.vector_store %arg15[%swap3A_675, %swap3A_676], %add3A_674 {strides = array<i32>} : memref<640x32xf32, #tpu.memory_space<vmem>>, vector<16xf32>,
        %mul3A_678 = arith.mulf %gather3A_647, %neg3A_656 : vector<16xf32>
        %swap3A_679 = arith.index_cast %scan3A_643 : i32 to index
        %swap3A_680 = arith.constant 0 : index
        %swap3A_681 = tpu.vector_load %arg13[%swap3A_679, %swap3A_680] {strides = array<i32>} : memref<64x32xf32, #tpu.memory_space<vmem>>, vector<16xf32>,
        tpu.vector_store %arg13[%swap3A_679, %swap3A_680], %mul3A_678 {strides = array<i32>} : memref<64x32xf32, #tpu.memory_space<vmem>>, vector<16xf32>,
        %mul3A_682 = arith.mulf %gather3A_647, %neg3A_660 : vector<16xf32>
        %swap3A_683 = arith.index_cast %scan3A_643 : i32 to index
        %swap3A_684 = arith.constant 16 : index
        %swap3A_685 = tpu.vector_load %arg13[%swap3A_683, %swap3A_684] {strides = array<i32>} : memref<64x32xf32, #tpu.memory_space<vmem>>, vector<16xf32>,
        tpu.vector_store %arg13[%swap3A_683, %swap3A_684], %mul3A_682 {strides = array<i32>} : memref<64x32xf32, #tpu.memory_space<vmem>>, vector<16xf32>,
      }
      %scan3A_363 = arith.constant 64 : i32
      %add3A_364 = arith.constant 128 : i32
      %add3A_365 = arith.addi %mul3A_0, %add3A_364 : i32
      %dma_start3A_366 = arith.constant 0 : i32
      %dma_start3A_367 = tpu.memref_slice %arg31[%add3A_365, %dma_start3A_366] : memref<10240x32xf32, #tpu.memory_space<vmem_shared>> -> memref<64x32xf32, #tpu.memory_space<vmem_shared>>
      %dma_start3A_368 = arith.constant 0 : i32
      %dma_start3A_369 = tpu.memref_slice %arg31[%add3A_365, %dma_start3A_368] : memref<10240x32xf32, #tpu.memory_space<vmem_shared>> -> memref<64x32xf32, #tpu.memory_space<vmem_shared>>
      tpu.enqueue_dma source(%arg13 : memref<64x32xf32, #tpu.memory_space<vmem>>) target(%dma_start3A_369 : memref<64x32xf32, #tpu.memory_space<vmem_shared>>) target_semaphore(%arg28 : memref<!tpu.dma_semaphore, #tpu.memory_space<semaphore_mem>>)
      %add3A_370 = arith.constant 128 : i32
      %add3A_371 = arith.addi %mul3A_0, %add3A_370 : i32
      %dma_start3A_372 = arith.constant 0 : i32
      %dma_start3A_373 = tpu.memref_slice %arg32[%add3A_371, %dma_start3A_372] : memref<10240x32xf32, #tpu.memory_space<vmem_shared>> -> memref<64x32xf32, #tpu.memory_space<vmem_shared>>
      %dma_start3A_374 = arith.constant 0 : i32
      %dma_start3A_375 = tpu.memref_slice %arg32[%add3A_371, %dma_start3A_374] : memref<10240x32xf32, #tpu.memory_space<vmem_shared>> -> memref<64x32xf32, #tpu.memory_space<vmem_shared>>
      tpu.enqueue_dma source(%arg12 : memref<64x32xf32, #tpu.memory_space<vmem>>) target(%dma_start3A_375 : memref<64x32xf32, #tpu.memory_space<vmem_shared>>) target_semaphore(%arg30 : memref<!tpu.dma_semaphore, #tpu.memory_space<semaphore_mem>>)
      %dma_wait3A_376 = arith.constant 0 : i32
      %dma_wait3A_377 = tpu.memref_slice %arg31[%add3A_333, %dma_wait3A_376] : memref<10240x32xf32, #tpu.memory_space<vmem_shared>> -> memref<64x32xf32, #tpu.memory_space<vmem_shared>>
      %dma_wait3A_378 = arith.constant 0 : i32
      %dma_wait3A_379 = tpu.memref_slice %arg31[%add3A_333, %dma_wait3A_378] : memref<10240x32xf32, #tpu.memory_space<vmem_shared>> -> memref<64x32xf32, #tpu.memory_space<vmem_shared>>
      tpu.wait_dma2 semaphore(%arg29 : memref<!tpu.dma_semaphore, #tpu.memory_space<semaphore_mem>>) src(%arg14 : memref<64x32xf32, #tpu.memory_space<vmem>>) dst(%dma_wait3A_379 : memref<64x32xf32, #tpu.memory_space<vmem_shared>>)
      %dma_wait3A_380 = arith.constant 0 : i32
      %dma_wait3A_381 = tpu.memref_slice %arg32[%add3A_353, %dma_wait3A_380] : memref<10240x32xf32, #tpu.memory_space<vmem_shared>> -> memref<64x32xf32, #tpu.memory_space<vmem_shared>>
      %dma_wait3A_382 = arith.constant 0 : i32
      %dma_wait3A_383 = tpu.memref_slice %arg32[%add3A_353, %dma_wait3A_382] : memref<10240x32xf32, #tpu.memory_space<vmem_shared>> -> memref<64x32xf32, #tpu.memory_space<vmem_shared>>
      tpu.wait_dma2 semaphore(%arg27 : memref<!tpu.dma_semaphore, #tpu.memory_space<semaphore_mem>>) src(%dma_wait3A_383 : memref<64x32xf32, #tpu.memory_space<vmem_shared>>) dst(%arg14 : memref<64x32xf32, #tpu.memory_space<vmem>>)
      %add3A_384 = arith.constant 256 : i32
      %add3A_385 = arith.addi %mul3A_0, %add3A_384 : i32
      %dma_start3A_386 = arith.constant 0 : i32
      %dma_start3A_387 = tpu.memref_slice %arg32[%add3A_385, %dma_start3A_386] : memref<10240x32xf32, #tpu.memory_space<vmem_shared>> -> memref<64x32xf32, #tpu.memory_space<vmem_shared>>
      %dma_start3A_388 = arith.constant 0 : i32
      %dma_start3A_389 = tpu.memref_slice %arg32[%add3A_385, %dma_start3A_388] : memref<10240x32xf32, #tpu.memory_space<vmem_shared>> -> memref<64x32xf32, #tpu.memory_space<vmem_shared>>
      tpu.enqueue_dma source(%dma_start3A_389 : memref<64x32xf32, #tpu.memory_space<vmem_shared>>) target(%arg13 : memref<64x32xf32, #tpu.memory_space<vmem>>) target_semaphore(%arg26 : memref<!tpu.dma_semaphore, #tpu.memory_space<semaphore_mem>>)
      %scan3A_390 = arith.constant 0 : i32
      %scan3A_391 = arith.constant 0 : i32
      %scan3A_392 = arith.constant 64 : i32
      %scan3A_393 = arith.addi %scan3A_391, %scan3A_392 : i32
      %scan3A_394 = arith.constant 1 : i32
      scf.for %scan3A_643 = %scan3A_391 to %scan3A_393 step %scan3A_394  : i32 {
        %add3A_644 = arith.constant 192 : i32
        %add3A_645 = arith.addi %add3A_644, %scan3A_643 : i32
        %broadcast_in_dim3A_646 = vector.broadcast %add3A_645 : i32 to vector<16xi32>
        %gather3A_647 = tpu.vector_load_idx %arg16[%broadcast_in_dim3A_646] : memref<640xf32, #tpu.memory_space<vmem>>[vector<16xi32>], vector<16xf32>,
        %get3A_648 = arith.index_cast %scan3A_643 : i32 to index
        %get3A_649 = arith.constant 0 : index
        %get3A_650 = tpu.vector_load %arg14[%get3A_648, %get3A_649] {strides = array<i32>} : memref<64x32xf32, #tpu.memory_space<vmem>>, vector<16xf32>,
        %get3A_651 = arith.index_cast %scan3A_643 : i32 to index
        %get3A_652 = arith.constant 16 : index
        %get3A_653 = tpu.vector_load %arg14[%get3A_651, %get3A_652] {strides = array<i32>} : memref<64x32xf32, #tpu.memory_space<vmem>>, vector<16xf32>,
        %mul3A_654 = arith.mulf %gather3A_647, %get3A_650 : vector<16xf32>
        %neg3A = arith.constant 0.000000e+00 : f32
        %neg3A_655 = vector.broadcast %neg3A : f32 to vector<16xf32>
        %neg3A_656 = arith.subf %neg3A_655, %mul3A_654 : vector<16xf32>
        %mul3A_657 = arith.mulf %gather3A_647, %get3A_653 : vector<16xf32>
        %neg3A_658 = arith.constant 0.000000e+00 : f32
        %neg3A_659 = vector.broadcast %neg3A_658 : f32 to vector<16xf32>
        %neg3A_660 = arith.subf %neg3A_659, %mul3A_657 : vector<16xf32>
        %add3A_661 = arith.constant 192 : i32
        %add3A_662 = arith.addi %add3A_661, %scan3A_643 : i32
        %get3A_663 = arith.index_cast %add3A_662 : i32 to index
        %get3A_664 = arith.constant 0 : index
        %get3A_665 = tpu.vector_load %arg15[%get3A_663, %get3A_664] {strides = array<i32>} : memref<640x32xf32, #tpu.memory_space<vmem>>, vector<16xf32>,
        %mul3A_666 = arith.mulf %gather3A, %neg3A_656 : vector<16xf32>
        %add3A_667 = arith.addf %get3A_665, %mul3A_666 : vector<16xf32>
        %swap3A = arith.index_cast %add3A_662 : i32 to index
        %swap3A_668 = arith.constant 0 : index
        %swap3A_669 = tpu.vector_load %arg15[%swap3A, %swap3A_668] {strides = array<i32>} : memref<640x32xf32, #tpu.memory_space<vmem>>, vector<16xf32>,
        tpu.vector_store %arg15[%swap3A, %swap3A_668], %add3A_667 {strides = array<i32>} : memref<640x32xf32, #tpu.memory_space<vmem>>, vector<16xf32>,
        %get3A_670 = arith.index_cast %add3A_662 : i32 to index
        %get3A_671 = arith.constant 16 : index
        %get3A_672 = tpu.vector_load %arg15[%get3A_670, %get3A_671] {strides = array<i32>} : memref<640x32xf32, #tpu.memory_space<vmem>>, vector<16xf32>,
        %mul3A_673 = arith.mulf %gather3A, %neg3A_660 : vector<16xf32>
        %add3A_674 = arith.addf %get3A_672, %mul3A_673 : vector<16xf32>
        %swap3A_675 = arith.index_cast %add3A_662 : i32 to index
        %swap3A_676 = arith.constant 16 : index
        %swap3A_677 = tpu.vector_load %arg15[%swap3A_675, %swap3A_676] {strides = array<i32>} : memref<640x32xf32, #tpu.memory_space<vmem>>, vector<16xf32>,
        tpu.vector_store %arg15[%swap3A_675, %swap3A_676], %add3A_674 {strides = array<i32>} : memref<640x32xf32, #tpu.memory_space<vmem>>, vector<16xf32>,
        %mul3A_678 = arith.mulf %gather3A_647, %neg3A_656 : vector<16xf32>
        %swap3A_679 = arith.index_cast %scan3A_643 : i32 to index
        %swap3A_680 = arith.constant 0 : index
        %swap3A_681 = tpu.vector_load %arg14[%swap3A_679, %swap3A_680] {strides = array<i32>} : memref<64x32xf32, #tpu.memory_space<vmem>>, vector<16xf32>,
        tpu.vector_store %arg14[%swap3A_679, %swap3A_680], %mul3A_678 {strides = array<i32>} : memref<64x32xf32, #tpu.memory_space<vmem>>, vector<16xf32>,
        %mul3A_682 = arith.mulf %gather3A_647, %neg3A_660 : vector<16xf32>
        %swap3A_683 = arith.index_cast %scan3A_643 : i32 to index
        %swap3A_684 = arith.constant 16 : index
        %swap3A_685 = tpu.vector_load %arg14[%swap3A_683, %swap3A_684] {strides = array<i32>} : memref<64x32xf32, #tpu.memory_space<vmem>>, vector<16xf32>,
        tpu.vector_store %arg14[%swap3A_683, %swap3A_684], %mul3A_682 {strides = array<i32>} : memref<64x32xf32, #tpu.memory_space<vmem>>, vector<16xf32>,
      }
      %scan3A_395 = arith.constant 64 : i32
      %add3A_396 = arith.constant 192 : i32
      %add3A_397 = arith.addi %mul3A_0, %add3A_396 : i32
      %dma_start3A_398 = arith.constant 0 : i32
      %dma_start3A_399 = tpu.memref_slice %arg31[%add3A_397, %dma_start3A_398] : memref<10240x32xf32, #tpu.memory_space<vmem_shared>> -> memref<64x32xf32, #tpu.memory_space<vmem_shared>>
      %dma_start3A_400 = arith.constant 0 : i32
      %dma_start3A_401 = tpu.memref_slice %arg31[%add3A_397, %dma_start3A_400] : memref<10240x32xf32, #tpu.memory_space<vmem_shared>> -> memref<64x32xf32, #tpu.memory_space<vmem_shared>>
      tpu.enqueue_dma source(%arg14 : memref<64x32xf32, #tpu.memory_space<vmem>>) target(%dma_start3A_401 : memref<64x32xf32, #tpu.memory_space<vmem_shared>>) target_semaphore(%arg29 : memref<!tpu.dma_semaphore, #tpu.memory_space<semaphore_mem>>)
      %add3A_402 = arith.constant 192 : i32
      %add3A_403 = arith.addi %mul3A_0, %add3A_402 : i32
      %dma_start3A_404 = arith.constant 0 : i32
      %dma_start3A_405 = tpu.memref_slice %arg32[%add3A_403, %dma_start3A_404] : memref<10240x32xf32, #tpu.memory_space<vmem_shared>> -> memref<64x32xf32, #tpu.memory_space<vmem_shared>>
      %dma_start3A_406 = arith.constant 0 : i32
      %dma_start3A_407 = tpu.memref_slice %arg32[%add3A_403, %dma_start3A_406] : memref<10240x32xf32, #tpu.memory_space<vmem_shared>> -> memref<64x32xf32, #tpu.memory_space<vmem_shared>>
      tpu.enqueue_dma source(%arg12 : memref<64x32xf32, #tpu.memory_space<vmem>>) target(%dma_start3A_407 : memref<64x32xf32, #tpu.memory_space<vmem_shared>>) target_semaphore(%arg30 : memref<!tpu.dma_semaphore, #tpu.memory_space<semaphore_mem>>)
      %dma_wait3A_408 = arith.constant 0 : i32
      %dma_wait3A_409 = tpu.memref_slice %arg31[%add3A_365, %dma_wait3A_408] : memref<10240x32xf32, #tpu.memory_space<vmem_shared>> -> memref<64x32xf32, #tpu.memory_space<vmem_shared>>
      %dma_wait3A_410 = arith.constant 0 : i32
      %dma_wait3A_411 = tpu.memref_slice %arg31[%add3A_365, %dma_wait3A_410] : memref<10240x32xf32, #tpu.memory_space<vmem_shared>> -> memref<64x32xf32, #tpu.memory_space<vmem_shared>>
      tpu.wait_dma2 semaphore(%arg28 : memref<!tpu.dma_semaphore, #tpu.memory_space<semaphore_mem>>) src(%arg13 : memref<64x32xf32, #tpu.memory_space<vmem>>) dst(%dma_wait3A_411 : memref<64x32xf32, #tpu.memory_space<vmem_shared>>)
      %dma_wait3A_412 = arith.constant 0 : i32
      %dma_wait3A_413 = tpu.memref_slice %arg32[%add3A_385, %dma_wait3A_412] : memref<10240x32xf32, #tpu.memory_space<vmem_shared>> -> memref<64x32xf32, #tpu.memory_space<vmem_shared>>
      %dma_wait3A_414 = arith.constant 0 : i32
      %dma_wait3A_415 = tpu.memref_slice %arg32[%add3A_385, %dma_wait3A_414] : memref<10240x32xf32, #tpu.memory_space<vmem_shared>> -> memref<64x32xf32, #tpu.memory_space<vmem_shared>>
      tpu.wait_dma2 semaphore(%arg26 : memref<!tpu.dma_semaphore, #tpu.memory_space<semaphore_mem>>) src(%dma_wait3A_415 : memref<64x32xf32, #tpu.memory_space<vmem_shared>>) dst(%arg13 : memref<64x32xf32, #tpu.memory_space<vmem>>)
      %add3A_416 = arith.constant 320 : i32
      %add3A_417 = arith.addi %mul3A_0, %add3A_416 : i32
      %dma_start3A_418 = arith.constant 0 : i32
      %dma_start3A_419 = tpu.memref_slice %arg32[%add3A_417, %dma_start3A_418] : memref<10240x32xf32, #tpu.memory_space<vmem_shared>> -> memref<64x32xf32, #tpu.memory_space<vmem_shared>>
      %dma_start3A_420 = arith.constant 0 : i32
      %dma_start3A_421 = tpu.memref_slice %arg32[%add3A_417, %dma_start3A_420] : memref<10240x32xf32, #tpu.memory_space<vmem_shared>> -> memref<64x32xf32, #tpu.memory_space<vmem_shared>>
      tpu.enqueue_dma source(%dma_start3A_421 : memref<64x32xf32, #tpu.memory_space<vmem_shared>>) target(%arg14 : memref<64x32xf32, #tpu.memory_space<vmem>>) target_semaphore(%arg27 : memref<!tpu.dma_semaphore, #tpu.memory_space<semaphore_mem>>)
      %scan3A_422 = arith.constant 0 : i32
      %scan3A_423 = arith.constant 0 : i32
      %scan3A_424 = arith.constant 64 : i32
      %scan3A_425 = arith.addi %scan3A_423, %scan3A_424 : i32
      %scan3A_426 = arith.constant 1 : i32
      scf.for %scan3A_643 = %scan3A_423 to %scan3A_425 step %scan3A_426  : i32 {
        %add3A_644 = arith.constant 256 : i32
        %add3A_645 = arith.addi %add3A_644, %scan3A_643 : i32
        %broadcast_in_dim3A_646 = vector.broadcast %add3A_645 : i32 to vector<16xi32>
        %gather3A_647 = tpu.vector_load_idx %arg16[%broadcast_in_dim3A_646] : memref<640xf32, #tpu.memory_space<vmem>>[vector<16xi32>], vector<16xf32>,
        %get3A_648 = arith.index_cast %scan3A_643 : i32 to index
        %get3A_649 = arith.constant 0 : index
        %get3A_650 = tpu.vector_load %arg13[%get3A_648, %get3A_649] {strides = array<i32>} : memref<64x32xf32, #tpu.memory_space<vmem>>, vector<16xf32>,
        %get3A_651 = arith.index_cast %scan3A_643 : i32 to index
        %get3A_652 = arith.constant 16 : index
        %get3A_653 = tpu.vector_load %arg13[%get3A_651, %get3A_652] {strides = array<i32>} : memref<64x32xf32, #tpu.memory_space<vmem>>, vector<16xf32>,
        %mul3A_654 = arith.mulf %gather3A_647, %get3A_650 : vector<16xf32>
        %neg3A = arith.constant 0.000000e+00 : f32
        %neg3A_655 = vector.broadcast %neg3A : f32 to vector<16xf32>
        %neg3A_656 = arith.subf %neg3A_655, %mul3A_654 : vector<16xf32>
        %mul3A_657 = arith.mulf %gather3A_647, %get3A_653 : vector<16xf32>
        %neg3A_658 = arith.constant 0.000000e+00 : f32
        %neg3A_659 = vector.broadcast %neg3A_658 : f32 to vector<16xf32>
        %neg3A_660 = arith.subf %neg3A_659, %mul3A_657 : vector<16xf32>
        %add3A_661 = arith.constant 256 : i32
        %add3A_662 = arith.addi %add3A_661, %scan3A_643 : i32
        %get3A_663 = arith.index_cast %add3A_662 : i32 to index
        %get3A_664 = arith.constant 0 : index
        %get3A_665 = tpu.vector_load %arg15[%get3A_663, %get3A_664] {strides = array<i32>} : memref<640x32xf32, #tpu.memory_space<vmem>>, vector<16xf32>,
        %mul3A_666 = arith.mulf %gather3A, %neg3A_656 : vector<16xf32>
        %add3A_667 = arith.addf %get3A_665, %mul3A_666 : vector<16xf32>
        %swap3A = arith.index_cast %add3A_662 : i32 to index
        %swap3A_668 = arith.constant 0 : index
        %swap3A_669 = tpu.vector_load %arg15[%swap3A, %swap3A_668] {strides = array<i32>} : memref<640x32xf32, #tpu.memory_space<vmem>>, vector<16xf32>,
        tpu.vector_store %arg15[%swap3A, %swap3A_668], %add3A_667 {strides = array<i32>} : memref<640x32xf32, #tpu.memory_space<vmem>>, vector<16xf32>,
        %get3A_670 = arith.index_cast %add3A_662 : i32 to index
        %get3A_671 = arith.constant 16 : index
        %get3A_672 = tpu.vector_load %arg15[%get3A_670, %get3A_671] {strides = array<i32>} : memref<640x32xf32, #tpu.memory_space<vmem>>, vector<16xf32>,
        %mul3A_673 = arith.mulf %gather3A, %neg3A_660 : vector<16xf32>
        %add3A_674 = arith.addf %get3A_672, %mul3A_673 : vector<16xf32>
        %swap3A_675 = arith.index_cast %add3A_662 : i32 to index
        %swap3A_676 = arith.constant 16 : index
        %swap3A_677 = tpu.vector_load %arg15[%swap3A_675, %swap3A_676] {strides = array<i32>} : memref<640x32xf32, #tpu.memory_space<vmem>>, vector<16xf32>,
        tpu.vector_store %arg15[%swap3A_675, %swap3A_676], %add3A_674 {strides = array<i32>} : memref<640x32xf32, #tpu.memory_space<vmem>>, vector<16xf32>,
        %mul3A_678 = arith.mulf %gather3A_647, %neg3A_656 : vector<16xf32>
        %swap3A_679 = arith.index_cast %scan3A_643 : i32 to index
        %swap3A_680 = arith.constant 0 : index
        %swap3A_681 = tpu.vector_load %arg13[%swap3A_679, %swap3A_680] {strides = array<i32>} : memref<64x32xf32, #tpu.memory_space<vmem>>, vector<16xf32>,
        tpu.vector_store %arg13[%swap3A_679, %swap3A_680], %mul3A_678 {strides = array<i32>} : memref<64x32xf32, #tpu.memory_space<vmem>>, vector<16xf32>,
        %mul3A_682 = arith.mulf %gather3A_647, %neg3A_660 : vector<16xf32>
        %swap3A_683 = arith.index_cast %scan3A_643 : i32 to index
        %swap3A_684 = arith.constant 16 : index
        %swap3A_685 = tpu.vector_load %arg13[%swap3A_683, %swap3A_684] {strides = array<i32>} : memref<64x32xf32, #tpu.memory_space<vmem>>, vector<16xf32>,
        tpu.vector_store %arg13[%swap3A_683, %swap3A_684], %mul3A_682 {strides = array<i32>} : memref<64x32xf32, #tpu.memory_space<vmem>>, vector<16xf32>,
      }
      %scan3A_427 = arith.constant 64 : i32
      %add3A_428 = arith.constant 256 : i32
      %add3A_429 = arith.addi %mul3A_0, %add3A_428 : i32
      %dma_start3A_430 = arith.constant 0 : i32
      %dma_start3A_431 = tpu.memref_slice %arg31[%add3A_429, %dma_start3A_430] : memref<10240x32xf32, #tpu.memory_space<vmem_shared>> -> memref<64x32xf32, #tpu.memory_space<vmem_shared>>
      %dma_start3A_432 = arith.constant 0 : i32
      %dma_start3A_433 = tpu.memref_slice %arg31[%add3A_429, %dma_start3A_432] : memref<10240x32xf32, #tpu.memory_space<vmem_shared>> -> memref<64x32xf32, #tpu.memory_space<vmem_shared>>
      tpu.enqueue_dma source(%arg13 : memref<64x32xf32, #tpu.memory_space<vmem>>) target(%dma_start3A_433 : memref<64x32xf32, #tpu.memory_space<vmem_shared>>) target_semaphore(%arg28 : memref<!tpu.dma_semaphore, #tpu.memory_space<semaphore_mem>>)
      %add3A_434 = arith.constant 256 : i32
      %add3A_435 = arith.addi %mul3A_0, %add3A_434 : i32
      %dma_start3A_436 = arith.constant 0 : i32
      %dma_start3A_437 = tpu.memref_slice %arg32[%add3A_435, %dma_start3A_436] : memref<10240x32xf32, #tpu.memory_space<vmem_shared>> -> memref<64x32xf32, #tpu.memory_space<vmem_shared>>
      %dma_start3A_438 = arith.constant 0 : i32
      %dma_start3A_439 = tpu.memref_slice %arg32[%add3A_435, %dma_start3A_438] : memref<10240x32xf32, #tpu.memory_space<vmem_shared>> -> memref<64x32xf32, #tpu.memory_space<vmem_shared>>
      tpu.enqueue_dma source(%arg12 : memref<64x32xf32, #tpu.memory_space<vmem>>) target(%dma_start3A_439 : memref<64x32xf32, #tpu.memory_space<vmem_shared>>) target_semaphore(%arg30 : memref<!tpu.dma_semaphore, #tpu.memory_space<semaphore_mem>>)
      %dma_wait3A_440 = arith.constant 0 : i32
      %dma_wait3A_441 = tpu.memref_slice %arg31[%add3A_397, %dma_wait3A_440] : memref<10240x32xf32, #tpu.memory_space<vmem_shared>> -> memref<64x32xf32, #tpu.memory_space<vmem_shared>>
      %dma_wait3A_442 = arith.constant 0 : i32
      %dma_wait3A_443 = tpu.memref_slice %arg31[%add3A_397, %dma_wait3A_442] : memref<10240x32xf32, #tpu.memory_space<vmem_shared>> -> memref<64x32xf32, #tpu.memory_space<vmem_shared>>
      tpu.wait_dma2 semaphore(%arg29 : memref<!tpu.dma_semaphore, #tpu.memory_space<semaphore_mem>>) src(%arg14 : memref<64x32xf32, #tpu.memory_space<vmem>>) dst(%dma_wait3A_443 : memref<64x32xf32, #tpu.memory_space<vmem_shared>>)
      %dma_wait3A_444 = arith.constant 0 : i32
      %dma_wait3A_445 = tpu.memref_slice %arg32[%add3A_417, %dma_wait3A_444] : memref<10240x32xf32, #tpu.memory_space<vmem_shared>> -> memref<64x32xf32, #tpu.memory_space<vmem_shared>>
      %dma_wait3A_446 = arith.constant 0 : i32
      %dma_wait3A_447 = tpu.memref_slice %arg32[%add3A_417, %dma_wait3A_446] : memref<10240x32xf32, #tpu.memory_space<vmem_shared>> -> memref<64x32xf32, #tpu.memory_space<vmem_shared>>
      tpu.wait_dma2 semaphore(%arg27 : memref<!tpu.dma_semaphore, #tpu.memory_space<semaphore_mem>>) src(%dma_wait3A_447 : memref<64x32xf32, #tpu.memory_space<vmem_shared>>) dst(%arg14 : memref<64x32xf32, #tpu.memory_space<vmem>>)
      %add3A_448 = arith.constant 384 : i32
      %add3A_449 = arith.addi %mul3A_0, %add3A_448 : i32
      %dma_start3A_450 = arith.constant 0 : i32
      %dma_start3A_451 = tpu.memref_slice %arg32[%add3A_449, %dma_start3A_450] : memref<10240x32xf32, #tpu.memory_space<vmem_shared>> -> memref<64x32xf32, #tpu.memory_space<vmem_shared>>
      %dma_start3A_452 = arith.constant 0 : i32
      %dma_start3A_453 = tpu.memref_slice %arg32[%add3A_449, %dma_start3A_452] : memref<10240x32xf32, #tpu.memory_space<vmem_shared>> -> memref<64x32xf32, #tpu.memory_space<vmem_shared>>
      tpu.enqueue_dma source(%dma_start3A_453 : memref<64x32xf32, #tpu.memory_space<vmem_shared>>) target(%arg13 : memref<64x32xf32, #tpu.memory_space<vmem>>) target_semaphore(%arg26 : memref<!tpu.dma_semaphore, #tpu.memory_space<semaphore_mem>>)
      %scan3A_454 = arith.constant 0 : i32
      %scan3A_455 = arith.constant 0 : i32
      %scan3A_456 = arith.constant 64 : i32
      %scan3A_457 = arith.addi %scan3A_455, %scan3A_456 : i32
      %scan3A_458 = arith.constant 1 : i32
      scf.for %scan3A_643 = %scan3A_455 to %scan3A_457 step %scan3A_458  : i32 {
        %add3A_644 = arith.constant 320 : i32
        %add3A_645 = arith.addi %add3A_644, %scan3A_643 : i32
        %broadcast_in_dim3A_646 = vector.broadcast %add3A_645 : i32 to vector<16xi32>
        %gather3A_647 = tpu.vector_load_idx %arg16[%broadcast_in_dim3A_646] : memref<640xf32, #tpu.memory_space<vmem>>[vector<16xi32>], vector<16xf32>,
        %get3A_648 = arith.index_cast %scan3A_643 : i32 to index
        %get3A_649 = arith.constant 0 : index
        %get3A_650 = tpu.vector_load %arg14[%get3A_648, %get3A_649] {strides = array<i32>} : memref<64x32xf32, #tpu.memory_space<vmem>>, vector<16xf32>,
        %get3A_651 = arith.index_cast %scan3A_643 : i32 to index
        %get3A_652 = arith.constant 16 : index
        %get3A_653 = tpu.vector_load %arg14[%get3A_651, %get3A_652] {strides = array<i32>} : memref<64x32xf32, #tpu.memory_space<vmem>>, vector<16xf32>,
        %mul3A_654 = arith.mulf %gather3A_647, %get3A_650 : vector<16xf32>
        %neg3A = arith.constant 0.000000e+00 : f32
        %neg3A_655 = vector.broadcast %neg3A : f32 to vector<16xf32>
        %neg3A_656 = arith.subf %neg3A_655, %mul3A_654 : vector<16xf32>
        %mul3A_657 = arith.mulf %gather3A_647, %get3A_653 : vector<16xf32>
        %neg3A_658 = arith.constant 0.000000e+00 : f32
        %neg3A_659 = vector.broadcast %neg3A_658 : f32 to vector<16xf32>
        %neg3A_660 = arith.subf %neg3A_659, %mul3A_657 : vector<16xf32>
        %add3A_661 = arith.constant 320 : i32
        %add3A_662 = arith.addi %add3A_661, %scan3A_643 : i32
        %get3A_663 = arith.index_cast %add3A_662 : i32 to index
        %get3A_664 = arith.constant 0 : index
        %get3A_665 = tpu.vector_load %arg15[%get3A_663, %get3A_664] {strides = array<i32>} : memref<640x32xf32, #tpu.memory_space<vmem>>, vector<16xf32>,
        %mul3A_666 = arith.mulf %gather3A, %neg3A_656 : vector<16xf32>
        %add3A_667 = arith.addf %get3A_665, %mul3A_666 : vector<16xf32>
        %swap3A = arith.index_cast %add3A_662 : i32 to index
        %swap3A_668 = arith.constant 0 : index
        %swap3A_669 = tpu.vector_load %arg15[%swap3A, %swap3A_668] {strides = array<i32>} : memref<640x32xf32, #tpu.memory_space<vmem>>, vector<16xf32>,
        tpu.vector_store %arg15[%swap3A, %swap3A_668], %add3A_667 {strides = array<i32>} : memref<640x32xf32, #tpu.memory_space<vmem>>, vector<16xf32>,
        %get3A_670 = arith.index_cast %add3A_662 : i32 to index
        %get3A_671 = arith.constant 16 : index
        %get3A_672 = tpu.vector_load %arg15[%get3A_670, %get3A_671] {strides = array<i32>} : memref<640x32xf32, #tpu.memory_space<vmem>>, vector<16xf32>,
        %mul3A_673 = arith.mulf %gather3A, %neg3A_660 : vector<16xf32>
        %add3A_674 = arith.addf %get3A_672, %mul3A_673 : vector<16xf32>
        %swap3A_675 = arith.index_cast %add3A_662 : i32 to index
        %swap3A_676 = arith.constant 16 : index
        %swap3A_677 = tpu.vector_load %arg15[%swap3A_675, %swap3A_676] {strides = array<i32>} : memref<640x32xf32, #tpu.memory_space<vmem>>, vector<16xf32>,
        tpu.vector_store %arg15[%swap3A_675, %swap3A_676], %add3A_674 {strides = array<i32>} : memref<640x32xf32, #tpu.memory_space<vmem>>, vector<16xf32>,
        %mul3A_678 = arith.mulf %gather3A_647, %neg3A_656 : vector<16xf32>
        %swap3A_679 = arith.index_cast %scan3A_643 : i32 to index
        %swap3A_680 = arith.constant 0 : index
        %swap3A_681 = tpu.vector_load %arg14[%swap3A_679, %swap3A_680] {strides = array<i32>} : memref<64x32xf32, #tpu.memory_space<vmem>>, vector<16xf32>,
        tpu.vector_store %arg14[%swap3A_679, %swap3A_680], %mul3A_678 {strides = array<i32>} : memref<64x32xf32, #tpu.memory_space<vmem>>, vector<16xf32>,
        %mul3A_682 = arith.mulf %gather3A_647, %neg3A_660 : vector<16xf32>
        %swap3A_683 = arith.index_cast %scan3A_643 : i32 to index
        %swap3A_684 = arith.constant 16 : index
        %swap3A_685 = tpu.vector_load %arg14[%swap3A_683, %swap3A_684] {strides = array<i32>} : memref<64x32xf32, #tpu.memory_space<vmem>>, vector<16xf32>,
        tpu.vector_store %arg14[%swap3A_683, %swap3A_684], %mul3A_682 {strides = array<i32>} : memref<64x32xf32, #tpu.memory_space<vmem>>, vector<16xf32>,
      }
      %scan3A_459 = arith.constant 64 : i32
      %add3A_460 = arith.constant 320 : i32
      %add3A_461 = arith.addi %mul3A_0, %add3A_460 : i32
      %dma_start3A_462 = arith.constant 0 : i32
      %dma_start3A_463 = tpu.memref_slice %arg31[%add3A_461, %dma_start3A_462] : memref<10240x32xf32, #tpu.memory_space<vmem_shared>> -> memref<64x32xf32, #tpu.memory_space<vmem_shared>>
      %dma_start3A_464 = arith.constant 0 : i32
      %dma_start3A_465 = tpu.memref_slice %arg31[%add3A_461, %dma_start3A_464] : memref<10240x32xf32, #tpu.memory_space<vmem_shared>> -> memref<64x32xf32, #tpu.memory_space<vmem_shared>>
      tpu.enqueue_dma source(%arg14 : memref<64x32xf32, #tpu.memory_space<vmem>>) target(%dma_start3A_465 : memref<64x32xf32, #tpu.memory_space<vmem_shared>>) target_semaphore(%arg29 : memref<!tpu.dma_semaphore, #tpu.memory_space<semaphore_mem>>)
      %add3A_466 = arith.constant 320 : i32
      %add3A_467 = arith.addi %mul3A_0, %add3A_466 : i32
      %dma_start3A_468 = arith.constant 0 : i32
      %dma_start3A_469 = tpu.memref_slice %arg32[%add3A_467, %dma_start3A_468] : memref<10240x32xf32, #tpu.memory_space<vmem_shared>> -> memref<64x32xf32, #tpu.memory_space<vmem_shared>>
      %dma_start3A_470 = arith.constant 0 : i32
      %dma_start3A_471 = tpu.memref_slice %arg32[%add3A_467, %dma_start3A_470] : memref<10240x32xf32, #tpu.memory_space<vmem_shared>> -> memref<64x32xf32, #tpu.memory_space<vmem_shared>>
      tpu.enqueue_dma source(%arg12 : memref<64x32xf32, #tpu.memory_space<vmem>>) target(%dma_start3A_471 : memref<64x32xf32, #tpu.memory_space<vmem_shared>>) target_semaphore(%arg30 : memref<!tpu.dma_semaphore, #tpu.memory_space<semaphore_mem>>)
      %dma_wait3A_472 = arith.constant 0 : i32
      %dma_wait3A_473 = tpu.memref_slice %arg31[%add3A_429, %dma_wait3A_472] : memref<10240x32xf32, #tpu.memory_space<vmem_shared>> -> memref<64x32xf32, #tpu.memory_space<vmem_shared>>
      %dma_wait3A_474 = arith.constant 0 : i32
      %dma_wait3A_475 = tpu.memref_slice %arg31[%add3A_429, %dma_wait3A_474] : memref<10240x32xf32, #tpu.memory_space<vmem_shared>> -> memref<64x32xf32, #tpu.memory_space<vmem_shared>>
      tpu.wait_dma2 semaphore(%arg28 : memref<!tpu.dma_semaphore, #tpu.memory_space<semaphore_mem>>) src(%arg13 : memref<64x32xf32, #tpu.memory_space<vmem>>) dst(%dma_wait3A_475 : memref<64x32xf32, #tpu.memory_space<vmem_shared>>)
      %dma_wait3A_476 = arith.constant 0 : i32
      %dma_wait3A_477 = tpu.memref_slice %arg32[%add3A_449, %dma_wait3A_476] : memref<10240x32xf32, #tpu.memory_space<vmem_shared>> -> memref<64x32xf32, #tpu.memory_space<vmem_shared>>
      %dma_wait3A_478 = arith.constant 0 : i32
      %dma_wait3A_479 = tpu.memref_slice %arg32[%add3A_449, %dma_wait3A_478] : memref<10240x32xf32, #tpu.memory_space<vmem_shared>> -> memref<64x32xf32, #tpu.memory_space<vmem_shared>>
      tpu.wait_dma2 semaphore(%arg26 : memref<!tpu.dma_semaphore, #tpu.memory_space<semaphore_mem>>) src(%dma_wait3A_479 : memref<64x32xf32, #tpu.memory_space<vmem_shared>>) dst(%arg13 : memref<64x32xf32, #tpu.memory_space<vmem>>)
      %add3A_480 = arith.constant 448 : i32
      %add3A_481 = arith.addi %mul3A_0, %add3A_480 : i32
      %dma_start3A_482 = arith.constant 0 : i32
      %dma_start3A_483 = tpu.memref_slice %arg32[%add3A_481, %dma_start3A_482] : memref<10240x32xf32, #tpu.memory_space<vmem_shared>> -> memref<64x32xf32, #tpu.memory_space<vmem_shared>>
      %dma_start3A_484 = arith.constant 0 : i32
      %dma_start3A_485 = tpu.memref_slice %arg32[%add3A_481, %dma_start3A_484] : memref<10240x32xf32, #tpu.memory_space<vmem_shared>> -> memref<64x32xf32, #tpu.memory_space<vmem_shared>>
      tpu.enqueue_dma source(%dma_start3A_485 : memref<64x32xf32, #tpu.memory_space<vmem_shared>>) target(%arg14 : memref<64x32xf32, #tpu.memory_space<vmem>>) target_semaphore(%arg27 : memref<!tpu.dma_semaphore, #tpu.memory_space<semaphore_mem>>)
      %scan3A_486 = arith.constant 0 : i32
      %scan3A_487 = arith.constant 0 : i32
      %scan3A_488 = arith.constant 64 : i32
      %scan3A_489 = arith.addi %scan3A_487, %scan3A_488 : i32
      %scan3A_490 = arith.constant 1 : i32
      scf.for %scan3A_643 = %scan3A_487 to %scan3A_489 step %scan3A_490  : i32 {
        %add3A_644 = arith.constant 384 : i32
        %add3A_645 = arith.addi %add3A_644, %scan3A_643 : i32
        %broadcast_in_dim3A_646 = vector.broadcast %add3A_645 : i32 to vector<16xi32>
        %gather3A_647 = tpu.vector_load_idx %arg16[%broadcast_in_dim3A_646] : memref<640xf32, #tpu.memory_space<vmem>>[vector<16xi32>], vector<16xf32>,
        %get3A_648 = arith.index_cast %scan3A_643 : i32 to index
        %get3A_649 = arith.constant 0 : index
        %get3A_650 = tpu.vector_load %arg13[%get3A_648, %get3A_649] {strides = array<i32>} : memref<64x32xf32, #tpu.memory_space<vmem>>, vector<16xf32>,
        %get3A_651 = arith.index_cast %scan3A_643 : i32 to index
        %get3A_652 = arith.constant 16 : index
        %get3A_653 = tpu.vector_load %arg13[%get3A_651, %get3A_652] {strides = array<i32>} : memref<64x32xf32, #tpu.memory_space<vmem>>, vector<16xf32>,
        %mul3A_654 = arith.mulf %gather3A_647, %get3A_650 : vector<16xf32>
        %neg3A = arith.constant 0.000000e+00 : f32
        %neg3A_655 = vector.broadcast %neg3A : f32 to vector<16xf32>
        %neg3A_656 = arith.subf %neg3A_655, %mul3A_654 : vector<16xf32>
        %mul3A_657 = arith.mulf %gather3A_647, %get3A_653 : vector<16xf32>
        %neg3A_658 = arith.constant 0.000000e+00 : f32
        %neg3A_659 = vector.broadcast %neg3A_658 : f32 to vector<16xf32>
        %neg3A_660 = arith.subf %neg3A_659, %mul3A_657 : vector<16xf32>
        %add3A_661 = arith.constant 384 : i32
        %add3A_662 = arith.addi %add3A_661, %scan3A_643 : i32
        %get3A_663 = arith.index_cast %add3A_662 : i32 to index
        %get3A_664 = arith.constant 0 : index
        %get3A_665 = tpu.vector_load %arg15[%get3A_663, %get3A_664] {strides = array<i32>} : memref<640x32xf32, #tpu.memory_space<vmem>>, vector<16xf32>,
        %mul3A_666 = arith.mulf %gather3A, %neg3A_656 : vector<16xf32>
        %add3A_667 = arith.addf %get3A_665, %mul3A_666 : vector<16xf32>
        %swap3A = arith.index_cast %add3A_662 : i32 to index
        %swap3A_668 = arith.constant 0 : index
        %swap3A_669 = tpu.vector_load %arg15[%swap3A, %swap3A_668] {strides = array<i32>} : memref<640x32xf32, #tpu.memory_space<vmem>>, vector<16xf32>,
        tpu.vector_store %arg15[%swap3A, %swap3A_668], %add3A_667 {strides = array<i32>} : memref<640x32xf32, #tpu.memory_space<vmem>>, vector<16xf32>,
        %get3A_670 = arith.index_cast %add3A_662 : i32 to index
        %get3A_671 = arith.constant 16 : index
        %get3A_672 = tpu.vector_load %arg15[%get3A_670, %get3A_671] {strides = array<i32>} : memref<640x32xf32, #tpu.memory_space<vmem>>, vector<16xf32>,
        %mul3A_673 = arith.mulf %gather3A, %neg3A_660 : vector<16xf32>
        %add3A_674 = arith.addf %get3A_672, %mul3A_673 : vector<16xf32>
        %swap3A_675 = arith.index_cast %add3A_662 : i32 to index
        %swap3A_676 = arith.constant 16 : index
        %swap3A_677 = tpu.vector_load %arg15[%swap3A_675, %swap3A_676] {strides = array<i32>} : memref<640x32xf32, #tpu.memory_space<vmem>>, vector<16xf32>,
        tpu.vector_store %arg15[%swap3A_675, %swap3A_676], %add3A_674 {strides = array<i32>} : memref<640x32xf32, #tpu.memory_space<vmem>>, vector<16xf32>,
        %mul3A_678 = arith.mulf %gather3A_647, %neg3A_656 : vector<16xf32>
        %swap3A_679 = arith.index_cast %scan3A_643 : i32 to index
        %swap3A_680 = arith.constant 0 : index
        %swap3A_681 = tpu.vector_load %arg13[%swap3A_679, %swap3A_680] {strides = array<i32>} : memref<64x32xf32, #tpu.memory_space<vmem>>, vector<16xf32>,
        tpu.vector_store %arg13[%swap3A_679, %swap3A_680], %mul3A_678 {strides = array<i32>} : memref<64x32xf32, #tpu.memory_space<vmem>>, vector<16xf32>,
        %mul3A_682 = arith.mulf %gather3A_647, %neg3A_660 : vector<16xf32>
        %swap3A_683 = arith.index_cast %scan3A_643 : i32 to index
        %swap3A_684 = arith.constant 16 : index
        %swap3A_685 = tpu.vector_load %arg13[%swap3A_683, %swap3A_684] {strides = array<i32>} : memref<64x32xf32, #tpu.memory_space<vmem>>, vector<16xf32>,
        tpu.vector_store %arg13[%swap3A_683, %swap3A_684], %mul3A_682 {strides = array<i32>} : memref<64x32xf32, #tpu.memory_space<vmem>>, vector<16xf32>,
      }
      %scan3A_491 = arith.constant 64 : i32
      %add3A_492 = arith.constant 384 : i32
      %add3A_493 = arith.addi %mul3A_0, %add3A_492 : i32
      %dma_start3A_494 = arith.constant 0 : i32
      %dma_start3A_495 = tpu.memref_slice %arg31[%add3A_493, %dma_start3A_494] : memref<10240x32xf32, #tpu.memory_space<vmem_shared>> -> memref<64x32xf32, #tpu.memory_space<vmem_shared>>
      %dma_start3A_496 = arith.constant 0 : i32
      %dma_start3A_497 = tpu.memref_slice %arg31[%add3A_493, %dma_start3A_496] : memref<10240x32xf32, #tpu.memory_space<vmem_shared>> -> memref<64x32xf32, #tpu.memory_space<vmem_shared>>
      tpu.enqueue_dma source(%arg13 : memref<64x32xf32, #tpu.memory_space<vmem>>) target(%dma_start3A_497 : memref<64x32xf32, #tpu.memory_space<vmem_shared>>) target_semaphore(%arg28 : memref<!tpu.dma_semaphore, #tpu.memory_space<semaphore_mem>>)
      %add3A_498 = arith.constant 384 : i32
      %add3A_499 = arith.addi %mul3A_0, %add3A_498 : i32
      %dma_start3A_500 = arith.constant 0 : i32
      %dma_start3A_501 = tpu.memref_slice %arg32[%add3A_499, %dma_start3A_500] : memref<10240x32xf32, #tpu.memory_space<vmem_shared>> -> memref<64x32xf32, #tpu.memory_space<vmem_shared>>
      %dma_start3A_502 = arith.constant 0 : i32
      %dma_start3A_503 = tpu.memref_slice %arg32[%add3A_499, %dma_start3A_502] : memref<10240x32xf32, #tpu.memory_space<vmem_shared>> -> memref<64x32xf32, #tpu.memory_space<vmem_shared>>
      tpu.enqueue_dma source(%arg12 : memref<64x32xf32, #tpu.memory_space<vmem>>) target(%dma_start3A_503 : memref<64x32xf32, #tpu.memory_space<vmem_shared>>) target_semaphore(%arg30 : memref<!tpu.dma_semaphore, #tpu.memory_space<semaphore_mem>>)
      %dma_wait3A_504 = arith.constant 0 : i32
      %dma_wait3A_505 = tpu.memref_slice %arg31[%add3A_461, %dma_wait3A_504] : memref<10240x32xf32, #tpu.memory_space<vmem_shared>> -> memref<64x32xf32, #tpu.memory_space<vmem_shared>>
      %dma_wait3A_506 = arith.constant 0 : i32
      %dma_wait3A_507 = tpu.memref_slice %arg31[%add3A_461, %dma_wait3A_506] : memref<10240x32xf32, #tpu.memory_space<vmem_shared>> -> memref<64x32xf32, #tpu.memory_space<vmem_shared>>
      tpu.wait_dma2 semaphore(%arg29 : memref<!tpu.dma_semaphore, #tpu.memory_space<semaphore_mem>>) src(%arg14 : memref<64x32xf32, #tpu.memory_space<vmem>>) dst(%dma_wait3A_507 : memref<64x32xf32, #tpu.memory_space<vmem_shared>>)
      %dma_wait3A_508 = arith.constant 0 : i32
      %dma_wait3A_509 = tpu.memref_slice %arg32[%add3A_481, %dma_wait3A_508] : memref<10240x32xf32, #tpu.memory_space<vmem_shared>> -> memref<64x32xf32, #tpu.memory_space<vmem_shared>>
      %dma_wait3A_510 = arith.constant 0 : i32
      %dma_wait3A_511 = tpu.memref_slice %arg32[%add3A_481, %dma_wait3A_510] : memref<10240x32xf32, #tpu.memory_space<vmem_shared>> -> memref<64x32xf32, #tpu.memory_space<vmem_shared>>
      tpu.wait_dma2 semaphore(%arg27 : memref<!tpu.dma_semaphore, #tpu.memory_space<semaphore_mem>>) src(%dma_wait3A_511 : memref<64x32xf32, #tpu.memory_space<vmem_shared>>) dst(%arg14 : memref<64x32xf32, #tpu.memory_space<vmem>>)
      %add3A_512 = arith.constant 512 : i32
      %add3A_513 = arith.addi %mul3A_0, %add3A_512 : i32
      %dma_start3A_514 = arith.constant 0 : i32
      %dma_start3A_515 = tpu.memref_slice %arg32[%add3A_513, %dma_start3A_514] : memref<10240x32xf32, #tpu.memory_space<vmem_shared>> -> memref<64x32xf32, #tpu.memory_space<vmem_shared>>
      %dma_start3A_516 = arith.constant 0 : i32
      %dma_start3A_517 = tpu.memref_slice %arg32[%add3A_513, %dma_start3A_516] : memref<10240x32xf32, #tpu.memory_space<vmem_shared>> -> memref<64x32xf32, #tpu.memory_space<vmem_shared>>
      tpu.enqueue_dma source(%dma_start3A_517 : memref<64x32xf32, #tpu.memory_space<vmem_shared>>) target(%arg13 : memref<64x32xf32, #tpu.memory_space<vmem>>) target_semaphore(%arg26 : memref<!tpu.dma_semaphore, #tpu.memory_space<semaphore_mem>>)
      %scan3A_518 = arith.constant 0 : i32
      %scan3A_519 = arith.constant 0 : i32
      %scan3A_520 = arith.constant 64 : i32
      %scan3A_521 = arith.addi %scan3A_519, %scan3A_520 : i32
      %scan3A_522 = arith.constant 1 : i32
      scf.for %scan3A_643 = %scan3A_519 to %scan3A_521 step %scan3A_522  : i32 {
        %add3A_644 = arith.constant 448 : i32
        %add3A_645 = arith.addi %add3A_644, %scan3A_643 : i32
        %broadcast_in_dim3A_646 = vector.broadcast %add3A_645 : i32 to vector<16xi32>
        %gather3A_647 = tpu.vector_load_idx %arg16[%broadcast_in_dim3A_646] : memref<640xf32, #tpu.memory_space<vmem>>[vector<16xi32>], vector<16xf32>,
        %get3A_648 = arith.index_cast %scan3A_643 : i32 to index
        %get3A_649 = arith.constant 0 : index
        %get3A_650 = tpu.vector_load %arg14[%get3A_648, %get3A_649] {strides = array<i32>} : memref<64x32xf32, #tpu.memory_space<vmem>>, vector<16xf32>,
        %get3A_651 = arith.index_cast %scan3A_643 : i32 to index
        %get3A_652 = arith.constant 16 : index
        %get3A_653 = tpu.vector_load %arg14[%get3A_651, %get3A_652] {strides = array<i32>} : memref<64x32xf32, #tpu.memory_space<vmem>>, vector<16xf32>,
        %mul3A_654 = arith.mulf %gather3A_647, %get3A_650 : vector<16xf32>
        %neg3A = arith.constant 0.000000e+00 : f32
        %neg3A_655 = vector.broadcast %neg3A : f32 to vector<16xf32>
        %neg3A_656 = arith.subf %neg3A_655, %mul3A_654 : vector<16xf32>
        %mul3A_657 = arith.mulf %gather3A_647, %get3A_653 : vector<16xf32>
        %neg3A_658 = arith.constant 0.000000e+00 : f32
        %neg3A_659 = vector.broadcast %neg3A_658 : f32 to vector<16xf32>
        %neg3A_660 = arith.subf %neg3A_659, %mul3A_657 : vector<16xf32>
        %add3A_661 = arith.constant 448 : i32
        %add3A_662 = arith.addi %add3A_661, %scan3A_643 : i32
        %get3A_663 = arith.index_cast %add3A_662 : i32 to index
        %get3A_664 = arith.constant 0 : index
        %get3A_665 = tpu.vector_load %arg15[%get3A_663, %get3A_664] {strides = array<i32>} : memref<640x32xf32, #tpu.memory_space<vmem>>, vector<16xf32>,
        %mul3A_666 = arith.mulf %gather3A, %neg3A_656 : vector<16xf32>
        %add3A_667 = arith.addf %get3A_665, %mul3A_666 : vector<16xf32>
        %swap3A = arith.index_cast %add3A_662 : i32 to index
        %swap3A_668 = arith.constant 0 : index
        %swap3A_669 = tpu.vector_load %arg15[%swap3A, %swap3A_668] {strides = array<i32>} : memref<640x32xf32, #tpu.memory_space<vmem>>, vector<16xf32>,
        tpu.vector_store %arg15[%swap3A, %swap3A_668], %add3A_667 {strides = array<i32>} : memref<640x32xf32, #tpu.memory_space<vmem>>, vector<16xf32>,
        %get3A_670 = arith.index_cast %add3A_662 : i32 to index
        %get3A_671 = arith.constant 16 : index
        %get3A_672 = tpu.vector_load %arg15[%get3A_670, %get3A_671] {strides = array<i32>} : memref<640x32xf32, #tpu.memory_space<vmem>>, vector<16xf32>,
        %mul3A_673 = arith.mulf %gather3A, %neg3A_660 : vector<16xf32>
        %add3A_674 = arith.addf %get3A_672, %mul3A_673 : vector<16xf32>
        %swap3A_675 = arith.index_cast %add3A_662 : i32 to index
        %swap3A_676 = arith.constant 16 : index
        %swap3A_677 = tpu.vector_load %arg15[%swap3A_675, %swap3A_676] {strides = array<i32>} : memref<640x32xf32, #tpu.memory_space<vmem>>, vector<16xf32>,
        tpu.vector_store %arg15[%swap3A_675, %swap3A_676], %add3A_674 {strides = array<i32>} : memref<640x32xf32, #tpu.memory_space<vmem>>, vector<16xf32>,
        %mul3A_678 = arith.mulf %gather3A_647, %neg3A_656 : vector<16xf32>
        %swap3A_679 = arith.index_cast %scan3A_643 : i32 to index
        %swap3A_680 = arith.constant 0 : index
        %swap3A_681 = tpu.vector_load %arg14[%swap3A_679, %swap3A_680] {strides = array<i32>} : memref<64x32xf32, #tpu.memory_space<vmem>>, vector<16xf32>,
        tpu.vector_store %arg14[%swap3A_679, %swap3A_680], %mul3A_678 {strides = array<i32>} : memref<64x32xf32, #tpu.memory_space<vmem>>, vector<16xf32>,
        %mul3A_682 = arith.mulf %gather3A_647, %neg3A_660 : vector<16xf32>
        %swap3A_683 = arith.index_cast %scan3A_643 : i32 to index
        %swap3A_684 = arith.constant 16 : index
        %swap3A_685 = tpu.vector_load %arg14[%swap3A_683, %swap3A_684] {strides = array<i32>} : memref<64x32xf32, #tpu.memory_space<vmem>>, vector<16xf32>,
        tpu.vector_store %arg14[%swap3A_683, %swap3A_684], %mul3A_682 {strides = array<i32>} : memref<64x32xf32, #tpu.memory_space<vmem>>, vector<16xf32>,
      }
      %scan3A_523 = arith.constant 64 : i32
      %add3A_524 = arith.constant 448 : i32
      %add3A_525 = arith.addi %mul3A_0, %add3A_524 : i32
      %dma_start3A_526 = arith.constant 0 : i32
      %dma_start3A_527 = tpu.memref_slice %arg31[%add3A_525, %dma_start3A_526] : memref<10240x32xf32, #tpu.memory_space<vmem_shared>> -> memref<64x32xf32, #tpu.memory_space<vmem_shared>>
      %dma_start3A_528 = arith.constant 0 : i32
      %dma_start3A_529 = tpu.memref_slice %arg31[%add3A_525, %dma_start3A_528] : memref<10240x32xf32, #tpu.memory_space<vmem_shared>> -> memref<64x32xf32, #tpu.memory_space<vmem_shared>>
      tpu.enqueue_dma source(%arg14 : memref<64x32xf32, #tpu.memory_space<vmem>>) target(%dma_start3A_529 : memref<64x32xf32, #tpu.memory_space<vmem_shared>>) target_semaphore(%arg29 : memref<!tpu.dma_semaphore, #tpu.memory_space<semaphore_mem>>)
      %add3A_530 = arith.constant 448 : i32
      %add3A_531 = arith.addi %mul3A_0, %add3A_530 : i32
      %dma_start3A_532 = arith.constant 0 : i32
      %dma_start3A_533 = tpu.memref_slice %arg32[%add3A_531, %dma_start3A_532] : memref<10240x32xf32, #tpu.memory_space<vmem_shared>> -> memref<64x32xf32, #tpu.memory_space<vmem_shared>>
      %dma_start3A_534 = arith.constant 0 : i32
      %dma_start3A_535 = tpu.memref_slice %arg32[%add3A_531, %dma_start3A_534] : memref<10240x32xf32, #tpu.memory_space<vmem_shared>> -> memref<64x32xf32, #tpu.memory_space<vmem_shared>>
      tpu.enqueue_dma source(%arg12 : memref<64x32xf32, #tpu.memory_space<vmem>>) target(%dma_start3A_535 : memref<64x32xf32, #tpu.memory_space<vmem_shared>>) target_semaphore(%arg30 : memref<!tpu.dma_semaphore, #tpu.memory_space<semaphore_mem>>)
      %dma_wait3A_536 = arith.constant 0 : i32
      %dma_wait3A_537 = tpu.memref_slice %arg31[%add3A_493, %dma_wait3A_536] : memref<10240x32xf32, #tpu.memory_space<vmem_shared>> -> memref<64x32xf32, #tpu.memory_space<vmem_shared>>
      %dma_wait3A_538 = arith.constant 0 : i32
      %dma_wait3A_539 = tpu.memref_slice %arg31[%add3A_493, %dma_wait3A_538] : memref<10240x32xf32, #tpu.memory_space<vmem_shared>> -> memref<64x32xf32, #tpu.memory_space<vmem_shared>>
      tpu.wait_dma2 semaphore(%arg28 : memref<!tpu.dma_semaphore, #tpu.memory_space<semaphore_mem>>) src(%arg13 : memref<64x32xf32, #tpu.memory_space<vmem>>) dst(%dma_wait3A_539 : memref<64x32xf32, #tpu.memory_space<vmem_shared>>)
      %dma_wait3A_540 = arith.constant 0 : i32
      %dma_wait3A_541 = tpu.memref_slice %arg32[%add3A_513, %dma_wait3A_540] : memref<10240x32xf32, #tpu.memory_space<vmem_shared>> -> memref<64x32xf32, #tpu.memory_space<vmem_shared>>
      %dma_wait3A_542 = arith.constant 0 : i32
      %dma_wait3A_543 = tpu.memref_slice %arg32[%add3A_513, %dma_wait3A_542] : memref<10240x32xf32, #tpu.memory_space<vmem_shared>> -> memref<64x32xf32, #tpu.memory_space<vmem_shared>>
      tpu.wait_dma2 semaphore(%arg26 : memref<!tpu.dma_semaphore, #tpu.memory_space<semaphore_mem>>) src(%dma_wait3A_543 : memref<64x32xf32, #tpu.memory_space<vmem_shared>>) dst(%arg13 : memref<64x32xf32, #tpu.memory_space<vmem>>)
      %add3A_544 = arith.constant 576 : i32
      %add3A_545 = arith.addi %mul3A_0, %add3A_544 : i32
      %dma_start3A_546 = arith.constant 0 : i32
      %dma_start3A_547 = tpu.memref_slice %arg32[%add3A_545, %dma_start3A_546] : memref<10240x32xf32, #tpu.memory_space<vmem_shared>> -> memref<64x32xf32, #tpu.memory_space<vmem_shared>>
      %dma_start3A_548 = arith.constant 0 : i32
      %dma_start3A_549 = tpu.memref_slice %arg32[%add3A_545, %dma_start3A_548] : memref<10240x32xf32, #tpu.memory_space<vmem_shared>> -> memref<64x32xf32, #tpu.memory_space<vmem_shared>>
      tpu.enqueue_dma source(%dma_start3A_549 : memref<64x32xf32, #tpu.memory_space<vmem_shared>>) target(%arg14 : memref<64x32xf32, #tpu.memory_space<vmem>>) target_semaphore(%arg27 : memref<!tpu.dma_semaphore, #tpu.memory_space<semaphore_mem>>)
      %scan3A_550 = arith.constant 0 : i32
      %scan3A_551 = arith.constant 0 : i32
      %scan3A_552 = arith.constant 64 : i32
      %scan3A_553 = arith.addi %scan3A_551, %scan3A_552 : i32
      %scan3A_554 = arith.constant 1 : i32
      scf.for %scan3A_643 = %scan3A_551 to %scan3A_553 step %scan3A_554  : i32 {
        %add3A_644 = arith.constant 512 : i32
        %add3A_645 = arith.addi %add3A_644, %scan3A_643 : i32
        %broadcast_in_dim3A_646 = vector.broadcast %add3A_645 : i32 to vector<16xi32>
        %gather3A_647 = tpu.vector_load_idx %arg16[%broadcast_in_dim3A_646] : memref<640xf32, #tpu.memory_space<vmem>>[vector<16xi32>], vector<16xf32>,
        %get3A_648 = arith.index_cast %scan3A_643 : i32 to index
        %get3A_649 = arith.constant 0 : index
        %get3A_650 = tpu.vector_load %arg13[%get3A_648, %get3A_649] {strides = array<i32>} : memref<64x32xf32, #tpu.memory_space<vmem>>, vector<16xf32>,
        %get3A_651 = arith.index_cast %scan3A_643 : i32 to index
        %get3A_652 = arith.constant 16 : index
        %get3A_653 = tpu.vector_load %arg13[%get3A_651, %get3A_652] {strides = array<i32>} : memref<64x32xf32, #tpu.memory_space<vmem>>, vector<16xf32>,
        %mul3A_654 = arith.mulf %gather3A_647, %get3A_650 : vector<16xf32>
        %neg3A = arith.constant 0.000000e+00 : f32
        %neg3A_655 = vector.broadcast %neg3A : f32 to vector<16xf32>
        %neg3A_656 = arith.subf %neg3A_655, %mul3A_654 : vector<16xf32>
        %mul3A_657 = arith.mulf %gather3A_647, %get3A_653 : vector<16xf32>
        %neg3A_658 = arith.constant 0.000000e+00 : f32
        %neg3A_659 = vector.broadcast %neg3A_658 : f32 to vector<16xf32>
        %neg3A_660 = arith.subf %neg3A_659, %mul3A_657 : vector<16xf32>
        %add3A_661 = arith.constant 512 : i32
        %add3A_662 = arith.addi %add3A_661, %scan3A_643 : i32
        %get3A_663 = arith.index_cast %add3A_662 : i32 to index
        %get3A_664 = arith.constant 0 : index
        %get3A_665 = tpu.vector_load %arg15[%get3A_663, %get3A_664] {strides = array<i32>} : memref<640x32xf32, #tpu.memory_space<vmem>>, vector<16xf32>,
        %mul3A_666 = arith.mulf %gather3A, %neg3A_656 : vector<16xf32>
        %add3A_667 = arith.addf %get3A_665, %mul3A_666 : vector<16xf32>
        %swap3A = arith.index_cast %add3A_662 : i32 to index
        %swap3A_668 = arith.constant 0 : index
        %swap3A_669 = tpu.vector_load %arg15[%swap3A, %swap3A_668] {strides = array<i32>} : memref<640x32xf32, #tpu.memory_space<vmem>>, vector<16xf32>,
        tpu.vector_store %arg15[%swap3A, %swap3A_668], %add3A_667 {strides = array<i32>} : memref<640x32xf32, #tpu.memory_space<vmem>>, vector<16xf32>,
        %get3A_670 = arith.index_cast %add3A_662 : i32 to index
        %get3A_671 = arith.constant 16 : index
        %get3A_672 = tpu.vector_load %arg15[%get3A_670, %get3A_671] {strides = array<i32>} : memref<640x32xf32, #tpu.memory_space<vmem>>, vector<16xf32>,
        %mul3A_673 = arith.mulf %gather3A, %neg3A_660 : vector<16xf32>
        %add3A_674 = arith.addf %get3A_672, %mul3A_673 : vector<16xf32>
        %swap3A_675 = arith.index_cast %add3A_662 : i32 to index
        %swap3A_676 = arith.constant 16 : index
        %swap3A_677 = tpu.vector_load %arg15[%swap3A_675, %swap3A_676] {strides = array<i32>} : memref<640x32xf32, #tpu.memory_space<vmem>>, vector<16xf32>,
        tpu.vector_store %arg15[%swap3A_675, %swap3A_676], %add3A_674 {strides = array<i32>} : memref<640x32xf32, #tpu.memory_space<vmem>>, vector<16xf32>,
        %mul3A_678 = arith.mulf %gather3A_647, %neg3A_656 : vector<16xf32>
        %swap3A_679 = arith.index_cast %scan3A_643 : i32 to index
        %swap3A_680 = arith.constant 0 : index
        %swap3A_681 = tpu.vector_load %arg13[%swap3A_679, %swap3A_680] {strides = array<i32>} : memref<64x32xf32, #tpu.memory_space<vmem>>, vector<16xf32>,
        tpu.vector_store %arg13[%swap3A_679, %swap3A_680], %mul3A_678 {strides = array<i32>} : memref<64x32xf32, #tpu.memory_space<vmem>>, vector<16xf32>,
        %mul3A_682 = arith.mulf %gather3A_647, %neg3A_660 : vector<16xf32>
        %swap3A_683 = arith.index_cast %scan3A_643 : i32 to index
        %swap3A_684 = arith.constant 16 : index
        %swap3A_685 = tpu.vector_load %arg13[%swap3A_683, %swap3A_684] {strides = array<i32>} : memref<64x32xf32, #tpu.memory_space<vmem>>, vector<16xf32>,
        tpu.vector_store %arg13[%swap3A_683, %swap3A_684], %mul3A_682 {strides = array<i32>} : memref<64x32xf32, #tpu.memory_space<vmem>>, vector<16xf32>,
      }
      %scan3A_555 = arith.constant 64 : i32
      %add3A_556 = arith.constant 512 : i32
      %add3A_557 = arith.addi %mul3A_0, %add3A_556 : i32
      %dma_start3A_558 = arith.constant 0 : i32
      %dma_start3A_559 = tpu.memref_slice %arg31[%add3A_557, %dma_start3A_558] : memref<10240x32xf32, #tpu.memory_space<vmem_shared>> -> memref<64x32xf32, #tpu.memory_space<vmem_shared>>
      %dma_start3A_560 = arith.constant 0 : i32
      %dma_start3A_561 = tpu.memref_slice %arg31[%add3A_557, %dma_start3A_560] : memref<10240x32xf32, #tpu.memory_space<vmem_shared>> -> memref<64x32xf32, #tpu.memory_space<vmem_shared>>
      tpu.enqueue_dma source(%arg13 : memref<64x32xf32, #tpu.memory_space<vmem>>) target(%dma_start3A_561 : memref<64x32xf32, #tpu.memory_space<vmem_shared>>) target_semaphore(%arg28 : memref<!tpu.dma_semaphore, #tpu.memory_space<semaphore_mem>>)
      %add3A_562 = arith.constant 512 : i32
      %add3A_563 = arith.addi %mul3A_0, %add3A_562 : i32
      %dma_start3A_564 = arith.constant 0 : i32
      %dma_start3A_565 = tpu.memref_slice %arg32[%add3A_563, %dma_start3A_564] : memref<10240x32xf32, #tpu.memory_space<vmem_shared>> -> memref<64x32xf32, #tpu.memory_space<vmem_shared>>
      %dma_start3A_566 = arith.constant 0 : i32
      %dma_start3A_567 = tpu.memref_slice %arg32[%add3A_563, %dma_start3A_566] : memref<10240x32xf32, #tpu.memory_space<vmem_shared>> -> memref<64x32xf32, #tpu.memory_space<vmem_shared>>
      tpu.enqueue_dma source(%arg12 : memref<64x32xf32, #tpu.memory_space<vmem>>) target(%dma_start3A_567 : memref<64x32xf32, #tpu.memory_space<vmem_shared>>) target_semaphore(%arg30 : memref<!tpu.dma_semaphore, #tpu.memory_space<semaphore_mem>>)
      %dma_wait3A_568 = arith.constant 0 : i32
      %dma_wait3A_569 = tpu.memref_slice %arg31[%add3A_525, %dma_wait3A_568] : memref<10240x32xf32, #tpu.memory_space<vmem_shared>> -> memref<64x32xf32, #tpu.memory_space<vmem_shared>>
      %dma_wait3A_570 = arith.constant 0 : i32
      %dma_wait3A_571 = tpu.memref_slice %arg31[%add3A_525, %dma_wait3A_570] : memref<10240x32xf32, #tpu.memory_space<vmem_shared>> -> memref<64x32xf32, #tpu.memory_space<vmem_shared>>
      tpu.wait_dma2 semaphore(%arg29 : memref<!tpu.dma_semaphore, #tpu.memory_space<semaphore_mem>>) src(%arg14 : memref<64x32xf32, #tpu.memory_space<vmem>>) dst(%dma_wait3A_571 : memref<64x32xf32, #tpu.memory_space<vmem_shared>>)
      %dma_wait3A_572 = arith.constant 0 : i32
      %dma_wait3A_573 = tpu.memref_slice %arg32[%add3A_545, %dma_wait3A_572] : memref<10240x32xf32, #tpu.memory_space<vmem_shared>> -> memref<64x32xf32, #tpu.memory_space<vmem_shared>>
      %dma_wait3A_574 = arith.constant 0 : i32
      %dma_wait3A_575 = tpu.memref_slice %arg32[%add3A_545, %dma_wait3A_574] : memref<10240x32xf32, #tpu.memory_space<vmem_shared>> -> memref<64x32xf32, #tpu.memory_space<vmem_shared>>
      tpu.wait_dma2 semaphore(%arg27 : memref<!tpu.dma_semaphore, #tpu.memory_space<semaphore_mem>>) src(%dma_wait3A_575 : memref<64x32xf32, #tpu.memory_space<vmem_shared>>) dst(%arg14 : memref<64x32xf32, #tpu.memory_space<vmem>>)
      %scan3A_576 = arith.constant 0 : i32
      %scan3A_577 = arith.constant 0 : i32
      %scan3A_578 = arith.constant 64 : i32
      %scan3A_579 = arith.addi %scan3A_577, %scan3A_578 : i32
      %scan3A_580 = arith.constant 1 : i32
      scf.for %scan3A_643 = %scan3A_577 to %scan3A_579 step %scan3A_580  : i32 {
        %add3A_644 = arith.constant 576 : i32
        %add3A_645 = arith.addi %add3A_644, %scan3A_643 : i32
        %broadcast_in_dim3A_646 = vector.broadcast %add3A_645 : i32 to vector<16xi32>
        %gather3A_647 = tpu.vector_load_idx %arg16[%broadcast_in_dim3A_646] : memref<640xf32, #tpu.memory_space<vmem>>[vector<16xi32>], vector<16xf32>,
        %get3A_648 = arith.index_cast %scan3A_643 : i32 to index
        %get3A_649 = arith.constant 0 : index
        %get3A_650 = tpu.vector_load %arg14[%get3A_648, %get3A_649] {strides = array<i32>} : memref<64x32xf32, #tpu.memory_space<vmem>>, vector<16xf32>,
        %get3A_651 = arith.index_cast %scan3A_643 : i32 to index
        %get3A_652 = arith.constant 16 : index
        %get3A_653 = tpu.vector_load %arg14[%get3A_651, %get3A_652] {strides = array<i32>} : memref<64x32xf32, #tpu.memory_space<vmem>>, vector<16xf32>,
        %mul3A_654 = arith.mulf %gather3A_647, %get3A_650 : vector<16xf32>
        %neg3A = arith.constant 0.000000e+00 : f32
        %neg3A_655 = vector.broadcast %neg3A : f32 to vector<16xf32>
        %neg3A_656 = arith.subf %neg3A_655, %mul3A_654 : vector<16xf32>
        %mul3A_657 = arith.mulf %gather3A_647, %get3A_653 : vector<16xf32>
        %neg3A_658 = arith.constant 0.000000e+00 : f32
        %neg3A_659 = vector.broadcast %neg3A_658 : f32 to vector<16xf32>
        %neg3A_660 = arith.subf %neg3A_659, %mul3A_657 : vector<16xf32>
        %add3A_661 = arith.constant 576 : i32
        %add3A_662 = arith.addi %add3A_661, %scan3A_643 : i32
        %get3A_663 = arith.index_cast %add3A_662 : i32 to index
        %get3A_664 = arith.constant 0 : index
        %get3A_665 = tpu.vector_load %arg15[%get3A_663, %get3A_664] {strides = array<i32>} : memref<640x32xf32, #tpu.memory_space<vmem>>, vector<16xf32>,
        %mul3A_666 = arith.mulf %gather3A, %neg3A_656 : vector<16xf32>
        %add3A_667 = arith.addf %get3A_665, %mul3A_666 : vector<16xf32>
        %swap3A = arith.index_cast %add3A_662 : i32 to index
        %swap3A_668 = arith.constant 0 : index
        %swap3A_669 = tpu.vector_load %arg15[%swap3A, %swap3A_668] {strides = array<i32>} : memref<640x32xf32, #tpu.memory_space<vmem>>, vector<16xf32>,
        tpu.vector_store %arg15[%swap3A, %swap3A_668], %add3A_667 {strides = array<i32>} : memref<640x32xf32, #tpu.memory_space<vmem>>, vector<16xf32>,
        %get3A_670 = arith.index_cast %add3A_662 : i32 to index
        %get3A_671 = arith.constant 16 : index
        %get3A_672 = tpu.vector_load %arg15[%get3A_670, %get3A_671] {strides = array<i32>} : memref<640x32xf32, #tpu.memory_space<vmem>>, vector<16xf32>,
        %mul3A_673 = arith.mulf %gather3A, %neg3A_660 : vector<16xf32>
        %add3A_674 = arith.addf %get3A_672, %mul3A_673 : vector<16xf32>
        %swap3A_675 = arith.index_cast %add3A_662 : i32 to index
        %swap3A_676 = arith.constant 16 : index
        %swap3A_677 = tpu.vector_load %arg15[%swap3A_675, %swap3A_676] {strides = array<i32>} : memref<640x32xf32, #tpu.memory_space<vmem>>, vector<16xf32>,
        tpu.vector_store %arg15[%swap3A_675, %swap3A_676], %add3A_674 {strides = array<i32>} : memref<640x32xf32, #tpu.memory_space<vmem>>, vector<16xf32>,
        %mul3A_678 = arith.mulf %gather3A_647, %neg3A_656 : vector<16xf32>
        %swap3A_679 = arith.index_cast %scan3A_643 : i32 to index
        %swap3A_680 = arith.constant 0 : index
        %swap3A_681 = tpu.vector_load %arg14[%swap3A_679, %swap3A_680] {strides = array<i32>} : memref<64x32xf32, #tpu.memory_space<vmem>>, vector<16xf32>,
        tpu.vector_store %arg14[%swap3A_679, %swap3A_680], %mul3A_678 {strides = array<i32>} : memref<64x32xf32, #tpu.memory_space<vmem>>, vector<16xf32>,
        %mul3A_682 = arith.mulf %gather3A_647, %neg3A_660 : vector<16xf32>
        %swap3A_683 = arith.index_cast %scan3A_643 : i32 to index
        %swap3A_684 = arith.constant 16 : index
        %swap3A_685 = tpu.vector_load %arg14[%swap3A_683, %swap3A_684] {strides = array<i32>} : memref<64x32xf32, #tpu.memory_space<vmem>>, vector<16xf32>,
        tpu.vector_store %arg14[%swap3A_683, %swap3A_684], %mul3A_682 {strides = array<i32>} : memref<64x32xf32, #tpu.memory_space<vmem>>, vector<16xf32>,
      }
      %scan3A_581 = arith.constant 64 : i32
      %add3A_582 = arith.constant 576 : i32
      %add3A_583 = arith.addi %mul3A_0, %add3A_582 : i32
      %dma_start3A_584 = arith.constant 0 : i32
      %dma_start3A_585 = tpu.memref_slice %arg31[%add3A_583, %dma_start3A_584] : memref<10240x32xf32, #tpu.memory_space<vmem_shared>> -> memref<64x32xf32, #tpu.memory_space<vmem_shared>>
      %dma_start3A_586 = arith.constant 0 : i32
      %dma_start3A_587 = tpu.memref_slice %arg31[%add3A_583, %dma_start3A_586] : memref<10240x32xf32, #tpu.memory_space<vmem_shared>> -> memref<64x32xf32, #tpu.memory_space<vmem_shared>>
      tpu.enqueue_dma source(%arg14 : memref<64x32xf32, #tpu.memory_space<vmem>>) target(%dma_start3A_587 : memref<64x32xf32, #tpu.memory_space<vmem_shared>>) target_semaphore(%arg29 : memref<!tpu.dma_semaphore, #tpu.memory_space<semaphore_mem>>)
      %add3A_588 = arith.constant 576 : i32
      %add3A_589 = arith.addi %mul3A_0, %add3A_588 : i32
      %dma_start3A_590 = arith.constant 0 : i32
      %dma_start3A_591 = tpu.memref_slice %arg32[%add3A_589, %dma_start3A_590] : memref<10240x32xf32, #tpu.memory_space<vmem_shared>> -> memref<64x32xf32, #tpu.memory_space<vmem_shared>>
      %dma_start3A_592 = arith.constant 0 : i32
      %dma_start3A_593 = tpu.memref_slice %arg32[%add3A_589, %dma_start3A_592] : memref<10240x32xf32, #tpu.memory_space<vmem_shared>> -> memref<64x32xf32, #tpu.memory_space<vmem_shared>>
      tpu.enqueue_dma source(%arg12 : memref<64x32xf32, #tpu.memory_space<vmem>>) target(%dma_start3A_593 : memref<64x32xf32, #tpu.memory_space<vmem_shared>>) target_semaphore(%arg30 : memref<!tpu.dma_semaphore, #tpu.memory_space<semaphore_mem>>)
      %dma_wait3A_594 = arith.constant 0 : i32
      %dma_wait3A_595 = tpu.memref_slice %arg31[%add3A_557, %dma_wait3A_594] : memref<10240x32xf32, #tpu.memory_space<vmem_shared>> -> memref<64x32xf32, #tpu.memory_space<vmem_shared>>
      %dma_wait3A_596 = arith.constant 0 : i32
      %dma_wait3A_597 = tpu.memref_slice %arg31[%add3A_557, %dma_wait3A_596] : memref<10240x32xf32, #tpu.memory_space<vmem_shared>> -> memref<64x32xf32, #tpu.memory_space<vmem_shared>>
      tpu.wait_dma2 semaphore(%arg28 : memref<!tpu.dma_semaphore, #tpu.memory_space<semaphore_mem>>) src(%arg13 : memref<64x32xf32, #tpu.memory_space<vmem>>) dst(%dma_wait3A_597 : memref<64x32xf32, #tpu.memory_space<vmem_shared>>)
      %dma_wait3A_598 = arith.constant 0 : i32
      %dma_wait3A_599 = tpu.memref_slice %arg31[%add3A_583, %dma_wait3A_598] : memref<10240x32xf32, #tpu.memory_space<vmem_shared>> -> memref<64x32xf32, #tpu.memory_space<vmem_shared>>
      %dma_wait3A_600 = arith.constant 0 : i32
      %dma_wait3A_601 = tpu.memref_slice %arg31[%add3A_583, %dma_wait3A_600] : memref<10240x32xf32, #tpu.memory_space<vmem_shared>> -> memref<64x32xf32, #tpu.memory_space<vmem_shared>>
      tpu.wait_dma2 semaphore(%arg29 : memref<!tpu.dma_semaphore, #tpu.memory_space<semaphore_mem>>) src(%arg14 : memref<64x32xf32, #tpu.memory_space<vmem>>) dst(%dma_wait3A_601 : memref<64x32xf32, #tpu.memory_space<vmem_shared>>)
      %dma_wait3A_602 = arith.constant 0 : i32
      %dma_wait3A_603 = tpu.memref_slice %arg32[%add3A_311, %dma_wait3A_602] : memref<10240x32xf32, #tpu.memory_space<vmem_shared>> -> memref<64x32xf32, #tpu.memory_space<vmem_shared>>
      %dma_wait3A_604 = arith.constant 0 : i32
      %dma_wait3A_605 = tpu.memref_slice %arg32[%add3A_311, %dma_wait3A_604] : memref<10240x32xf32, #tpu.memory_space<vmem_shared>> -> memref<64x32xf32, #tpu.memory_space<vmem_shared>>
      tpu.wait_dma2 semaphore(%arg30 : memref<!tpu.dma_semaphore, #tpu.memory_space<semaphore_mem>>) src(%arg12 : memref<64x32xf32, #tpu.memory_space<vmem>>) dst(%dma_wait3A_605 : memref<64x32xf32, #tpu.memory_space<vmem_shared>>)
      %dma_wait3A_606 = arith.constant 0 : i32
      %dma_wait3A_607 = tpu.memref_slice %arg32[%add3A_339, %dma_wait3A_606] : memref<10240x32xf32, #tpu.memory_space<vmem_shared>> -> memref<64x32xf32, #tpu.memory_space<vmem_shared>>
      %dma_wait3A_608 = arith.constant 0 : i32
      %dma_wait3A_609 = tpu.memref_slice %arg32[%add3A_339, %dma_wait3A_608] : memref<10240x32xf32, #tpu.memory_space<vmem_shared>> -> memref<64x32xf32, #tpu.memory_space<vmem_shared>>
      tpu.wait_dma2 semaphore(%arg30 : memref<!tpu.dma_semaphore, #tpu.memory_space<semaphore_mem>>) src(%arg12 : memref<64x32xf32, #tpu.memory_space<vmem>>) dst(%dma_wait3A_609 : memref<64x32xf32, #tpu.memory_space<vmem_shared>>)
      %dma_wait3A_610 = arith.constant 0 : i32
      %dma_wait3A_611 = tpu.memref_slice %arg32[%add3A_371, %dma_wait3A_610] : memref<10240x32xf32, #tpu.memory_space<vmem_shared>> -> memref<64x32xf32, #tpu.memory_space<vmem_shared>>
      %dma_wait3A_612 = arith.constant 0 : i32
      %dma_wait3A_613 = tpu.memref_slice %arg32[%add3A_371, %dma_wait3A_612] : memref<10240x32xf32, #tpu.memory_space<vmem_shared>> -> memref<64x32xf32, #tpu.memory_space<vmem_shared>>
      tpu.wait_dma2 semaphore(%arg30 : memref<!tpu.dma_semaphore, #tpu.memory_space<semaphore_mem>>) src(%arg12 : memref<64x32xf32, #tpu.memory_space<vmem>>) dst(%dma_wait3A_613 : memref<64x32xf32, #tpu.memory_space<vmem_shared>>)
      %dma_wait3A_614 = arith.constant 0 : i32
      %dma_wait3A_615 = tpu.memref_slice %arg32[%add3A_403, %dma_wait3A_614] : memref<10240x32xf32, #tpu.memory_space<vmem_shared>> -> memref<64x32xf32, #tpu.memory_space<vmem_shared>>
      %dma_wait3A_616 = arith.constant 0 : i32
      %dma_wait3A_617 = tpu.memref_slice %arg32[%add3A_403, %dma_wait3A_616] : memref<10240x32xf32, #tpu.memory_space<vmem_shared>> -> memref<64x32xf32, #tpu.memory_space<vmem_shared>>
      tpu.wait_dma2 semaphore(%arg30 : memref<!tpu.dma_semaphore, #tpu.memory_space<semaphore_mem>>) src(%arg12 : memref<64x32xf32, #tpu.memory_space<vmem>>) dst(%dma_wait3A_617 : memref<64x32xf32, #tpu.memory_space<vmem_shared>>)
      %dma_wait3A_618 = arith.constant 0 : i32
      %dma_wait3A_619 = tpu.memref_slice %arg32[%add3A_435, %dma_wait3A_618] : memref<10240x32xf32, #tpu.memory_space<vmem_shared>> -> memref<64x32xf32, #tpu.memory_space<vmem_shared>>
      %dma_wait3A_620 = arith.constant 0 : i32
      %dma_wait3A_621 = tpu.memref_slice %arg32[%add3A_435, %dma_wait3A_620] : memref<10240x32xf32, #tpu.memory_space<vmem_shared>> -> memref<64x32xf32, #tpu.memory_space<vmem_shared>>
      tpu.wait_dma2 semaphore(%arg30 : memref<!tpu.dma_semaphore, #tpu.memory_space<semaphore_mem>>) src(%arg12 : memref<64x32xf32, #tpu.memory_space<vmem>>) dst(%dma_wait3A_621 : memref<64x32xf32, #tpu.memory_space<vmem_shared>>)
      %dma_wait3A_622 = arith.constant 0 : i32
      %dma_wait3A_623 = tpu.memref_slice %arg32[%add3A_467, %dma_wait3A_622] : memref<10240x32xf32, #tpu.memory_space<vmem_shared>> -> memref<64x32xf32, #tpu.memory_space<vmem_shared>>
      %dma_wait3A_624 = arith.constant 0 : i32
      %dma_wait3A_625 = tpu.memref_slice %arg32[%add3A_467, %dma_wait3A_624] : memref<10240x32xf32, #tpu.memory_space<vmem_shared>> -> memref<64x32xf32, #tpu.memory_space<vmem_shared>>
      tpu.wait_dma2 semaphore(%arg30 : memref<!tpu.dma_semaphore, #tpu.memory_space<semaphore_mem>>) src(%arg12 : memref<64x32xf32, #tpu.memory_space<vmem>>) dst(%dma_wait3A_625 : memref<64x32xf32, #tpu.memory_space<vmem_shared>>)
      %dma_wait3A_626 = arith.constant 0 : i32
      %dma_wait3A_627 = tpu.memref_slice %arg32[%add3A_499, %dma_wait3A_626] : memref<10240x32xf32, #tpu.memory_space<vmem_shared>> -> memref<64x32xf32, #tpu.memory_space<vmem_shared>>
      %dma_wait3A_628 = arith.constant 0 : i32
      %dma_wait3A_629 = tpu.memref_slice %arg32[%add3A_499, %dma_wait3A_628] : memref<10240x32xf32, #tpu.memory_space<vmem_shared>> -> memref<64x32xf32, #tpu.memory_space<vmem_shared>>
      tpu.wait_dma2 semaphore(%arg30 : memref<!tpu.dma_semaphore, #tpu.memory_space<semaphore_mem>>) src(%arg12 : memref<64x32xf32, #tpu.memory_space<vmem>>) dst(%dma_wait3A_629 : memref<64x32xf32, #tpu.memory_space<vmem_shared>>)
      %dma_wait3A_630 = arith.constant 0 : i32
      %dma_wait3A_631 = tpu.memref_slice %arg32[%add3A_531, %dma_wait3A_630] : memref<10240x32xf32, #tpu.memory_space<vmem_shared>> -> memref<64x32xf32, #tpu.memory_space<vmem_shared>>
      %dma_wait3A_632 = arith.constant 0 : i32
      %dma_wait3A_633 = tpu.memref_slice %arg32[%add3A_531, %dma_wait3A_632] : memref<10240x32xf32, #tpu.memory_space<vmem_shared>> -> memref<64x32xf32, #tpu.memory_space<vmem_shared>>
      tpu.wait_dma2 semaphore(%arg30 : memref<!tpu.dma_semaphore, #tpu.memory_space<semaphore_mem>>) src(%arg12 : memref<64x32xf32, #tpu.memory_space<vmem>>) dst(%dma_wait3A_633 : memref<64x32xf32, #tpu.memory_space<vmem_shared>>)
      %dma_wait3A_634 = arith.constant 0 : i32
      %dma_wait3A_635 = tpu.memref_slice %arg32[%add3A_563, %dma_wait3A_634] : memref<10240x32xf32, #tpu.memory_space<vmem_shared>> -> memref<64x32xf32, #tpu.memory_space<vmem_shared>>
      %dma_wait3A_636 = arith.constant 0 : i32
      %dma_wait3A_637 = tpu.memref_slice %arg32[%add3A_563, %dma_wait3A_636] : memref<10240x32xf32, #tpu.memory_space<vmem_shared>> -> memref<64x32xf32, #tpu.memory_space<vmem_shared>>
      tpu.wait_dma2 semaphore(%arg30 : memref<!tpu.dma_semaphore, #tpu.memory_space<semaphore_mem>>) src(%arg12 : memref<64x32xf32, #tpu.memory_space<vmem>>) dst(%dma_wait3A_637 : memref<64x32xf32, #tpu.memory_space<vmem_shared>>)
      %dma_wait3A_638 = arith.constant 0 : i32
      %dma_wait3A_639 = tpu.memref_slice %arg32[%add3A_589, %dma_wait3A_638] : memref<10240x32xf32, #tpu.memory_space<vmem_shared>> -> memref<64x32xf32, #tpu.memory_space<vmem_shared>>
      %dma_wait3A_640 = arith.constant 0 : i32
      %dma_wait3A_641 = tpu.memref_slice %arg32[%add3A_589, %dma_wait3A_640] : memref<10240x32xf32, #tpu.memory_space<vmem_shared>> -> memref<64x32xf32, #tpu.memory_space<vmem_shared>>
      tpu.wait_dma2 semaphore(%arg30 : memref<!tpu.dma_semaphore, #tpu.memory_space<semaphore_mem>>) src(%arg12 : memref<64x32xf32, #tpu.memory_space<vmem>>) dst(%dma_wait3A_641 : memref<64x32xf32, #tpu.memory_space<vmem_shared>>)
      %barrier3A_642 = arith.constant 0 : index
      tpu.barrier barrier_id(%barrier3A_642)
    }
    %scan3A_53 = arith.constant 10 : i32
    "tpu.region"() ({
      %run_scoped3A_54 = tpu.sem_alloc : memref<!tpu.dma_semaphore, #tpu.memory_space<semaphore_mem>>
      %dma_start3A = arith.constant 0 : i32
      %dma_start3A_55 = tpu.memref_slice %arg5[%arg0, %mul3A_0, %dma_start3A] : memref<2x10240x32xf32, #tpu.memory_space<hbm>> -> memref<1x640x32xf32, #tpu.memory_space<hbm>>
      %dma_start3A_56 = tpu.memref_squeeze %dma_start3A_55 : memref<1x640x32xf32, #tpu.memory_space<hbm>> -> memref<640x32xf32, #tpu.memory_space<hbm>>
      %dma_start3A_57 = arith.constant 0 : i32
      %dma_start3A_58 = tpu.memref_slice %arg5[%arg0, %mul3A_0, %dma_start3A_57] : memref<2x10240x32xf32, #tpu.memory_space<hbm>> -> memref<1x640x32xf32, #tpu.memory_space<hbm>>
      %dma_start3A_59 = tpu.memref_squeeze %dma_start3A_58 : memref<1x640x32xf32, #tpu.memory_space<hbm>> -> memref<640x32xf32, #tpu.memory_space<hbm>>
      tpu.enqueue_dma source(%arg15 : memref<640x32xf32, #tpu.memory_space<vmem>>) target(%dma_start3A_59 : memref<640x32xf32, #tpu.memory_space<hbm>>) target_semaphore(%run_scoped3A_54 : memref<!tpu.dma_semaphore, #tpu.memory_space<semaphore_mem>>)
      %dma_wait3A = arith.constant 0 : i32
      %dma_wait3A_60 = tpu.memref_slice %arg5[%arg0, %mul3A_0, %dma_wait3A] : memref<2x10240x32xf32, #tpu.memory_space<hbm>> -> memref<1x640x32xf32, #tpu.memory_space<hbm>>
      %dma_wait3A_61 = tpu.memref_squeeze %dma_wait3A_60 : memref<1x640x32xf32, #tpu.memory_space<hbm>> -> memref<640x32xf32, #tpu.memory_space<hbm>>
      %dma_wait3A_62 = arith.constant 0 : i32
      %dma_wait3A_63 = tpu.memref_slice %arg5[%arg0, %mul3A_0, %dma_wait3A_62] : memref<2x10240x32xf32, #tpu.memory_space<hbm>> -> memref<1x640x32xf32, #tpu.memory_space<hbm>>
      %dma_wait3A_64 = tpu.memref_squeeze %dma_wait3A_63 : memref<1x640x32xf32, #tpu.memory_space<hbm>> -> memref<640x32xf32, #tpu.memory_space<hbm>>
      tpu.wait_dma2 semaphore(%run_scoped3A_54 : memref<!tpu.dma_semaphore, #tpu.memory_space<semaphore_mem>>) src(%arg15 : memref<640x32xf32, #tpu.memory_space<vmem>>) dst(%dma_wait3A_64 : memref<640x32xf32, #tpu.memory_space<hbm>>)
      tpu.yield
    }) : () -> ()
    return
  }
}

module attributes {stable_mosaic.version = 14 : i64} {
  func.func @_mlp_body(%arg0: i32, %arg1: memref<512x128xf32, #tpu.memory_space<vmem>>, %arg2: memref<128x64xf32, #tpu.memory_space<vmem>>, %arg3: memref<1x64xf32, #tpu.memory_space<vmem>>, %arg4: memref<64x64xf32, #tpu.memory_space<vmem>>, %arg5: memref<1x64xf32, #tpu.memory_space<vmem>>, %arg6: memref<2x512x32xf32, #tpu.memory_space<vmem>>) attributes {dimension_semantics = [#tpu.dimension_semantics<arbitrary>], iteration_bounds = array<i64: 20>, scalar_prefetch = 0 : i64, scratch_operands = 0 : i64, tpu.core_type = #tpu.core_type<tc>, window_params = [{transform_indices = @transform_0, window_bounds = array<i64: 512, 128>}, {pipeline_mode = #tpu.pipeline_mode<synchronous>, transform_indices = @transform_1, window_bounds = array<i64: 128, 64>}, {pipeline_mode = #tpu.pipeline_mode<synchronous>, transform_indices = @transform_2, window_bounds = array<i64: 1, 64>}, {pipeline_mode = #tpu.pipeline_mode<synchronous>, transform_indices = @transform_3, window_bounds = array<i64: 64, 64>}, {pipeline_mode = #tpu.pipeline_mode<synchronous>, transform_indices = @transform_4, window_bounds = array<i64: 1, 64>}, {transform_indices = @transform_5, window_bounds = array<i64: 2, 512, 32>}]} {
    %get3A = arith.constant 0 : index
    %get3A_0 = arith.constant 0 : index
    %get3A_1 = vector.load %arg1[%get3A, %get3A_0] : memref<512x128xf32, #tpu.memory_space<vmem>>, vector<512x128xf32>
    %get3A_2 = arith.constant 0 : index
    %get3A_3 = arith.constant 0 : index
    %get3A_4 = vector.load %arg2[%get3A_2, %get3A_3] : memref<128x64xf32, #tpu.memory_space<vmem>>, vector<128x64xf32>
    %dot_general3A = arith.constant dense<0.000000e+00> : vector<512x64xf32>
    %dot_general3A_5 = tpu.matmul %get3A_1, %get3A_4, %dot_general3A {dimension_numbers = #tpu.dot_dimension_numbers<[1], [0], [0], [1], [0, 0, 1, 1], [], []>, transpose_lhs_hint = false} : vector<512x128xf32>, vector<128x64xf32>, vector<512x64xf32> -> vector<512x64xf32>
    %get3A_6 = arith.constant 0 : index
    %get3A_7 = arith.constant 0 : index
    %get3A_8 = vector.load %arg3[%get3A_6, %get3A_7] : memref<1x64xf32, #tpu.memory_space<vmem>>, vector<1x64xf32>
    %add3A = vector.broadcast %get3A_8 : vector<1x64xf32> to vector<512x64xf32>
    %add3A_9 = arith.addf %dot_general3A_5, %add3A : vector<512x64xf32>
    %max3A = arith.constant 0.000000e+00 : f32
    %max3A_10 = vector.broadcast %max3A : f32 to vector<512x64xf32>
    %max3A_11 = arith.maximumf %add3A_9, %max3A_10 : vector<512x64xf32>
    %get3A_12 = arith.constant 0 : index
    %get3A_13 = arith.constant 0 : index
    %get3A_14 = vector.load %arg4[%get3A_12, %get3A_13] : memref<64x64xf32, #tpu.memory_space<vmem>>, vector<64x64xf32>
    %dot_general3A_15 = arith.constant dense<0.000000e+00> : vector<512x64xf32>
    %dot_general3A_16 = tpu.matmul %max3A_11, %get3A_14, %dot_general3A_15 {dimension_numbers = #tpu.dot_dimension_numbers<[1], [0], [0], [1], [0, 0, 1, 1], [], []>, transpose_lhs_hint = false} : vector<512x64xf32>, vector<64x64xf32>, vector<512x64xf32> -> vector<512x64xf32>
    %get3A_17 = arith.constant 0 : index
    %get3A_18 = arith.constant 0 : index
    %get3A_19 = vector.load %arg5[%get3A_17, %get3A_18] : memref<1x64xf32, #tpu.memory_space<vmem>>, vector<1x64xf32>
    %add3A_20 = vector.broadcast %get3A_19 : vector<1x64xf32> to vector<512x64xf32>
    %add3A_21 = arith.addf %dot_general3A_16, %add3A_20 : vector<512x64xf32>
    %slice3A = vector.extract_strided_slice %add3A_21 {offsets = [0, 0], sizes = [512, 32], strides = [1, 1]} : vector<512x64xf32> to vector<512x32xf32>
    %swap3A = arith.constant 0 : index
    %swap3A_22 = arith.constant 0 : index
    %swap3A_23 = arith.constant 0 : index
    %swap3A_24 = vector.load %arg6[%swap3A, %swap3A_22, %swap3A_23] : memref<2x512x32xf32, #tpu.memory_space<vmem>>, vector<1x512x32xf32>
    %swap3A_25 = vector.shape_cast %swap3A_24 : vector<1x512x32xf32> to vector<512x32xf32>
    %swap3A_26 = vector.shape_cast %slice3A : vector<512x32xf32> to vector<1x512x32xf32>
    tpu.vector_store %arg6[%swap3A, %swap3A_22, %swap3A_23], %swap3A_26 {strides = array<i32>} : memref<2x512x32xf32, #tpu.memory_space<vmem>>, vector<1x512x32xf32>,
    %slice3A_27 = vector.extract_strided_slice %add3A_21 {offsets = [0, 32], sizes = [512, 32], strides = [1, 1]} : vector<512x64xf32> to vector<512x32xf32>
    %swap3A_28 = arith.constant 1 : index
    %swap3A_29 = arith.constant 0 : index
    %swap3A_30 = arith.constant 0 : index
    %swap3A_31 = vector.load %arg6[%swap3A_28, %swap3A_29, %swap3A_30] : memref<2x512x32xf32, #tpu.memory_space<vmem>>, vector<1x512x32xf32>
    %swap3A_32 = vector.shape_cast %swap3A_31 : vector<1x512x32xf32> to vector<512x32xf32>
    %swap3A_33 = vector.shape_cast %slice3A_27 : vector<512x32xf32> to vector<1x512x32xf32>
    tpu.vector_store %arg6[%swap3A_28, %swap3A_29, %swap3A_30], %swap3A_33 {strides = array<i32>} : memref<2x512x32xf32, #tpu.memory_space<vmem>>, vector<1x512x32xf32>,
    return
  }
  func.func @transform_0(%arg0: i32) -> (i32, i32) {
    %c0_i32 = arith.constant 0 : i32
    %c0_i32_0 = arith.constant 0 : i32
    return %arg0, %c0_i32 : i32, i32
  }
  func.func @transform_1(%arg0: i32) -> (i32, i32) {
    %c0_i32 = arith.constant 0 : i32
    %c0_i32_0 = arith.constant 0 : i32
    %c0_i32_1 = arith.constant 0 : i32
    return %c0_i32, %c0_i32_0 : i32, i32
  }
  func.func @transform_2(%arg0: i32) -> (i32, i32) {
    %c0_i32 = arith.constant 0 : i32
    %c0_i32_0 = arith.constant 0 : i32
    %c0_i32_1 = arith.constant 0 : i32
    return %c0_i32, %c0_i32_0 : i32, i32
  }
  func.func @transform_3(%arg0: i32) -> (i32, i32) {
    %c0_i32 = arith.constant 0 : i32
    %c0_i32_0 = arith.constant 0 : i32
    %c0_i32_1 = arith.constant 0 : i32
    return %c0_i32, %c0_i32_0 : i32, i32
  }
  func.func @transform_4(%arg0: i32) -> (i32, i32) {
    %c0_i32 = arith.constant 0 : i32
    %c0_i32_0 = arith.constant 0 : i32
    %c0_i32_1 = arith.constant 0 : i32
    return %c0_i32, %c0_i32_0 : i32, i32
  }
  func.func @transform_5(%arg0: i32) -> (i32, i32, i32) {
    %c0_i32 = arith.constant 0 : i32
    %c0_i32_0 = arith.constant 0 : i32
    %c0_i32_1 = arith.constant 0 : i32
    return %c0_i32, %arg0, %c0_i32_0 : i32, i32, i32
  }
}

module attributes {stable_mosaic.version = 14 : i64} {
  func.func @_lsm_body(%arg0: i32, %arg1: memref<1000x40xf32, #tpu.memory_space<vmem>>, %arg2: memref<1000x40xf32, #tpu.memory_space<vmem>>) attributes {dimension_semantics = [#tpu.dimension_semantics<arbitrary>], iteration_bounds = array<i64: 10>, scalar_prefetch = 0 : i64, scratch_operands = 0 : i64, tpu.core_type = #tpu.core_type<tc>, window_params = [{transform_indices = @transform_0, window_bounds = array<i64: 1000, 40>}, {transform_indices = @transform_1, window_bounds = array<i64: 1000, 40>}]} {
    %get3A = arith.constant 0 : index
    %get3A_0 = arith.constant 0 : index
    %get3A_1 = vector.load %arg1[%get3A, %get3A_0] : memref<1000x40xf32, #tpu.memory_space<vmem>>, vector<1000x40xf32>
    %reduce_max3A = arith.constant dense<0xFF800000> : vector<1000xf32>
    %reduce_max3A_2 = vector.multi_reduction <maximumf>, %get3A_1, %reduce_max3A [1] : vector<1000x40xf32> to vector<1000xf32>
    %broadcast_in_dim3A = vector.shape_cast %reduce_max3A_2 : vector<1000xf32> to vector<1000x1xf32>
    %sub3A = vector.broadcast %broadcast_in_dim3A : vector<1000x1xf32> to vector<1000x40xf32>
    %sub3A_3 = arith.subf %get3A_1, %sub3A : vector<1000x40xf32>
    %exp3A = math.exp %sub3A_3 : vector<1000x40xf32>
    %reduce_sum3A = arith.constant dense<0.000000e+00> : vector<1000xf32>
    %reduce_sum3A_4 = vector.multi_reduction <add>, %exp3A, %reduce_sum3A [1] : vector<1000x40xf32> to vector<1000xf32>
    %broadcast_in_dim3A_5 = vector.shape_cast %reduce_sum3A_4 : vector<1000xf32> to vector<1000x1xf32>
    %log3A = math.log %broadcast_in_dim3A_5 : vector<1000x1xf32>
    %sub3A_6 = vector.broadcast %log3A : vector<1000x1xf32> to vector<1000x40xf32>
    %sub3A_7 = arith.subf %sub3A_3, %sub3A_6 : vector<1000x40xf32>
    %swap3A = arith.constant 0 : index
    %swap3A_8 = arith.constant 0 : index
    %swap3A_9 = vector.load %arg2[%swap3A, %swap3A_8] : memref<1000x40xf32, #tpu.memory_space<vmem>>, vector<1000x40xf32>
    tpu.vector_store %arg2[%swap3A, %swap3A_8], %sub3A_7 {strides = array<i32>} : memref<1000x40xf32, #tpu.memory_space<vmem>>, vector<1000x40xf32>,
    return
  }
  func.func @transform_0(%arg0: i32) -> (i32, i32) {
    %c0_i32 = arith.constant 0 : i32
    %c0_i32_0 = arith.constant 0 : i32
    return %arg0, %c0_i32 : i32, i32
  }
  func.func @transform_1(%arg0: i32) -> (i32, i32) {
    %c0_i32 = arith.constant 0 : i32
    %c0_i32_0 = arith.constant 0 : i32
    return %arg0, %c0_i32 : i32, i32
  }
}

</mosaic_0001>

<sc_bundles>
// kernel: kernel.5.cloned.1.call-start
scs
__scs_entry_jumppad:
0x0: {  	(pc) =	sbr.rel $0x88, $3  }
0x1: {  	(tag) =	ssettag $0x0;
	lr =	simm.s32 $0x1  }
0x2: {  	[smem:$0x3F99] =	sst lr;
	_ =	strace $0xD0000000  }
0x3: {  	_ = 	snop  }
0x4: {  	_ = 	snop  }
0x5: {  	_ = 	snop  }
0x6: {  	_ = 	snop  }
0x7: {  	_ = 	snop  }
__scs_overlays_trampoline_lowered:
0x8: {  	[smem:$0x3FA8] =	sst s0  }
0x9: {  	[smem:$0x3FA9] =	sst s1  }
0xa: {  	[smem:$0x3FAA] =	sst s2  }
0xb: {  	[smem:$0x3FAB] =	sst s3  }
0xc: {  	[smem:$0x3FAC] =	sst s4  }
0xd: {  	[smem:$0x3FAD] =	sst s5  }
0xe: {  	[smem:$0x3FAE] =	sst s6  }
0xf: {  	[smem:$0x3FAF] =	sst s7  }
0x10: {  	[smem:$0x3FB0] =	sst s8  }
0x11: {  	[smem:$0x3FB1] =	sst s9;
	s0 =	simm.s32 @!p0 $0x0  }
0x12: {  	s1 =	sld [smem:$0x3F97];
	s0 =	simm.s32 @p0 $0x1  }
0x13: {  	[smem:$0x3FB2] =	sst s0;
	s0 =	simm.s32 @!p1 $0x0  }
0x14: {  	s2 =	sld [smem:$0x3F96];
	s0 =	simm.s32 @p1 $0x1  }
0x15: {  	[smem:$0x3FB3] =	sst s0;
	s0 =	simm.s32 @!p2 $0x0  }
0x16: {  	s3 =	sld [smem:$0x3FDB];
	s0 =	simm.s32 @p2 $0x1  }
0x17: {  	s4 =	simm.s32 $0x1BF5;
	[smem:$0x3FB5] =	sst s0  }
0x18: {  	s0 =	sld [smem:$0x3F98];
	_ =	swait.ge [sflag:s4], $0x0  }
0x19: {  	s7 =	sld [smem:$0x3F99]  }
0x1a: {  	s8 =	sadd.s32 $0xFFFFE003, lr  }
0x1b: {  	s9 =	sadd.s32 $0xFFFFFEF7, lr;
	s5 =	simm.s32 $0xFFFFFFFF;
	p2 =	slt.u32 s8, $0xFFFFF086  }
0x1c: {  	p1 =	slt.u32 s9, $0xF7A;
	s5 =	simm.s32 @!p2 $0x0  }
0x1d: {  	s5 =	simm.s32 @p1 $0x1;
	p0 =	seq.s32 s7, s2  }
0x1e: {  	s7 =	smul.u32 @!p0 $0xF7A, s2;
	p2 =	seq.s32 @!p0 s5, $0x0  }
0x1f: {  	s9 =	smul.u32 $0xF7A, s1;
	s8 =	simm.s32 @!p0 $0x1BF5;
	p2 =	por !p2, p0  }
0x20: {  	[sflag:s8] =	ssyncset.s32 @!p0 $0xFFFFF086;
	s6 =	sadd.s32 @!p0 s3, s7;
	s7 =	simm.s32 @!p0 $0x108  }
0x21: {  	s3 =	sadd.s32 s3, s9;
	s6 =	sadd.s32 @!p0 $0x88, s6;
	s7 =	simm.s32 @p2 $0x1082  }
0x22: {  	[simem:s7], [sflag:s8] =	dma.local @!p0 [hbm:s6], $0xF7A  }
0x23: {  	s9 =	sor.u32 $0xD0000000, s2;
	s6 =	simm.s32 $0x108;
	_ =	swait.ge @!p0 [sflag:s8], $0x0  }
0x24: {  	s3 =	sadd.s32 $0x88, s3;
	s6 =	simm.s32 @!p1 $0x1082;
	[sflag:s4] =	ssyncset.s32 $0xFFFFF086  }
0x25: {  	[simem:s6], [sflag:s4] =	dma.local [hbm:s3], $0xF7A  }
0x26: {  	[smem:$0x3F99] =	sst s1;
	(tag) =	ssettag s2;
	_ =	strace s9  }
0x27: {  	s1 =	sld [smem:$0x3FA9]  }
0x28: {  	s2 =	sld [smem:$0x3FAA]  }
0x29: {  	s4 =	sld [smem:$0x3FAC]  }
0x2a: {  	p0 =	seq.s32 s5, $0x0;
	s5 =	sld [smem:$0x3FAD]  }
0x2b: {  	s6 =	sld [smem:$0x3FAE]  }
0x2c: {  	s7 =	sld [smem:$0x3FAF]  }
0x2d: {  	s3 =	simm.s32 $0x108;
	s8 =	sld [smem:$0x3FB0]  }
0x2e: {  	s3 =	simm.s32 @!p0 $0x1082;
	s9 =	sld [smem:$0x3FB1]  }
0x2f: {  	lr =	sadd.s32 s0, s3;
	s0 =	sld [smem:$0x3FA8]  }
0x30: {  	s3 =	sld [smem:$0x3FAB]  }
0x31: {  	[smem:$0x3FB4] =	sst s10  }
0x32: {  	s10 =	sld [smem:$0x3FB2];
	_ =	sdelay $0x3  }
0x33: {  	p0 =	seq.s32 s10, $0x1;
	s10 =	sld [smem:$0x3FB4];
	_ =	sdelay $0x3  }
0x34: {  	[smem:$0x3FB4] =	sst s10  }
0x35: {  	s10 =	sld [smem:$0x3FB3];
	_ =	sdelay $0x3  }
0x36: {  	p1 =	seq.s32 s10, $0x1;
	s10 =	sld [smem:$0x3FB4];
	_ =	sdelay $0x3  }
0x37: {  	[smem:$0x3FB4] =	sst s10  }
0x38: {  	s10 =	sld [smem:$0x3FB5]  }
0x39: {  	_ = 	snop;
	(pc) =	sbr.ind lr, $3  }
0x3a: {  	_ = 	snop  }
0x3b: {  	_ = 	snop  }
0x3c: {  	p2 =	seq.s32 s10, $0x1;
	s10 =	sld [smem:$0x3FB4]  }
0x3d: {  	_ =	shalt  }
0x3e: {  	_ =	shalt  }
0x3f: {  	_ =	shalt  }
0x40: {  	_ =	shalt  }
0x41: {  	_ =	shalt  }
0x42: {  	_ =	shalt  }
0x43: {  	_ =	shalt  }
0x44: {  	_ =	shalt  }
0x45: {  	_ =	shalt  }
0x46: {  	_ =	shalt  }
0x47: {  	_ =	shalt  }
0x48: {  	_ =	shalt  }
0x49: {  	_ =	shalt  }
0x4a: {  	_ =	shalt  }
0x4b: {  	_ =	shalt  }
0x4c: {  	_ =	shalt  }
0x4d: {  	_ =	shalt  }
0x4e: {  	_ =	shalt  }
0x4f: {  	_ =	shalt  }
0x50: {  	_ =	shalt  }
0x51: {  	_ =	shalt  }
0x52: {  	_ =	shalt  }
0x53: {  	_ =	shalt  }
0x54: {  	_ =	shalt  }
0x55: {  	_ =	shalt  }
0x56: {  	_ =	shalt  }
0x57: {  	_ =	shalt  }
0x58: {  	_ =	shalt  }
0x59: {  	_ =	shalt  }
0x5a: {  	_ =	shalt  }
0x5b: {  	_ =	shalt  }
0x5c: {  	_ =	shalt  }
0x5d: {  	_ =	shalt  }
0x5e: {  	_ =	shalt  }
0x5f: {  	_ =	shalt  }
0x60: {  	_ =	shalt  }
0x61: {  	_ =	shalt  }
0x62: {  	_ =	shalt  }
0x63: {  	_ =	shalt  }
0x64: {  	_ =	shalt  }
0x65: {  	_ =	shalt  }
0x66: {  	_ =	shalt  }
0x67: {  	_ =	shalt  }
0x68: {  	_ =	shalt  }
0x69: {  	_ =	shalt  }
0x6a: {  	_ =	shalt  }
0x6b: {  	_ =	shalt  }
0x6c: {  	_ =	shalt  }
0x6d: {  	_ =	shalt  }
0x6e: {  	_ =	shalt  }
0x6f: {  	_ =	shalt  }
0x70: {  	_ =	shalt  }
0x71: {  	_ =	shalt  }
0x72: {  	_ =	shalt  }
0x73: {  	_ =	shalt  }
0x74: {  	_ =	shalt  }
0x75: {  	_ =	shalt  }
0x76: {  	_ =	shalt  }
0x77: {  	_ =	shalt  }
0x78: {  	_ =	shalt  }
0x79: {  	_ =	shalt  }
0x7a: {  	_ =	shalt  }
0x7b: {  	_ =	shalt  }
0x7c: {  	_ =	shalt  }
0x7d: {  	_ =	shalt  }
0x7e: {  	_ =	shalt  }
0x7f: {  	_ =	shalt  }
0x80: {  	_ =	shalt  }
0x81: {  	_ =	shalt  }
0x82: {  	_ =	shalt  }
0x83: {  	_ =	shalt  }
0x84: {  	_ =	shalt  }
0x85: {  	_ =	shalt  }
0x86: {  	_ =	shalt  }
0x87: {  	_ =	shalt  }
.Lfunc_end0:
.L_simem_size_0:
called_computation_lowered:
.L_overlay_start_0:
0x88: {  	s2 =	sld [smem:$0x3FD9]  }
0x89: {  	s3 =	sld [smem:$0x3FFE];
	_ =	sdelay $0x1  }
0x8a: {  	s1 =	srdreg.scid  }
0x8b: {  	s0 =	sand.u32 $0x1, s1  }
0x8c: {  	s17 =	sshll.u32 s0, $0xA;
	s2 =	sadd.s32 s3, s2  }
0x8d: {  	s2 =	sadd.s32 s2, s17  }
0x8e: {  	[smem:$0x3FC0] =	sst s2  }
0x8f: {  	_ = 	snop  }
0x90: {  	s2 =	sld [smem:$0x3FD0];
	(tm) =	ssettm $0x1  }
0x91: {  	s18 =	sld [smem:$0x3FFB];
	_ =	sdelay $0x3  }
0x92: {  	_ =	strace s18  }
0x93: {  	s3 =	sld [smem:$0x3FFC];
	_ =	sdelay $0x3  }
0x94: {  	_ =	strace s3  }
0x95: {  	s3 =	sld [smem:$0x3FFD];
	_ =	sdelay $0x3  }
0x96: {  	_ =	strace s3  }
0x97: {  	_ =	strace $0x8FFFFFFF  }
0x98: {  	s19 =	sld [smem:$0x3FDB];
	_ =	sdelay $0x1  }
0x99: {  	s4 =	simm.s32 $_scs_section_size  }
0x9a: {  	s5 =	simm.s32 $_size__tile_overlayer_lowered;
	s6 =	simm.s32 $_tile_overlayer_lowered  }
0x9b: {  	s22 =	simm.s32 $0x1BFF;
	s21 =	sshll.u32 s6, $0x1;
	s3 =	sadd.s32 s4, s19  }
0x9c: {  	s7 =	simm.s32 $0x0;
	s20 =	sshll.u32 s5, $0x1;
	s5 =	sadd.s32 s21, s3  }
0x9d: {  	[timem:s7], [sflag:s22] =	dma.local [hbm:s5], s20  }
0x9e: {  	_ =	swait.ge [sflag:s22], s20  }
0x9f: {  	s4 =	ssub.s32 $0x0, s20;
	[sflag:s22] =	ssyncset.done $0x0  }
0xa0: {  	[sflag:s22] =	ssyncadd.s32 s4;
	_ =	sdelay $0x1  }
0xa1: {  	s23 =	simm.s32 $0x1B8B  }
0xa2: {  	_ =	swait.ge [sflag:s23], $0x1  }
0xa3: {  	[sflag:s23] =	ssyncset.done $0x0  }
0xa4: {  	s25 =	simm.s32 $0x1B8E;
	s24 =	sld [smem:$0x3FFE];
	[sflag:s23] =	ssyncadd.s32 $0xFFFFFFFF  }
0xa5: {  	s26 =	simm.s32 $execute0_lowered;
	[smem:$0x3FD2] =	sst s25  }
0xa6: {  	s5 =	sshll.u32 s26, $0x1;
	_ =	strace $0x80000046;
	[dreg:$0x1] =	wrdreg $0xFFFFFFFF  }
0xa7: {  	s28 =	simm.s32 $_size_execute0_lowered;
	s3 =	sadd.s32 s3, s5;
	[dreg:$0x0] =	wrdreg $0x0  }
0xa8: {  	s5 =	sshll.u32 s28, $0x1;
	[dreg:$0x2] =	wrdreg s3  }
0xa9: {  	[dreg:$0x3] =	wrdreg s5  }
0xaa: {  	[dreg:$0x4] =	wrdreg $0xC0  }
0xab: {  	_ =	task [dreg:s7], $0x5FFFF  }
0xac: {  	[dreg:$0x1] =	wrdreg $0xFFFFFFFF  }
0xad: {  	[dreg:$0x0] =	wrdreg $0x60  }
0xae: {  	[dreg:$0x2] =	wrdreg s24  }
0xaf: {  	[dreg:$0x3] =	wrdreg s2  }
0xb0: {  	[dreg:$0x4] =	wrdreg $0x19AA00  }
0xb1: {  	[dreg:$0x5] =	wrdreg $0x14AA00  }
0xb2: {  	[dreg:$0x6] =	wrdreg $0x9  }
0xb3: {  	_ =	task.clear_ibuf [dreg:s7], $0x7FFFF;
	_ =	strace $0x90000046  }
0xb4: {  	s29 =	simm.s32 $0x9;
	_ =	strace $0x80000048  }
0xb5: {  	_ =	swait.ge [sflag:s29], $0x1  }
0xb6: {  	[sflag:s29] =	ssyncadd.s32 $0xFFFFFFFF  }
0xb7: {  	_ =	strace $0x90000048  }
0xb8: {  	_ =	sfence  }
0xb9: {  	s30 =	sld [smem:$0x0];
	_ =	sdelay $0x2  }
0xba: {  	s31 =	sshll.u32 s1, $0xD;
	s1 =	sshrl.u32 s1, $0x2  }
0xbb: {  	s3 =	sand.u32 $0x4000, s31;
	s1 =	sadd.s32 s1, s30  }
0xbc: {  	s0 =	sor.u32 s3, s0;
	s1 =	sshll.u32 s1, $0x11  }
0xbd: {  	s0 =	sor.u32 s1, s0  }
0xbe: {  	s0 =	sadd.s32 $0x8F2B, s0  }
0xbf: {  	[sflag:s0] =	ssyncadd.remote.s32 $0x1  }
0xc0: {  	_ =	sfence.sel $0xFFFF  }
0xc1: {  	[dreg:$0x0] =	wrdreg $0xFFFFFFFF;
	(pc) =	sbr.abs _section_cstart, $3  }
0xc2: {  	[dreg:$0x1] =	wrdreg $0xFFFFFFFF  }
0xc3: {  	_ =	task.clear_ibuf [dreg:s7], $0x2FFFF;
	_ =	strace $0x9FFFFFFF  }
0xc4: {  	(tm) =	ssettm $0x7FFFFFFF  }
0xc5: {  	_ =	shalt  }
tec
execute0_lowered:
.L_overlay_start_1:
0x0: {  	(tag) =	ssettag $0x1  }
0x1: {  	s0 =	rddreg [dreg:$0x0]  }
0x2: {  	s3 =	rddreg [dreg:$0x2]  }
0x3: {  	s4 =	rddreg [dreg:$0x3]  }
0x4: {  	s9 =	stileid.u32;
	s1 =	srdreg.scid  }
0x5: {  	s12 =	simm.s32 $0x0;
	s2 =	smul.u32 $0x5000, s9;
	s1 =	sand.u32 $0x1, s1  }
0x6: {  	[smem:$0x7FF] =	sst s12;
	s5 =	sadd.s32 $0x15400, s0;
	s8 =	smul.u32 $0x14000, s9  }
0x7: {  	s6 =	smul.u32 $0x50000, s1;
	_ =	strace $0x80000047;
	s1 =	ssub.s32 $0x2, s1  }
0x8: {  	[dreg:$0x6] =	wrdreg s5;
	s13 =	sshrl.u32 s2, $0x3;
	s7 =	sshrl.u32 s1, $0x1  }
0x9: {  	s15 =	sshrl.u32 s8, $0x2;
	s8 =	sadd.s32 s2, s3;
	[dreg:$0x5] =	wrdreg s6  }
0xa: {  	s18 =	sadd.s32 $0x1800, s2;
	s11 =	sadd.s32 s2, s4;
	[dreg:$0x17] =	wrdreg s8  }
0xb: {  	s20 =	sadd.s32 $0x2000, s2;
	s19 =	sadd.s32 s18, s3;
	[dreg:$0x18] =	wrdreg s11  }
0xc: {  	s22 =	sadd.s32 $0x2800, s2;
	s21 =	sadd.s32 s20, s3;
	[dreg:$0xc] =	wrdreg s19  }
0xd: {  	s24 =	sadd.s32 $0x3000, s2;
	s23 =	sadd.s32 s22, s3;
	[dreg:$0xe] =	wrdreg s21  }
0xe: {  	s26 =	sadd.s32 $0x3800, s2;
	s25 =	sadd.s32 s24, s3;
	[dreg:$0x10] =	wrdreg s23  }
0xf: {  	s17 =	sadd.s32 $0x1000, s2;
	s28 =	sadd.s32 s26, s3;
	[dreg:$0x12] =	wrdreg s25  }
0x10: {  	s1 =	ssub.s32 s1, s7;
	s7 =	sadd.s32 s26, s4;
	[dreg:$0x15] =	wrdreg s28  }
0x11: {  	s5 =	sadd.s32 s13, s0;
	s30 =	sadd.s32 s17, s3;
	[dreg:$0x16] =	wrdreg s7  }
0x12: {  	s14 =	sadd.s32 $0x1400, s5;
	[dreg:$0xa] =	wrdreg s30  }
0x13: {  	s13 =	sadd.s32 $0x4000, s2;
	s5 =	sadd.s32 $0xB400, s5;
	[dreg:$0x7] =	wrdreg s14  }
0x14: {  	s10 =	sadd.s32 s15, s3;
	s15 =	sadd.s32 s13, s3;
	[dreg:$0x8] =	wrdreg s5  }
0x15: {  	s19 =	sadd.s32 $0x800, s10;
	[dreg:$0x19] =	wrdreg s15  }
0x16: {  	s21 =	sadd.s32 $0x1800, s10;
	[smem:$0x7F5] =	sst s19  }
0x17: {  	s23 =	sadd.s32 $0x2800, s10;
	[smem:$0x7F7] =	sst s21  }
0x18: {  	s16 =	sor.u32 $0x800, s2;
	s25 =	sadd.s32 $0x3800, s10;
	[smem:$0x7F9] =	sst s23  }
0x19: {  	s6 =	sadd.s32 s2, s6;
	s26 =	sadd.s32 $0x4000, s10;
	[smem:$0x7FB] =	sst s25  }
0x1a: {  	s6 =	sshrl.u32 s6, $0x3;
	s28 =	sadd.s32 $0x4800, s10;
	[smem:$0x7FC] =	sst s26  }
0x1b: {  	s0 =	sadd.s32 s6, s0;
	s6 =	sadd.s32 s16, s4;
	[smem:$0x7FD] =	sst s28  }
0x1c: {  	s2 =	sadd.s32 $0x4800, s2;
	s5 =	sadd.s32 s17, s4;
	[dreg:$0xb] =	wrdreg s6  }
0x1d: {  	s14 =	sadd.s32 s16, s3;
	s16 =	sadd.s32 s2, s3;
	[dreg:$0xd] =	wrdreg s5  }
0x1e: {  	s29 =	simm.s32 $0x7;
	s2 =	sadd.s32 s2, s4;
	[dreg:$0x1b] =	wrdreg s16  }
0x1f: {  	s31 =	simm.s32 $0x8;
	s17 =	smax.u32 s1, $0x1;
	[dreg:$0x1c] =	wrdreg s2  }
0x20: {  	s8 =	simm.s32 $0x0;
	s7 =	simm.s32 $0x14800;
	[dreg:$0x1e] =	wrdreg s17  }
0x21: {  	s1 =	simm.s32 $0xE800;
	s6 =	sadd.s32 s18, s4;
	[dreg:$0x9] =	wrdreg s14  }
0x22: {  	s15 =	simm.s32 $0xC000;
	s5 =	sadd.s32 s20, s4;
	[dreg:$0xf] =	wrdreg s6  }
0x23: {  	s19 =	simm.s32 $0xD000;
	s0 =	sadd.s32 $0x29400, s0;
	[dreg:$0x11] =	wrdreg s5  }
0x24: {  	s21 =	simm.s32 $0x3;
	s20 =	sadd.s32 $0x1000, s10;
	[dreg:$0x1d] =	wrdreg s0  }
0x25: {  	s26 =	simm.s32 $0x6;
	s6 =	sadd.s32 s22, s4;
	[smem:$0x7F6] =	sst s20  }
0x26: {  	s18 =	smul.u32 $0x280, s9;
	s5 =	sadd.s32 s24, s4;
	[dreg:$0x13] =	wrdreg s6  }
0x27: {  	s9 =	simm.s32 $0xE;
	s17 =	simm.s32 $0x2;
	[dreg:$0x14] =	wrdreg s5  }
0x28: {  	s16 =	simm.s32 $0xC;
	s22 =	sadd.s32 $0x2000, s10;
	[dreg:$0x1f] =	wrdreg s18  }
0x29: {  	v1 =	vlaneseq.u32;
	s24 =	sadd.s32 $0x3000, s10;
	s0 =	simm.s32 $0xA000;
	[smem:$0x7F8] =	sst s22  }
0x2a: {  	v0 =	vimm.f32 $0.0e+00;
	vm0 =	vcmask $0x300;
	v1 =	vmul.u32 $0x20, v1;
	s5 =	sadd.s32 s13, s4;
	[smem:$0x7FA] =	sst s24;
	s6 =	simm.s32 $0xB000  }
0x2b: {  	v2 =	vsel vm0, $0x3F800000, v0;
	s13 =	simm.s32 $0x1;
	s22 =	simm.s32 $0x5;
	s24 =	simm.s32 $0x4  }
0x2c: {  	v3 =	vor.u32 $0x200, v1;
	v4 =	vor.u32 $0x400, v1;
	v5 =	vor.u32 $0x600, v1;
	s18 =	simm.s32 $0xD;
	[dreg:$0x1a] =	wrdreg s5;
	s5 =	simm.s32 $0x80  }
.LBB2_1:
0x2d: {  	[smem:$0x7F4] =	sst s8  }
0x2e: {  	s2 =	rddreg [dreg:$0x7]  }
0x2f: {  	[tilespmem:s12], [sflag:$0xE] =	stream.linear.gather [hbm4b:s2+s12], $0x5000, $0x38;
	[tilespmem:$0x1EAA0] =	vst v63  }
0x30: {  	_ =	swait.ge [sflag:s9], $0x5000  }
0x31: {  	[sflag:s9] =	ssyncset.done $0x0  }
0x32: {  	s25 =	simm.s32 $0x5000;
	s23 =	rddreg [dreg:$0x8];
	[sflag:s9] =	ssyncadd.s32 $0xFFFFB000  }
0x33: {  	[tilespmem:s25], [sflag:$0xE] =	stream.linear.gather [hbm4b:s23+s12], $0x5000, $0x38;
	[tilespmem:$0x1EAA0] =	vst v63  }
0x34: {  	_ =	swait.ge [sflag:s9], $0x5000  }
0x35: {  	[sflag:s9] =	ssyncset.done $0x0  }
0x36: {  	[sflag:s9] =	ssyncadd.s32 $0xFFFFB000  }
0x37: {  	s30 =	simm.s32 $0x14A80;
	s28 =	rddreg [dreg:$0x1]  }
0x38: {  	[tilespmem:s30], [sflag:$0xE] =	stream.linear.gather [hbm4b:s28+s12], $0x20, $0x38;
	[tilespmem:$0x1EAA0] =	vst v63  }
0x39: {  	_ =	swait.ge [sflag:s9], $0x20  }
0x3a: {  	[sflag:s9] =	ssyncset.done $0x0  }
0x3b: {  	s2 =	simm.s32 $0x0;
	[sflag:s9] =	ssyncadd.s32 $0xFFFFFFE0  }
.LBB2_2:
0x3c: {  	p0 =	sne.s32 s2, $0x1F80  }
.Ltmp0:
0x3d: {  	_ = 	snop;
	(pc) =	sbr.rel @p0 .LBB2_2-.Ltmp0, $4  }
0x3e: {  	_ = 	snop  }
0x3f: {  	s8 =	sshra.s32 s2, $0x2  }
0x40: {  	[tilespmem:s8+$0xE000] =	vst v0  }
0x41: {  	s2 =	sadd.s32 $0x80, s2;
	[tilespmem:s8+$0xE010] =	vst v0  }
0x42: {  	s2 =	simm.s32 $0x80;
	s8 =	simm.s32 $0x0  }
.LBB2_4:
0x43: {  	p0 =	sne.s32 s2, $0x3F80;
	[tilespmem:s8+$0xA000] =	vst v2;
	s11 =	smov.u32 s2;
	s2 =	sadd.s32 $0x80, s2  }
.Ltmp1:
0x44: {  	[tilespmem:s8+$0xA010] =	vst v0;
	(pc) =	sbr.rel @p0 .LBB2_4-.Ltmp1, $2  }
0x45: {  	_ =	sdelay $0x2  }
0x46: {  	s8 =	sshra.s32 s11, $0x2  }
0x47: {  	[tilespmem:s8+$0xA000] =	vst v2  }
0x48: {  	[tilespmem:s8+$0xA010] =	vst v0;
	s8 =	simm.s32 $0xE000  }
0x49: {  	[spmem:s10] =	stream.linear.scatter [tilespmem:s8], [sflag:$0xE], $0x800, $0x38;
	[tilespmem:$0x1EAA0] =	vst v63  }
0x4a: {  	_ =	swait.ge [sflag:s9], $0x800  }
0x4b: {  	s2 =	sld [smem:$0x7F5]  }
0x4c: {  	[sflag:s9] =	ssyncset.done $0x0  }
0x4d: {  	[sflag:s9] =	ssyncadd.s32 $0xFFFFF800  }
0x4e: {  	[spmem:s2] =	stream.linear.scatter [tilespmem:s8], [sflag:$0xE], $0x800, $0x38;
	[tilespmem:$0x1EAA0] =	vst v63  }
0x4f: {  	_ =	swait.ge [sflag:s9], $0x800  }
0x50: {  	s11 =	sld [smem:$0x7F6]  }
0x51: {  	[sflag:s9] =	ssyncset.done $0x0  }
0x52: {  	[sflag:s9] =	ssyncadd.s32 $0xFFFFF800  }
0x53: {  	[spmem:s11] =	stream.linear.scatter [tilespmem:s8], [sflag:$0xE], $0x800, $0x38;
	[tilespmem:$0x1EAA0] =	vst v63  }
0x54: {  	_ =	swait.ge [sflag:s9], $0x800  }
0x55: {  	s12 =	sld [smem:$0x7F7]  }
0x56: {  	[sflag:s9] =	ssyncset.done $0x0  }
0x57: {  	[sflag:s9] =	ssyncadd.s32 $0xFFFFF800  }
0x58: {  	[spmem:s12] =	stream.linear.scatter [tilespmem:s8], [sflag:$0xE], $0x800, $0x38;
	[tilespmem:$0x1EAA0] =	vst v63  }
0x59: {  	_ =	swait.ge [sflag:s9], $0x800  }
0x5a: {  	s14 =	sld [smem:$0x7F8]  }
0x5b: {  	[sflag:s9] =	ssyncset.done $0x0  }
0x5c: {  	[sflag:s9] =	ssyncadd.s32 $0xFFFFF800  }
0x5d: {  	[spmem:s14] =	stream.linear.scatter [tilespmem:s8], [sflag:$0xE], $0x800, $0x38;
	[tilespmem:$0x1EAA0] =	vst v63  }
0x5e: {  	_ =	swait.ge [sflag:s9], $0x800  }
0x5f: {  	s20 =	sld [smem:$0x7F9]  }
0x60: {  	[sflag:s9] =	ssyncset.done $0x0  }
0x61: {  	[sflag:s9] =	ssyncadd.s32 $0xFFFFF800  }
0x62: {  	[spmem:s20] =	stream.linear.scatter [tilespmem:s8], [sflag:$0xE], $0x800, $0x38;
	[tilespmem:$0x1EAA0] =	vst v63  }
0x63: {  	_ =	swait.ge [sflag:s9], $0x800  }
0x64: {  	s23 =	sld [smem:$0x7FA]  }
0x65: {  	[sflag:s9] =	ssyncset.done $0x0  }
0x66: {  	[sflag:s9] =	ssyncadd.s32 $0xFFFFF800  }
0x67: {  	[spmem:s23] =	stream.linear.scatter [tilespmem:s8], [sflag:$0xE], $0x800, $0x38;
	[tilespmem:$0x1EAA0] =	vst v63  }
0x68: {  	_ =	swait.ge [sflag:s9], $0x800  }
0x69: {  	s25 =	sld [smem:$0x7FB]  }
0x6a: {  	[sflag:s9] =	ssyncset.done $0x0  }
0x6b: {  	[sflag:s9] =	ssyncadd.s32 $0xFFFFF800  }
0x6c: {  	[spmem:s25] =	stream.linear.scatter [tilespmem:s8], [sflag:$0xE], $0x800, $0x38;
	[tilespmem:$0x1EAA0] =	vst v63  }
0x6d: {  	_ =	swait.ge [sflag:s9], $0x800  }
0x6e: {  	s28 =	sld [smem:$0x7FC]  }
0x6f: {  	[sflag:s9] =	ssyncset.done $0x0  }
0x70: {  	[sflag:s9] =	ssyncadd.s32 $0xFFFFF800  }
0x71: {  	[spmem:s28] =	stream.linear.scatter [tilespmem:s8], [sflag:$0xE], $0x800, $0x38;
	[tilespmem:$0x1EAA0] =	vst v63  }
0x72: {  	_ =	swait.ge [sflag:s9], $0x800  }
0x73: {  	s30 =	sld [smem:$0x7FD]  }
0x74: {  	[sflag:s9] =	ssyncset.done $0x0  }
0x75: {  	[sflag:s9] =	ssyncadd.s32 $0xFFFFF800  }
0x76: {  	[spmem:s30] =	stream.linear.scatter [tilespmem:s8], [sflag:$0xE], $0x800, $0x38;
	[tilespmem:$0x1EAA0] =	vst v63  }
0x77: {  	_ =	swait.ge [sflag:s9], $0x800  }
0x78: {  	[sflag:s9] =	ssyncset.done $0x0  }
0x79: {  	[sflag:s9] =	ssyncadd.s32 $0xFFFFF800  }
0x7a: {  	s20 =	simm.s32 $0x0;
	[bflag:$0x0] =	sbarrier.arrive $0xFFFF  }
0x7b: {  	v6 =	vld [tilespmem:s20+$0x40]  }
0x7c: {  	v7 =	vld [tilespmem:s20+$0x5040]  }
0x7d: {  	v8 =	vld [tilespmem:s20+$0x5060]  }
0x7e: {  	v11 =	vld [tilespmem:s20+$0x5010]  }
0x7f: {  	v12 =	vld [tilespmem:s20+$0x10]  }
0x80: {  	v13 =	vld [tilespmem:s20+$0x60]  }
0x81: {  	v9 =	vld [tilespmem:s20+$0x5070]  }
0x82: {  	v10 =	vld [tilespmem:s20+$0x70]  }
0x83: {  	v14 =	vld [tilespmem:s20+$0x30];
	vm0 =	veq.s32 v6, v7  }
0x84: {  	v15 =	vld [tilespmem:s20+$0x5030];
	vm1 =	veq.s32 v12, v11;
	v6 =	vsel vm0, $0x2710, v6  }
0x85: {  	vm2 =	veq.s32 v13, v8;
	v12 =	vsel vm1, $0x2710, v12;
	[tilespmem:s20+$0x40] =	vst v6  }
0x86: {  	v16 =	vld [tilespmem:s20+$0x5020];
	v59 =	vsel vm2, $0x2710, v13;
	[tilespmem:s20+$0x10] =	vst v12  }
0x87: {  	vm11 =	veq.s32 v10, v9;
	v6 =	vsel vm0, $0x2710, v7;
	v7 =	vld [tilespmem:s20+$0x20];
	[tilespmem:s20+$0x60] =	vst v59  }
0x88: {  	v58 =	vld [tilespmem:s20+$0x5050];
	[tilespmem:s20+$0x5040] =	vst v6;
	v6 =	vsel vm11, $0x2710, v10  }
0x89: {  	vm12 =	veq.s32 v14, v15;
	v9 =	vsel vm11, $0x2710, v9;
	[tilespmem:s20+$0x70] =	vst v6;
	v6 =	vld [tilespmem:s20+$0x50]  }
0x8a: {  	v60 =	vld [tilespmem:s20+$0x5000];
	v62 =	vsel vm12, $0x2710, v14;
	[tilespmem:s20+$0x5070] =	vst v9  }
0x8b: {  	v61 =	vld [tilespmem:s20+$0x0];
	v8 =	vsel vm2, $0x2710, v8;
	[tilespmem:s20+$0x30] =	vst v62  }
0x8c: {  	v63 =	vsel vm1, $0x2710, v11;
	[tilespmem:s20+$0x5060] =	vst v8;
	vm13 =	veq.s32 v7, v16  }
0x8d: {  	[tilespmem:s20+$0x5010] =	vst v63;
	v7 =	vsel vm13, $0x2710, v7  }
0x8e: {  	[tilespmem:s20+$0x20] =	vst v7;
	vm14 =	veq.s32 v6, v58;
	v7 =	vsel vm13, $0x2710, v16  }
0x8f: {  	v6 =	vsel vm14, $0x2710, v6;
	[tilespmem:s20+$0x5020] =	vst v7  }
0x90: {  	vm15 =	veq.s32 v61, v60;
	v7 =	vsel vm12, $0x2710, v15;
	[tilespmem:s20+$0x50] =	vst v6  }
0x91: {  	v6 =	vsel vm15, $0x2710, v61;
	[tilespmem:s20+$0x5030] =	vst v7  }
0x92: {  	v7 =	vsel vm14, $0x2710, v58;
	[tilespmem:s20+$0x0] =	vst v6  }
0x93: {  	v6 =	vsel vm15, $0x2710, v60;
	[tilespmem:s20+$0x5050] =	vst v7  }
0x94: {  	s23 =	simm.s32 $0x200;
	s25 =	simm.s32 $0x400;
	[tilespmem:s20+$0x5000] =	vst v6  }
.LBB2_6:
0x95: {  	[spmem:s3] =	stream.indirect.scatter.add.f32 [tilespmem:s0], [sflag:$0xE], $0x20, s20, s5, $0xb8;
	[tilespmem:$0x1EAA0] =	vst v63  }
0x96: {  	s2 =	smov.u32 s25  }
0x97: {  	p0 =	sne.s32 s25, $0x13E00;
	s25 =	sadd.s32 $0x200, s25;
	_ =	swait.ge [sflag:s9], $0x1000  }
0x98: {  	[sflag:s9] =	ssyncset.done $0x0  }
0x99: {  	s20 =	sshra.s32 s23, $0x2;
	s23 =	smov.u32 s2;
	[sflag:s9] =	ssyncadd.s32 $0xFFFFF000  }
0x9a: {  	v6 =	vld [tilespmem:s20+$0x40]  }
0x9b: {  	v7 =	vld [tilespmem:s20+$0x5040]  }
0x9c: {  	v8 =	vld [tilespmem:s20+$0x5060]  }
0x9d: {  	v9 =	vld [tilespmem:s20+$0x5070]  }
0x9e: {  	v10 =	vld [tilespmem:s20+$0x70]  }
0x9f: {  	v11 =	vld [tilespmem:s20+$0x5010]  }
0xa0: {  	v12 =	vld [tilespmem:s20+$0x10];
	vm0 =	veq.s32 v6, v7  }
0xa1: {  	v7 =	vsel vm0, $0x2710, v7;
	v6 =	vsel vm0, $0x2710, v6;
	v13 =	vld [tilespmem:s20+$0x60]  }
0xa2: {  	v14 =	vld [tilespmem:s20+$0x30]  }
0xa3: {  	v15 =	vld [tilespmem:s20+$0x5030];
	vm0 =	veq.s32 v10, v9  }
0xa4: {  	v16 =	vld [tilespmem:s20+$0x5020];
	[tilespmem:s20+$0x40] =	vst v6;
	v6 =	vsel vm0, $0x2710, v9;
	v9 =	vsel vm0, $0x2710, v10  }
0xa5: {  	vm0 =	veq.s32 v12, v11;
	v10 =	vld [tilespmem:s20+$0x20];
	[tilespmem:s20+$0x5040] =	vst v7  }
0xa6: {  	v7 =	vsel vm0, $0x2710, v11;
	v11 =	vsel vm0, $0x2710, v12;
	v12 =	vld [tilespmem:s20+$0x5050];
	vm0 =	veq.s32 v13, v8;
	[tilespmem:s20+$0x70] =	vst v9  }
0xa7: {  	[tilespmem:s20+$0x10] =	vst v11;
	v9 =	vld [tilespmem:s20+$0x50];
	v8 =	vsel vm0, $0x2710, v8;
	v11 =	vsel vm0, $0x2710, v13  }
0xa8: {  	v13 =	vld [tilespmem:s20+$0x5000];
	vm0 =	veq.s32 v14, v15;
	[tilespmem:s20+$0x60] =	vst v11  }
0xa9: {  	v11 =	vld [tilespmem:s20+$0x0];
	v15 =	vsel vm0, $0x2710, v15;
	v14 =	vsel vm0, $0x2710, v14;
	[tilespmem:s20+$0x5070] =	vst v6  }
0xaa: {  	vm0 =	veq.s32 v10, v16;
	[tilespmem:s20+$0x30] =	vst v14  }
0xab: {  	v6 =	vsel vm0, $0x2710, v16;
	v10 =	vsel vm0, $0x2710, v10;
	[tilespmem:s20+$0x5060] =	vst v8  }
0xac: {  	[tilespmem:s20+$0x20] =	vst v10;
	vm0 =	veq.s32 v9, v12  }
0xad: {  	[tilespmem:s20+$0x5010] =	vst v7;
	v7 =	vsel vm0, $0x2710, v12;
	v8 =	vsel vm0, $0x2710, v9  }
0xae: {  	vm0 =	veq.s32 v11, v13;
	[tilespmem:s20+$0x50] =	vst v8  }
.Ltmp2:
0xaf: {  	v8 =	vsel vm0, $0x2710, v13;
	v9 =	vsel vm0, $0x2710, v11;
	[tilespmem:s20+$0x5020] =	vst v6;
	(pc) =	sbr.rel @p0 .LBB2_6-.Ltmp2, $4  }
0xb0: {  	[tilespmem:s20+$0x0] =	vst v9  }
0xb1: {  	[tilespmem:s20+$0x5030] =	vst v15  }
0xb2: {  	[tilespmem:s20+$0x5000] =	vst v8  }
0xb3: {  	[tilespmem:s20+$0x5050] =	vst v7  }
0xb4: {  	[spmem:s3] =	stream.indirect.scatter.add.f32 [tilespmem:s0], [sflag:$0xE], $0x20, s20, s5, $0xb8;
	[tilespmem:$0x1EAA0] =	vst v63  }
0xb5: {  	_ =	swait.ge [sflag:s9], $0x1000  }
0xb6: {  	[sflag:s9] =	ssyncset.done $0x0  }
0xb7: {  	s2 =	sshra.s32 s23, $0x2;
	[sflag:s9] =	ssyncadd.s32 $0xFFFFF000  }
0xb8: {  	v6 =	vld [tilespmem:s2+$0x40]  }
0xb9: {  	v7 =	vld [tilespmem:s2+$0x5040]  }
0xba: {  	v8 =	vld [tilespmem:s2+$0x5060]  }
0xbb: {  	v9 =	vld [tilespmem:s2+$0x5070]  }
0xbc: {  	v10 =	vld [tilespmem:s2+$0x70]  }
0xbd: {  	v11 =	vld [tilespmem:s2+$0x5010]  }
0xbe: {  	v12 =	vld [tilespmem:s2+$0x10]  }
0xbf: {  	v13 =	vld [tilespmem:s2+$0x60]  }
0xc0: {  	v14 =	vld [tilespmem:s2+$0x30];
	vm0 =	veq.s32 v6, v7  }
0xc1: {  	v15 =	vld [tilespmem:s2+$0x5030];
	v6 =	vsel vm0, $0x2710, v6  }
0xc2: {  	v16 =	vld [tilespmem:s2+$0x5020];
	vm7 =	veq.s32 v10, v9;
	v7 =	vsel vm0, $0x2710, v7;
	[tilespmem:s2+$0x40] =	vst v6  }
0xc3: {  	v55 =	vld [tilespmem:s2+$0x20];
	v9 =	vsel vm7, $0x2710, v9;
	[tilespmem:s2+$0x5040] =	vst v7  }
0xc4: {  	v56 =	vld [tilespmem:s2+$0x5050];
	vm1 =	veq.s32 v12, v11;
	v6 =	vsel vm7, $0x2710, v10;
	[tilespmem:s2+$0x5070] =	vst v9  }
0xc5: {  	v57 =	vld [tilespmem:s2+$0x5000];
	vm2 =	veq.s32 v13, v8;
	v7 =	vsel vm1, $0x2710, v12;
	[tilespmem:s2+$0x70] =	vst v6  }
0xc6: {  	vm8 =	veq.s32 v14, v15;
	[tilespmem:s2+$0x10] =	vst v7;
	v6 =	vld [tilespmem:s2+$0x50];
	v7 =	vsel vm2, $0x2710, v13  }
0xc7: {  	v58 =	vsel vm8, $0x2710, v14;
	[tilespmem:s2+$0x60] =	vst v7;
	v7 =	vld [tilespmem:s2+$0x0]  }
0xc8: {  	vm9 =	veq.s32 v55, v16;
	v8 =	vsel vm2, $0x2710, v8;
	[tilespmem:s2+$0x30] =	vst v58  }
0xc9: {  	v59 =	vsel vm9, $0x2710, v55;
	[tilespmem:s2+$0x5060] =	vst v8  }
0xca: {  	v8 =	vsel vm1, $0x2710, v11;
	[tilespmem:s2+$0x20] =	vst v59  }
0xcb: {  	[tilespmem:s2+$0x5010] =	vst v8;
	v8 =	vsel vm9, $0x2710, v16;
	vm10 =	veq.s32 v6, v56  }
0xcc: {  	[tilespmem:s2+$0x5020] =	vst v8;
	v6 =	vsel vm10, $0x2710, v6;
	vm11 =	veq.s32 v7, v57  }
0xcd: {  	[tilespmem:s2+$0x50] =	vst v6;
	v6 =	vsel vm11, $0x2710, v7  }
0xce: {  	v7 =	vsel vm8, $0x2710, v15;
	[tilespmem:s2+$0x0] =	vst v6  }
0xcf: {  	v6 =	vsel vm11, $0x2710, v57;
	[tilespmem:s2+$0x5030] =	vst v7  }
0xd0: {  	v7 =	vsel vm10, $0x2710, v56;
	[tilespmem:s2+$0x5000] =	vst v6  }
0xd1: {  	[tilespmem:s2+$0x5050] =	vst v7  }
0xd2: {  	[spmem:s3] =	stream.indirect.scatter.add.f32 [tilespmem:s0], [sflag:$0xE], $0x20, s2, s5, $0xb8;
	[tilespmem:$0x1EAA0] =	vst v63  }
0xd3: {  	_ =	swait.ge [sflag:s9], $0x1000  }
0xd4: {  	[sflag:s9] =	ssyncset.done $0x0  }
0xd5: {  	[sflag:s9] =	ssyncadd.s32 $0xFFFFF000  }
0xd6: {  	s30 =	sadd.s32 $0x0, s10;
	[bflag:$0x0] =	sbarrier.arrive $0xFFFF  }
0xd7: {  	[tilespmem:s1], [sflag:$0xE] =	stream.linear.gather [spmem:s30], $0x800, $0x38;
	[tilespmem:$0x1EAA0] =	vst v63  }
0xd8: {  	_ =	swait.ge [sflag:s9], $0x800  }
0xd9: {  	[sflag:s9] =	ssyncset.done $0x0  }
0xda: {  	[sflag:s9] =	ssyncadd.s32 $0xFFFFF800  }
0xdb: {  	v6 =	vld.idx.msk [tilespmem:v1+s1+$0x0], $0xffff;
	_ =	sdelay $0x4  }
0xdc: {  	v7 =	vshra.s32 v6, $0x1;
	v8 =	vmul.f32 $5.000000000e-01, v6  }
0xdd: {  	v7 =	vsub.s32 $0x5F3759DF, v7  }
0xde: {  	v60 =	vmul.f32 v7, v8;
	_ =	sdelay $0x1  }
0xdf: {  	v9 =	vmul.f32 v7, v60;
	_ =	sdelay $0x1  }
0xe0: {  	v9 =	vsub.f32 $1.500000000e+00, v9;
	_ =	sdelay $0x1  }
0xe1: {  	v7 =	vmul.f32 v7, v9;
	_ =	sdelay $0x1  }
0xe2: {  	v9 =	vmul.f32 v7, v8;
	_ =	sdelay $0x1  }
0xe3: {  	v9 =	vmul.f32 v9, v7;
	_ =	sdelay $0x1  }
0xe4: {  	v9 =	vsub.f32 $1.500000000e+00, v9;
	_ =	sdelay $0x1  }
0xe5: {  	v7 =	vmul.f32 v9, v7;
	_ =	sdelay $0x1  }
0xe6: {  	v8 =	vmul.f32 v7, v8;
	_ =	sdelay $0x1  }
0xe7: {  	v8 =	vmul.f32 v8, v7;
	_ =	sdelay $0x1  }
0xe8: {  	v8 =	vsub.f32 $1.500000000e+00, v8;
	_ =	sdelay $0x1  }
0xe9: {  	v7 =	vmul.f32 v8, v7  }
0xea: {  	vm12 =	vgt.f32 v6, $5.000000000e-01  }
0xeb: {  	s20 =	simm.s32 $0x14820;
	v6 =	vnsel vm12, $0x0, v7  }
0xec: {  	[tilespmem:s20+$0xFFFFFFE0] =	vst v6  }
0xed: {  	v6 =	vld.idx.msk [tilespmem:v3+s1+$0x0], $0xffff;
	_ =	sdelay $0x4  }
0xee: {  	v7 =	vshra.s32 v6, $0x1;
	v8 =	vmul.f32 $5.000000000e-01, v6  }
0xef: {  	v7 =	vsub.s32 $0x5F3759DF, v7  }
0xf0: {  	v61 =	vmul.f32 v7, v8;
	_ =	sdelay $0x1  }
0xf1: {  	v9 =	vmul.f32 v7, v61;
	_ =	sdelay $0x1  }
0xf2: {  	v9 =	vsub.f32 $1.500000000e+00, v9;
	_ =	sdelay $0x1  }
0xf3: {  	v7 =	vmul.f32 v7, v9;
	_ =	sdelay $0x1  }
0xf4: {  	v9 =	vmul.f32 v7, v8;
	_ =	sdelay $0x1  }
0xf5: {  	v9 =	vmul.f32 v9, v7;
	_ =	sdelay $0x1  }
0xf6: {  	v9 =	vsub.f32 $1.500000000e+00, v9;
	_ =	sdelay $0x1  }
0xf7: {  	v7 =	vmul.f32 v9, v7;
	_ =	sdelay $0x1  }
0xf8: {  	v8 =	vmul.f32 v7, v8;
	_ =	sdelay $0x1  }
0xf9: {  	v8 =	vmul.f32 v8, v7;
	_ =	sdelay $0x1  }
0xfa: {  	v8 =	vsub.f32 $1.500000000e+00, v8;
	_ =	sdelay $0x1  }
0xfb: {  	v7 =	vmul.f32 v8, v7  }
0xfc: {  	vm13 =	vgt.f32 v6, $5.000000000e-01  }
0xfd: {  	v6 =	vnsel vm13, $0x0, v7  }
0xfe: {  	[tilespmem:s20+$0xFFFFFFF0] =	vst v6  }
0xff: {  	v6 =	vld.idx.msk [tilespmem:v4+s1+$0x0], $0xffff;
	_ =	sdelay $0x4  }
0x100: {  	v7 =	vshra.s32 v6, $0x1;
	v8 =	vmul.f32 $5.000000000e-01, v6  }
0x101: {  	v7 =	vsub.s32 $0x5F3759DF, v7  }
0x102: {  	v62 =	vmul.f32 v7, v8;
	_ =	sdelay $0x1  }
0x103: {  	v9 =	vmul.f32 v7, v62;
	_ =	sdelay $0x1  }
0x104: {  	v9 =	vsub.f32 $1.500000000e+00, v9;
	_ =	sdelay $0x1  }
0x105: {  	v7 =	vmul.f32 v7, v9;
	_ =	sdelay $0x1  }
0x106: {  	v9 =	vmul.f32 v7, v8;
	_ =	sdelay $0x1  }
0x107: {  	v9 =	vmul.f32 v9, v7;
	_ =	sdelay $0x1  }
0x108: {  	v9 =	vsub.f32 $1.500000000e+00, v9;
	_ =	sdelay $0x1  }
0x109: {  	v7 =	vmul.f32 v9, v7;
	_ =	sdelay $0x1  }
0x10a: {  	v8 =	vmul.f32 v7, v8;
	_ =	sdelay $0x1  }
0x10b: {  	v8 =	vmul.f32 v8, v7;
	_ =	sdelay $0x1  }
0x10c: {  	v8 =	vsub.f32 $1.500000000e+00, v8;
	_ =	sdelay $0x1  }
0x10d: {  	v7 =	vmul.f32 v8, v7  }
0x10e: {  	vm14 =	vgt.f32 v6, $5.000000000e-01  }
0x10f: {  	v6 =	vnsel vm14, $0x0, v7  }
0x110: {  	[tilespmem:s20+$0x0] =	vst v6  }
0x111: {  	v6 =	vld.idx.msk [tilespmem:v5+s1+$0x0], $0xffff;
	_ =	sdelay $0x4  }
0x112: {  	v7 =	vshra.s32 v6, $0x1;
	v8 =	vmul.f32 $5.000000000e-01, v6  }
0x113: {  	v7 =	vsub.s32 $0x5F3759DF, v7  }
0x114: {  	v63 =	vmul.f32 v7, v8;
	_ =	sdelay $0x1  }
0x115: {  	v9 =	vmul.f32 v7, v63;
	_ =	sdelay $0x1  }
0x116: {  	v9 =	vsub.f32 $1.500000000e+00, v9;
	_ =	sdelay $0x1  }
0x117: {  	v7 =	vmul.f32 v7, v9;
	_ =	sdelay $0x1  }
0x118: {  	v9 =	vmul.f32 v7, v8;
	_ =	sdelay $0x1  }
0x119: {  	v9 =	vmul.f32 v9, v7;
	_ =	sdelay $0x1  }
0x11a: {  	v9 =	vsub.f32 $1.500000000e+00, v9;
	_ =	sdelay $0x1  }
0x11b: {  	v7 =	vmul.f32 v9, v7;
	_ =	sdelay $0x1  }
0x11c: {  	v8 =	vmul.f32 v7, v8;
	_ =	sdelay $0x1  }
0x11d: {  	v8 =	vmul.f32 v8, v7;
	_ =	sdelay $0x1  }
0x11e: {  	v8 =	vsub.f32 $1.500000000e+00, v8;
	_ =	sdelay $0x1  }
0x11f: {  	v7 =	vmul.f32 v8, v7  }
0x120: {  	vm15 =	vgt.f32 v6, $5.000000000e-01  }
0x121: {  	s8 =	simm.s32 $0x800;
	s2 =	simm.s32 $0x4000;
	v6 =	vnsel vm15, $0x0, v7  }
.LBB2_8:
0x122: {  	s8 =	sadd.s32 s8, s10  }
0x123: {  	[tilespmem:s20+$0x10] =	vst v6;
	s20 =	sadd.s32 $0x40, s20;
	s25 =	smov.u32 s2;
	s23 =	sadd.s32 $0x2000, s2  }
0x124: {  	[tilespmem:s1], [sflag:$0xE] =	stream.linear.gather [spmem:s8], $0x800, $0x38;
	[tilespmem:$0x1EAA0] =	vst v63  }
0x125: {  	p0 =	sne.s32 s2, $0x12000;
	_ =	swait.ge [sflag:s9], $0x800  }
0x126: {  	[sflag:s9] =	ssyncset.done $0x0  }
0x127: {  	[sflag:s9] =	ssyncadd.s32 $0xFFFFF800  }
0x128: {  	v6 =	vld.idx.msk [tilespmem:v1+s1+$0x0], $0xffff;
	_ =	sdelay $0x5  }
0x129: {  	v7 =	vshra.s32 v6, $0x1;
	v8 =	vmul.f32 $5.000000000e-01, v6  }
0x12a: {  	v7 =	vsub.s32 $0x5F3759DF, v7  }
0x12b: {  	v9 =	vmul.f32 v7, v8;
	_ =	sdelay $0x1  }
0x12c: {  	v9 =	vmul.f32 v7, v9;
	_ =	sdelay $0x1  }
0x12d: {  	v9 =	vsub.f32 $1.500000000e+00, v9;
	_ =	sdelay $0x1  }
0x12e: {  	v7 =	vmul.f32 v7, v9;
	_ =	sdelay $0x1  }
0x12f: {  	v9 =	vmul.f32 v7, v8;
	_ =	sdelay $0x1  }
0x130: {  	v9 =	vmul.f32 v9, v7;
	_ =	sdelay $0x1  }
0x131: {  	v9 =	vsub.f32 $1.500000000e+00, v9;
	_ =	sdelay $0x1  }
0x132: {  	v7 =	vmul.f32 v9, v7;
	_ =	sdelay $0x1  }
0x133: {  	v8 =	vmul.f32 v7, v8;
	_ =	sdelay $0x1  }
0x134: {  	v8 =	vmul.f32 v8, v7;
	_ =	sdelay $0x1  }
0x135: {  	v8 =	vsub.f32 $1.500000000e+00, v8;
	_ =	sdelay $0x1  }
0x136: {  	v7 =	vmul.f32 v8, v7  }
0x137: {  	vm0 =	vgt.f32 v6, $5.000000000e-01  }
0x138: {  	v6 =	vnsel vm0, $0x0, v7  }
0x139: {  	[tilespmem:s20+$0xFFFFFFE0] =	vst v6  }
0x13a: {  	v6 =	vld.idx.msk [tilespmem:v3+s1+$0x0], $0xffff;
	_ =	sdelay $0x5  }
0x13b: {  	v7 =	vshra.s32 v6, $0x1;
	v8 =	vmul.f32 $5.000000000e-01, v6  }
0x13c: {  	v7 =	vsub.s32 $0x5F3759DF, v7  }
0x13d: {  	v9 =	vmul.f32 v7, v8;
	_ =	sdelay $0x1  }
0x13e: {  	v9 =	vmul.f32 v7, v9;
	_ =	sdelay $0x1  }
0x13f: {  	v9 =	vsub.f32 $1.500000000e+00, v9;
	_ =	sdelay $0x1  }
0x140: {  	v7 =	vmul.f32 v7, v9;
	_ =	sdelay $0x1  }
0x141: {  	v9 =	vmul.f32 v7, v8;
	_ =	sdelay $0x1  }
0x142: {  	v9 =	vmul.f32 v9, v7;
	_ =	sdelay $0x1  }
0x143: {  	v9 =	vsub.f32 $1.500000000e+00, v9;
	_ =	sdelay $0x1  }
0x144: {  	v7 =	vmul.f32 v9, v7;
	_ =	sdelay $0x1  }
0x145: {  	v8 =	vmul.f32 v7, v8;
	_ =	sdelay $0x1  }
0x146: {  	v8 =	vmul.f32 v8, v7;
	_ =	sdelay $0x1  }
0x147: {  	v8 =	vsub.f32 $1.500000000e+00, v8;
	_ =	sdelay $0x1  }
0x148: {  	v7 =	vmul.f32 v8, v7  }
0x149: {  	vm0 =	vgt.f32 v6, $5.000000000e-01  }
0x14a: {  	v6 =	vnsel vm0, $0x0, v7  }
0x14b: {  	[tilespmem:s20+$0xFFFFFFF0] =	vst v6  }
0x14c: {  	v6 =	vld.idx.msk [tilespmem:v4+s1+$0x0], $0xffff;
	_ =	sdelay $0x5  }
0x14d: {  	v7 =	vshra.s32 v6, $0x1;
	v8 =	vmul.f32 $5.000000000e-01, v6  }
0x14e: {  	v7 =	vsub.s32 $0x5F3759DF, v7  }
0x14f: {  	v9 =	vmul.f32 v7, v8;
	_ =	sdelay $0x1  }
0x150: {  	v9 =	vmul.f32 v7, v9;
	_ =	sdelay $0x1  }
0x151: {  	v9 =	vsub.f32 $1.500000000e+00, v9;
	_ =	sdelay $0x1  }
0x152: {  	v7 =	vmul.f32 v7, v9;
	_ =	sdelay $0x1  }
0x153: {  	v9 =	vmul.f32 v7, v8;
	_ =	sdelay $0x1  }
0x154: {  	v9 =	vmul.f32 v9, v7;
	_ =	sdelay $0x1  }
0x155: {  	v9 =	vsub.f32 $1.500000000e+00, v9;
	_ =	sdelay $0x1  }
0x156: {  	v7 =	vmul.f32 v9, v7;
	_ =	sdelay $0x1  }
0x157: {  	v8 =	vmul.f32 v7, v8;
	_ =	sdelay $0x1  }
0x158: {  	v8 =	vmul.f32 v8, v7;
	_ =	sdelay $0x1  }
0x159: {  	v8 =	vsub.f32 $1.500000000e+00, v8;
	_ =	sdelay $0x1  }
0x15a: {  	v7 =	vmul.f32 v8, v7  }
0x15b: {  	vm0 =	vgt.f32 v6, $5.000000000e-01  }
0x15c: {  	v6 =	vnsel vm0, $0x0, v7  }
0x15d: {  	[tilespmem:s20+$0x0] =	vst v6  }
0x15e: {  	v6 =	vld.idx.msk [tilespmem:v5+s1+$0x0], $0xffff;
	_ =	sdelay $0x5  }
0x15f: {  	v7 =	vshra.s32 v6, $0x1;
	v8 =	vmul.f32 $5.000000000e-01, v6  }
0x160: {  	v7 =	vsub.s32 $0x5F3759DF, v7  }
0x161: {  	v9 =	vmul.f32 v7, v8;
	_ =	sdelay $0x1  }
0x162: {  	v9 =	vmul.f32 v7, v9;
	_ =	sdelay $0x1  }
0x163: {  	v9 =	vsub.f32 $1.500000000e+00, v9;
	_ =	sdelay $0x1  }
0x164: {  	v7 =	vmul.f32 v7, v9;
	_ =	sdelay $0x1  }
0x165: {  	v9 =	vmul.f32 v7, v8;
	_ =	sdelay $0x1  }
0x166: {  	v9 =	vmul.f32 v9, v7;
	_ =	sdelay $0x1  }
0x167: {  	v9 =	vsub.f32 $1.500000000e+00, v9;
	_ =	sdelay $0x1  }
0x168: {  	v7 =	vmul.f32 v9, v7;
	_ =	sdelay $0x1  }
0x169: {  	v8 =	vmul.f32 v7, v8;
	_ =	sdelay $0x1  }
0x16a: {  	v8 =	vmul.f32 v8, v7;
	_ =	sdelay $0x1  }
.Ltmp3:
0x16b: {  	v8 =	vsub.f32 $1.500000000e+00, v8;
	(pc) =	sbr.rel @p0 .LBB2_8-.Ltmp3, $4  }
0x16c: {  	_ = 	snop  }
0x16d: {  	v7 =	vmul.f32 v8, v7  }
0x16e: {  	vm0 =	vgt.f32 v6, $5.000000000e-01  }
0x16f: {  	s8 =	sshra.s32 s25, $0x2;
	s2 =	smov.u32 s23;
	v6 =	vnsel vm0, $0x0, v7  }
0x170: {  	s2 =	sadd.s32 s8, s10;
	[tilespmem:s20+$0x10] =	vst v6  }
0x171: {  	[tilespmem:s1], [sflag:$0xE] =	stream.linear.gather [spmem:s2], $0x800, $0x38;
	[tilespmem:$0x1EAA0] =	vst v63  }
0x172: {  	_ =	swait.ge [sflag:s9], $0x800  }
0x173: {  	[sflag:s9] =	ssyncset.done $0x0  }
0x174: {  	[sflag:s9] =	ssyncadd.s32 $0xFFFFF800  }
0x175: {  	v6 =	vld.idx.msk [tilespmem:v1+s1+$0x0], $0xffff;
	_ =	sdelay $0x4  }
0x176: {  	v7 =	vshra.s32 v6, $0x1;
	v8 =	vmul.f32 $5.000000000e-01, v6  }
0x177: {  	v7 =	vsub.s32 $0x5F3759DF, v7  }
0x178: {  	v9 =	vmul.f32 v7, v8;
	_ =	sdelay $0x1  }
0x179: {  	v9 =	vmul.f32 v7, v9;
	_ =	sdelay $0x1  }
0x17a: {  	v9 =	vsub.f32 $1.500000000e+00, v9;
	_ =	sdelay $0x1  }
0x17b: {  	v7 =	vmul.f32 v7, v9;
	_ =	sdelay $0x1  }
0x17c: {  	v9 =	vmul.f32 v7, v8;
	_ =	sdelay $0x1  }
0x17d: {  	v9 =	vmul.f32 v9, v7;
	_ =	sdelay $0x1  }
0x17e: {  	v9 =	vsub.f32 $1.500000000e+00, v9;
	_ =	sdelay $0x1  }
0x17f: {  	v7 =	vmul.f32 v9, v7;
	_ =	sdelay $0x1  }
0x180: {  	v8 =	vmul.f32 v7, v8;
	_ =	sdelay $0x1  }
0x181: {  	v8 =	vmul.f32 v8, v7;
	_ =	sdelay $0x1  }
0x182: {  	v8 =	vsub.f32 $1.500000000e+00, v8;
	_ =	sdelay $0x1  }
0x183: {  	v7 =	vmul.f32 v8, v7  }
0x184: {  	vm0 =	vgt.f32 v6, $5.000000000e-01  }
0x185: {  	s30 =	sadd.s32 $0x40, s20;
	v6 =	vnsel vm0, $0x0, v7  }
0x186: {  	[tilespmem:s30+$0xFFFFFFE0] =	vst v6  }
0x187: {  	v6 =	vld.idx.msk [tilespmem:v3+s1+$0x0], $0xffff;
	_ =	sdelay $0x4  }
0x188: {  	v7 =	vshra.s32 v6, $0x1;
	v8 =	vmul.f32 $5.000000000e-01, v6  }
0x189: {  	v7 =	vsub.s32 $0x5F3759DF, v7  }
0x18a: {  	v61 =	vmul.f32 v7, v8;
	_ =	sdelay $0x1  }
0x18b: {  	v9 =	vmul.f32 v7, v61;
	_ =	sdelay $0x1  }
0x18c: {  	v9 =	vsub.f32 $1.500000000e+00, v9;
	_ =	sdelay $0x1  }
0x18d: {  	v7 =	vmul.f32 v7, v9;
	_ =	sdelay $0x1  }
0x18e: {  	v9 =	vmul.f32 v7, v8;
	_ =	sdelay $0x1  }
0x18f: {  	v9 =	vmul.f32 v9, v7;
	_ =	sdelay $0x1  }
0x190: {  	v9 =	vsub.f32 $1.500000000e+00, v9;
	_ =	sdelay $0x1  }
0x191: {  	v7 =	vmul.f32 v9, v7;
	_ =	sdelay $0x1  }
0x192: {  	v8 =	vmul.f32 v7, v8;
	_ =	sdelay $0x1  }
0x193: {  	v8 =	vmul.f32 v8, v7;
	_ =	sdelay $0x1  }
0x194: {  	v8 =	vsub.f32 $1.500000000e+00, v8;
	_ =	sdelay $0x1  }
0x195: {  	v7 =	vmul.f32 v8, v7  }
0x196: {  	vm13 =	vgt.f32 v6, $5.000000000e-01  }
0x197: {  	v6 =	vnsel vm13, $0x0, v7  }
0x198: {  	[tilespmem:s30+$0xFFFFFFF0] =	vst v6  }
0x199: {  	v6 =	vld.idx.msk [tilespmem:v4+s1+$0x0], $0xffff;
	_ =	sdelay $0x4  }
0x19a: {  	v7 =	vshra.s32 v6, $0x1;
	v8 =	vmul.f32 $5.000000000e-01, v6  }
0x19b: {  	v7 =	vsub.s32 $0x5F3759DF, v7  }
0x19c: {  	v62 =	vmul.f32 v7, v8;
	_ =	sdelay $0x1  }
0x19d: {  	v9 =	vmul.f32 v7, v62;
	_ =	sdelay $0x1  }
0x19e: {  	v9 =	vsub.f32 $1.500000000e+00, v9;
	_ =	sdelay $0x1  }
0x19f: {  	v7 =	vmul.f32 v7, v9;
	_ =	sdelay $0x1  }
0x1a0: {  	v9 =	vmul.f32 v7, v8;
	_ =	sdelay $0x1  }
0x1a1: {  	v9 =	vmul.f32 v9, v7;
	_ =	sdelay $0x1  }
0x1a2: {  	v9 =	vsub.f32 $1.500000000e+00, v9;
	_ =	sdelay $0x1  }
0x1a3: {  	v7 =	vmul.f32 v9, v7;
	_ =	sdelay $0x1  }
0x1a4: {  	v8 =	vmul.f32 v7, v8;
	_ =	sdelay $0x1  }
0x1a5: {  	v8 =	vmul.f32 v8, v7;
	_ =	sdelay $0x1  }
0x1a6: {  	v8 =	vsub.f32 $1.500000000e+00, v8;
	_ =	sdelay $0x1  }
0x1a7: {  	v7 =	vmul.f32 v8, v7  }
0x1a8: {  	vm14 =	vgt.f32 v6, $5.000000000e-01  }
0x1a9: {  	v6 =	vnsel vm14, $0x0, v7  }
0x1aa: {  	[tilespmem:s30+$0x0] =	vst v6  }
0x1ab: {  	v6 =	vld.idx.msk [tilespmem:v5+s1+$0x0], $0xffff;
	_ =	sdelay $0x4  }
0x1ac: {  	v7 =	vshra.s32 v6, $0x1;
	v8 =	vmul.f32 $5.000000000e-01, v6  }
0x1ad: {  	v7 =	vsub.s32 $0x5F3759DF, v7  }
0x1ae: {  	v63 =	vmul.f32 v7, v8;
	_ =	sdelay $0x1  }
0x1af: {  	v9 =	vmul.f32 v7, v63;
	_ =	sdelay $0x1  }
0x1b0: {  	v9 =	vsub.f32 $1.500000000e+00, v9;
	_ =	sdelay $0x1  }
0x1b1: {  	v7 =	vmul.f32 v7, v9;
	_ =	sdelay $0x1  }
0x1b2: {  	v9 =	vmul.f32 v7, v8;
	_ =	sdelay $0x1  }
0x1b3: {  	v9 =	vmul.f32 v9, v7;
	_ =	sdelay $0x1  }
0x1b4: {  	v9 =	vsub.f32 $1.500000000e+00, v9;
	_ =	sdelay $0x1  }
0x1b5: {  	v7 =	vmul.f32 v9, v7;
	_ =	sdelay $0x1  }
0x1b6: {  	v8 =	vmul.f32 v7, v8;
	_ =	sdelay $0x1  }
0x1b7: {  	v8 =	vmul.f32 v8, v7;
	_ =	sdelay $0x1  }
0x1b8: {  	v8 =	vsub.f32 $1.500000000e+00, v8;
	_ =	sdelay $0x1  }
0x1b9: {  	v7 =	vmul.f32 v8, v7  }
0x1ba: {  	vm15 =	vgt.f32 v6, $5.000000000e-01  }
0x1bb: {  	v6 =	vnsel vm15, $0x0, v7  }
0x1bc: {  	s20 =	simm.s32 $0xF810;
	[tilespmem:s30+$0x10] =	vst v6  }
0x1bd: {  	s23 =	simm.s32 $0x0;
	s25 =	simm.s32 $0x0;
	s28 =	simm.s32 $0x0;
	v6 =	vld [tilespmem:$0x14A90]  }
.LBB2_10:
0x1be: {  	s2 =	sshll.u32 s28, $0x6;
	s8 =	rddreg [dreg:$0x1f]  }
0x1bf: {  	s2 =	sadd.s32 s8, s2  }
0x1c0: {  	s12 =	rddreg [dreg:$0x5];
	s30 =	sshll.u32 s2, $0x5  }
0x1c1: {  	s2 =	sadd.s32 s12, s30  }
0x1c2: {  	s14 =	rddreg [dreg:$0x6];
	s2 =	sshrl.u32 s2, $0x3  }
0x1c3: {  	s2 =	sadd.s32 s14, s2  }
0x1c4: {  	[tilespmem:s1], [sflag:$0xE] =	stream.linear.gather [hbm4b:s2+s23], $0x800, $0x38;
	[tilespmem:$0x1EAA0] =	vst v63  }
0x1c5: {  	v8 =	vmov s25;
	_ =	swait.ge [sflag:s9], $0x800  }
0x1c6: {  	[sflag:s9] =	ssyncset.done $0x0  }
0x1c7: {  	s8 =	simm.s32 $0x0;
	[sflag:s9] =	ssyncadd.s32 $0xFFFFF800  }
0x1c8: {  	v9 =	vld [tilespmem:s8+$0xE800]  }
0x1c9: {  	v11 =	vld [tilespmem:s8+$0xE810]  }
0x1ca: {  	v7 =	vmov s20;
	v12 =	vld.idx.msk [tilespmem:v8+s7+$0x0], $0xffff;
	_ =	sdelay $0x2  }
0x1cb: {  	v8 =	vmul.f32 v9, v6  }
0x1cc: {  	s2 =	sadd.s32 $0x1, s25;
	v13 =	vmul.f32 v11, v6  }
0x1cd: {  	v10 =	vmul.f32 v9, v12;
	[tilespmem:v7+s8+$0xFFFFFFF0 ss:$0x1] =	vst.idx.msk $0xffff, v8;
	v8 =	vmov s2  }
0x1ce: {  	s11 =	simm.s32 $0x20;
	s12 =	simm.s32 $0x100;
	v9 =	vmul.f32 v11, v12;
	[tilespmem:v7+s8+$0x0 ss:$0x1] =	vst.idx.msk $0xffff, v13  }
.LBB2_11:
0x1cf: {  	s14 =	sshra.s32 s12, $0x2;
	p0 =	sne.s32 s12, $0x1F80;
	s12 =	sadd.s32 $0x80, s12;
	[tilespmem:s8+$0xE800] =	vst v10  }
0x1d0: {  	v10 =	vld [tilespmem:s11+$0xE800];
	[tilespmem:s8+$0xE810] =	vst v9;
	s8 =	smov.u32 s11;
	s11 =	smov.u32 s14  }
0x1d1: {  	v9 =	vld [tilespmem:s8+$0xE810]  }
0x1d2: {  	v11 =	vld.idx.msk [tilespmem:v8+s7+$0x0], $0xffff;
	_ =	sdelay $0x2  }
.Ltmp4:
0x1d3: {  	(pc) =	sbr.rel @p0 .LBB2_11-.Ltmp4, $4  }
0x1d4: {  	v12 =	vmul.f32 v10, v6  }
0x1d5: {  	s2 =	sadd.s32 $0x1, s2;
	v13 =	vmul.f32 v9, v6  }
0x1d6: {  	v8 =	vmov s2;
	v10 =	vmul.f32 v10, v11;
	v9 =	vmul.f32 v9, v11;
	[tilespmem:v7+s8+$0xFFFFFFF0 ss:$0x1] =	vst.idx.msk $0xffff, v12  }
0x1d7: {  	[tilespmem:v7+s8+$0x0 ss:$0x1] =	vst.idx.msk $0xffff, v13  }
0x1d8: {  	_ = 	snop  }
0x1d9: {  	[tilespmem:s8+$0xE800] =	vst v10  }
0x1da: {  	v10 =	vld [tilespmem:s11+$0xE800];
	[tilespmem:s8+$0xE810] =	vst v9  }
0x1db: {  	v9 =	vld [tilespmem:s11+$0xE810]  }
0x1dc: {  	v8 =	vld.idx.msk [tilespmem:v8+s7+$0x0], $0xffff;
	_ =	sdelay $0x2  }
0x1dd: {  	v11 =	vmul.f32 v10, v6  }
0x1de: {  	v12 =	vmul.f32 v9, v6  }
0x1df: {  	v10 =	vmul.f32 v10, v8;
	[tilespmem:v7+s11+$0xFFFFFFF0 ss:$0x1] =	vst.idx.msk $0xffff, v11  }
0x1e0: {  	v8 =	vmul.f32 v9, v8;
	[tilespmem:v7+s11+$0x0 ss:$0x1] =	vst.idx.msk $0xffff, v12  }
0x1e1: {  	[tilespmem:s11+$0xE800] =	vst v10  }
0x1e2: {  	s2 =	sadd.s32 s30, s4;
	[tilespmem:s11+$0xE810] =	vst v8  }
0x1e3: {  	[spmem:s2] =	stream.linear.scatter [tilespmem:s1], [sflag:$0xE], $0x800, $0x38;
	[tilespmem:$0x1EAA0] =	vst v63  }
0x1e4: {  	s28 =	sadd.s32 $0x1, s28;
	_ =	swait.ge [sflag:s9], $0x800  }
0x1e5: {  	s14 =	sadd.s32 s30, s3;
	p0 =	sne.s32 s28, $0xA;
	[sflag:s9] =	ssyncset.done $0x0  }
.Ltmp5:
0x1e6: {  	s30 =	simm.s32 $0xE000;
	[sflag:s9] =	ssyncadd.s32 $0xFFFFF800;
	(pc) =	sbr.rel @p0 .LBB2_10-.Ltmp5, $4  }
0x1e7: {  	[spmem:s14] =	stream.linear.scatter [tilespmem:s30], [sflag:$0xE], $0x800, $0x38;
	[tilespmem:$0x1EAA0] =	vst v63  }
0x1e8: {  	_ =	swait.ge [sflag:s9], $0x800  }
0x1e9: {  	[sflag:s9] =	ssyncset.done $0x0  }
0x1ea: {  	s20 =	sadd.s32 $0x800, s20;
	s25 =	sadd.s32 $0x40, s25;
	[sflag:s9] =	ssyncadd.s32 $0xFFFFF800  }
0x1eb: {  	[bflag:$0x0] =	sbarrier.arrive $0xFFFF  }
0x1ec: {  	s14 =	rddreg [dreg:$0x9]  }
0x1ed: {  	s20 =	simm.s32 $0x1;
	s12 =	simm.s32 $0x0;
	s30 =	rddreg [dreg:$0xa]  }
.LBB2_14:
0x1ee: {  	s2 =	simm.s32 $0x0  }
0x1ef: {  	[tilespmem:s0], [sflag:$0x1] =	stream.indirect.gather [spmem:s4], $0x20, s2, s5, $0xb8;
	[tilespmem:$0x1EAA0] =	vst v63  }
0x1f0: {  	_ = 	snop  }
0x1f1: {  	[tilespmem:s6], [sflag:$0x2] =	stream.indirect.gather [spmem:s4], $0x20, s5, s5, $0xb8;
	[tilespmem:$0x1EAA0] =	vst v63  }
0x1f2: {  	_ =	swait.ge [sflag:s13], $0x1000  }
0x1f3: {  	[sflag:s13] =	ssyncset.done $0x0  }
0x1f4: {  	s8 =	simm.s32 $0x5000;
	[sflag:s13] =	ssyncadd.s32 $0xFFFFF000  }
0x1f5: {  	[spmem:s3] =	stream.indirect.scatter.add.f32 [tilespmem:s0], [sflag:$0x5], $0x20, s8, s5, $0xb8;
	[tilespmem:$0x1EAA0] =	vst v63  }
0x1f6: {  	s11 =	simm.s32 $0x100  }
0x1f7: {  	[tilespmem:s15], [sflag:$0x3] =	stream.indirect.gather [spmem:s4], $0x20, s11, s5, $0xb8;
	[tilespmem:$0x1EAA0] =	vst v63  }
0x1f8: {  	_ =	swait.ge [sflag:s17], $0x1000  }
0x1f9: {  	[sflag:s17] =	ssyncset.done $0x0  }
0x1fa: {  	s23 =	simm.s32 $0x5080;
	[sflag:s17] =	ssyncadd.s32 $0xFFFFF000  }
0x1fb: {  	[spmem:s3] =	stream.indirect.scatter.add.f32 [tilespmem:s6], [sflag:$0x6], $0x20, s23, s5, $0xb8;
	[tilespmem:$0x1EAA0] =	vst v63  }
0x1fc: {  	s25 =	simm.s32 $0x180  }
0x1fd: {  	[tilespmem:s19], [sflag:$0x4] =	stream.indirect.gather [spmem:s4], $0x20, s25, s5, $0xb8;
	[tilespmem:$0x1EAA0] =	vst v63  }
0x1fe: {  	_ =	swait.ge [sflag:s21], $0x1000  }
0x1ff: {  	[sflag:s21] =	ssyncset.done $0x0  }
0x200: {  	s28 =	simm.s32 $0x5100;
	[sflag:s21] =	ssyncadd.s32 $0xFFFFF000  }
0x201: {  	[spmem:s3] =	stream.indirect.scatter.add.f32 [tilespmem:s15], [sflag:$0x7], $0x20, s28, s5, $0xb8;
	[tilespmem:$0x1EAA0] =	vst v63  }
0x202: {  	_ =	swait.ge [sflag:s22], $0x1000  }
0x203: {  	[sflag:s22] =	ssyncset.done $0x0  }
0x204: {  	s8 =	simm.s32 $0x200;
	[sflag:s22] =	ssyncadd.s32 $0xFFFFF000  }
0x205: {  	[tilespmem:s0], [sflag:$0x1] =	stream.indirect.gather [spmem:s4], $0x20, s8, s5, $0xb8;
	[tilespmem:$0x1EAA0] =	vst v63  }
0x206: {  	_ =	swait.ge [sflag:s24], $0x1000  }
0x207: {  	[sflag:s24] =	ssyncset.done $0x0  }
0x208: {  	s11 =	simm.s32 $0x5180;
	[sflag:s24] =	ssyncadd.s32 $0xFFFFF000  }
0x209: {  	[spmem:s3] =	stream.indirect.scatter.add.f32 [tilespmem:s19], [sflag:$0x8], $0x20, s11, s5, $0xb8;
	[tilespmem:$0x1EAA0] =	vst v63  }
0x20a: {  	_ =	swait.ge [sflag:s26], $0x1000  }
0x20b: {  	[sflag:s26] =	ssyncset.done $0x0  }
0x20c: {  	s23 =	simm.s32 $0x280;
	[sflag:s26] =	ssyncadd.s32 $0xFFFFF000  }
0x20d: {  	[tilespmem:s6], [sflag:$0x2] =	stream.indirect.gather [spmem:s4], $0x20, s23, s5, $0xb8;
	[tilespmem:$0x1EAA0] =	vst v63  }
0x20e: {  	_ =	swait.ge [sflag:s13], $0x1000  }
0x20f: {  	[sflag:s13] =	ssyncset.done $0x0  }
0x210: {  	s25 =	simm.s32 $0x5200;
	[sflag:s13] =	ssyncadd.s32 $0xFFFFF000  }
0x211: {  	[spmem:s3] =	stream.indirect.scatter.add.f32 [tilespmem:s0], [sflag:$0x5], $0x20, s25, s5, $0xb8;
	[tilespmem:$0x1EAA0] =	vst v63  }
0x212: {  	_ =	swait.ge [sflag:s29], $0x1000  }
0x213: {  	[sflag:s29] =	ssyncset.done $0x0  }
0x214: {  	s28 =	simm.s32 $0x300;
	[sflag:s29] =	ssyncadd.s32 $0xFFFFF000  }
0x215: {  	[tilespmem:s15], [sflag:$0x3] =	stream.indirect.gather [spmem:s4], $0x20, s28, s5, $0xb8;
	[tilespmem:$0x1EAA0] =	vst v63  }
0x216: {  	_ =	swait.ge [sflag:s17], $0x1000  }
0x217: {  	[sflag:s17] =	ssyncset.done $0x0  }
0x218: {  	s8 =	simm.s32 $0x5280;
	[sflag:s17] =	ssyncadd.s32 $0xFFFFF000  }
0x219: {  	[spmem:s3] =	stream.indirect.scatter.add.f32 [tilespmem:s6], [sflag:$0x6], $0x20, s8, s5, $0xb8;
	[tilespmem:$0x1EAA0] =	vst v63  }
0x21a: {  	_ =	swait.ge [sflag:s31], $0x1000  }
0x21b: {  	[sflag:s31] =	ssyncset.done $0x0  }
0x21c: {  	s11 =	simm.s32 $0x380;
	[sflag:s31] =	ssyncadd.s32 $0xFFFFF000  }
0x21d: {  	[tilespmem:s19], [sflag:$0x4] =	stream.indirect.gather [spmem:s4], $0x20, s11, s5, $0xb8;
	[tilespmem:$0x1EAA0] =	vst v63  }
0x21e: {  	_ =	swait.ge [sflag:s21], $0x1000  }
0x21f: {  	[sflag:s21] =	ssyncset.done $0x0  }
0x220: {  	s23 =	simm.s32 $0x5300;
	[sflag:s21] =	ssyncadd.s32 $0xFFFFF000  }
0x221: {  	[spmem:s3] =	stream.indirect.scatter.add.f32 [tilespmem:s15], [sflag:$0x7], $0x20, s23, s5, $0xb8;
	[tilespmem:$0x1EAA0] =	vst v63  }
0x222: {  	_ =	swait.ge [sflag:s22], $0x1000  }
0x223: {  	[sflag:s22] =	ssyncset.done $0x0  }
0x224: {  	s25 =	simm.s32 $0x400;
	[sflag:s22] =	ssyncadd.s32 $0xFFFFF000  }
0x225: {  	[tilespmem:s0], [sflag:$0x1] =	stream.indirect.gather [spmem:s4], $0x20, s25, s5, $0xb8;
	[tilespmem:$0x1EAA0] =	vst v63  }
0x226: {  	_ =	swait.ge [sflag:s24], $0x1000  }
0x227: {  	[sflag:s24] =	ssyncset.done $0x0  }
0x228: {  	s28 =	simm.s32 $0x5380;
	[sflag:s24] =	ssyncadd.s32 $0xFFFFF000  }
0x229: {  	[spmem:s3] =	stream.indirect.scatter.add.f32 [tilespmem:s19], [sflag:$0x8], $0x20, s28, s5, $0xb8;
	[tilespmem:$0x1EAA0] =	vst v63  }
0x22a: {  	_ =	swait.ge [sflag:s26], $0x1000  }
0x22b: {  	[sflag:s26] =	ssyncset.done $0x0  }
0x22c: {  	s2 =	simm.s32 $0x480;
	s23 =	simm.s32 $0x800;
	[sflag:s26] =	ssyncadd.s32 $0xFFFFF000  }
.LBB2_15:
0x22d: {  	[tilespmem:s6], [sflag:$0x2] =	stream.indirect.gather [spmem:s4], $0x20, s2, s5, $0xb8;
	[tilespmem:$0x1EAA0] =	vst v63  }
0x22e: {  	s2 =	smov.u32 s23  }
0x22f: {  	p0 =	sne.s32 s23, $0x12800;
	s23 =	sadd.s32 $0x800, s23;
	_ =	swait.ge [sflag:s13], $0x1000  }
0x230: {  	s25 =	sshra.s32 s2, $0x2;
	[sflag:s13] =	ssyncset.done $0x0  }
0x231: {  	s2 =	sadd.s32 $0x5200, s25;
	[sflag:s13] =	ssyncadd.s32 $0xFFFFF000  }
0x232: {  	[spmem:s3] =	stream.indirect.scatter.add.f32 [tilespmem:s0], [sflag:$0x5], $0x20, s2, s5, $0xb8;
	[tilespmem:$0x1EAA0] =	vst v63  }
0x233: {  	_ =	swait.ge [sflag:s29], $0x1000  }
0x234: {  	[sflag:s29] =	ssyncset.done $0x0  }
0x235: {  	s2 =	sadd.s32 $0x300, s25;
	[sflag:s29] =	ssyncadd.s32 $0xFFFFF000  }
0x236: {  	[tilespmem:s15], [sflag:$0x3] =	stream.indirect.gather [spmem:s4], $0x20, s2, s5, $0xb8;
	[tilespmem:$0x1EAA0] =	vst v63  }
0x237: {  	_ =	swait.ge [sflag:s17], $0x1000  }
0x238: {  	[sflag:s17] =	ssyncset.done $0x0  }
0x239: {  	s2 =	sadd.s32 $0x5280, s25;
	[sflag:s17] =	ssyncadd.s32 $0xFFFFF000  }
0x23a: {  	[spmem:s3] =	stream.indirect.scatter.add.f32 [tilespmem:s6], [sflag:$0x6], $0x20, s2, s5, $0xb8;
	[tilespmem:$0x1EAA0] =	vst v63  }
0x23b: {  	_ =	swait.ge [sflag:s31], $0x1000  }
0x23c: {  	[sflag:s31] =	ssyncset.done $0x0  }
0x23d: {  	s2 =	sadd.s32 $0x380, s25;
	[sflag:s31] =	ssyncadd.s32 $0xFFFFF000  }
0x23e: {  	[tilespmem:s19], [sflag:$0x4] =	stream.indirect.gather [spmem:s4], $0x20, s2, s5, $0xb8;
	[tilespmem:$0x1EAA0] =	vst v63  }
0x23f: {  	_ =	swait.ge [sflag:s21], $0x1000  }
0x240: {  	[sflag:s21] =	ssyncset.done $0x0  }
0x241: {  	s2 =	sadd.s32 $0x5300, s25;
	[sflag:s21] =	ssyncadd.s32 $0xFFFFF000  }
0x242: {  	[spmem:s3] =	stream.indirect.scatter.add.f32 [tilespmem:s15], [sflag:$0x7], $0x20, s2, s5, $0xb8;
	[tilespmem:$0x1EAA0] =	vst v63  }
0x243: {  	_ =	swait.ge [sflag:s22], $0x1000  }
0x244: {  	[sflag:s22] =	ssyncset.done $0x0  }
0x245: {  	s2 =	sadd.s32 $0x400, s25;
	[sflag:s22] =	ssyncadd.s32 $0xFFFFF000  }
0x246: {  	[tilespmem:s0], [sflag:$0x1] =	stream.indirect.gather [spmem:s4], $0x20, s2, s5, $0xb8;
	[tilespmem:$0x1EAA0] =	vst v63  }
0x247: {  	_ =	swait.ge [sflag:s24], $0x1000  }
0x248: {  	[sflag:s24] =	ssyncset.done $0x0  }
.Ltmp6:
0x249: {  	s2 =	sadd.s32 $0x5380, s25;
	[sflag:s24] =	ssyncadd.s32 $0xFFFFF000;
	(pc) =	sbr.rel @p0 .LBB2_15-.Ltmp6, $4  }
0x24a: {  	[spmem:s3] =	stream.indirect.scatter.add.f32 [tilespmem:s19], [sflag:$0x8], $0x20, s2, s5, $0xb8;
	[tilespmem:$0x1EAA0] =	vst v63  }
0x24b: {  	_ =	swait.ge [sflag:s26], $0x1000  }
0x24c: {  	[sflag:s26] =	ssyncset.done $0x0  }
0x24d: {  	s2 =	sadd.s32 $0x480, s25;
	[sflag:s26] =	ssyncadd.s32 $0xFFFFF000  }
0x24e: {  	[tilespmem:s6], [sflag:$0x2] =	stream.indirect.gather [spmem:s4], $0x20, s2, s5, $0xb8;
	[tilespmem:$0x1EAA0] =	vst v63  }
0x24f: {  	_ =	swait.ge [sflag:s13], $0x1000  }
0x250: {  	[sflag:s13] =	ssyncset.done $0x0  }
0x251: {  	s25 =	simm.s32 $0x9E00;
	[sflag:s13] =	ssyncadd.s32 $0xFFFFF000  }
0x252: {  	[spmem:s3] =	stream.indirect.scatter.add.f32 [tilespmem:s0], [sflag:$0x5], $0x20, s25, s5, $0xb8;
	[tilespmem:$0x1EAA0] =	vst v63  }
0x253: {  	_ =	swait.ge [sflag:s29], $0x1000  }
0x254: {  	[sflag:s29] =	ssyncset.done $0x0  }
0x255: {  	s8 =	simm.s32 $0x4F00;
	[sflag:s29] =	ssyncadd.s32 $0xFFFFF000  }
0x256: {  	[tilespmem:s15], [sflag:$0x3] =	stream.indirect.gather [spmem:s4], $0x20, s8, s5, $0xb8;
	[tilespmem:$0x1EAA0] =	vst v63  }
0x257: {  	_ =	swait.ge [sflag:s17], $0x1000  }
0x258: {  	[sflag:s17] =	ssyncset.done $0x0  }
0x259: {  	s11 =	simm.s32 $0x9E80;
	[sflag:s17] =	ssyncadd.s32 $0xFFFFF000  }
0x25a: {  	[spmem:s3] =	stream.indirect.scatter.add.f32 [tilespmem:s6], [sflag:$0x6], $0x20, s11, s5, $0xb8;
	[tilespmem:$0x1EAA0] =	vst v63  }
0x25b: {  	_ =	swait.ge [sflag:s31], $0x1000  }
0x25c: {  	[sflag:s31] =	ssyncset.done $0x0  }
0x25d: {  	s23 =	simm.s32 $0x4F80;
	[sflag:s31] =	ssyncadd.s32 $0xFFFFF000  }
0x25e: {  	[tilespmem:s19], [sflag:$0x4] =	stream.indirect.gather [spmem:s4], $0x20, s23, s5, $0xb8;
	[tilespmem:$0x1EAA0] =	vst v63  }
0x25f: {  	_ =	swait.ge [sflag:s21], $0x1000  }
0x260: {  	[sflag:s21] =	ssyncset.done $0x0  }
0x261: {  	s25 =	simm.s32 $0x9F00;
	[sflag:s21] =	ssyncadd.s32 $0xFFFFF000  }
0x262: {  	[spmem:s3] =	stream.indirect.scatter.add.f32 [tilespmem:s15], [sflag:$0x7], $0x20, s25, s5, $0xb8;
	[tilespmem:$0x1EAA0] =	vst v63  }
0x263: {  	_ =	swait.ge [sflag:s22], $0x1000  }
0x264: {  	[sflag:s22] =	ssyncset.done $0x0  }
0x265: {  	[sflag:s22] =	ssyncadd.s32 $0xFFFFF000  }
0x266: {  	_ =	swait.ge [sflag:s24], $0x1000  }
0x267: {  	[sflag:s24] =	ssyncset.done $0x0  }
0x268: {  	s8 =	simm.s32 $0x9F80;
	[sflag:s24] =	ssyncadd.s32 $0xFFFFF000  }
0x269: {  	[spmem:s3] =	stream.indirect.scatter.add.f32 [tilespmem:s19], [sflag:$0x8], $0x20, s8, s5, $0xb8;
	[tilespmem:$0x1EAA0] =	vst v63  }
0x26a: {  	_ =	swait.ge [sflag:s26], $0x1000  }
0x26b: {  	[sflag:s26] =	ssyncset.done $0x0  }
0x26c: {  	[sflag:s26] =	ssyncadd.s32 $0xFFFFF000  }
0x26d: {  	_ =	swait.ge [sflag:s29], $0x1000  }
0x26e: {  	[sflag:s29] =	ssyncset.done $0x0  }
0x26f: {  	[sflag:s29] =	ssyncadd.s32 $0xFFFFF000  }
0x270: {  	v6 =	vmov s20;
	_ =	swait.ge [sflag:s31], $0x1000  }
0x271: {  	[sflag:s31] =	ssyncset.done $0x0  }
0x272: {  	[sflag:s31] =	ssyncadd.s32 $0xFFFFF000  }
0x273: {  	s11 =	simm.s32 $0x14A80;
	[bflag:$0x0] =	sbarrier.arrive $0xFFFF  }
0x274: {  	s25 =	simm.s32 $0x0;
	s8 =	simm.s32 $0x9;
	s23 =	rddreg [dreg:$0x17]  }
0x275: {  	v6 =	vld.idx.msk [tilespmem:v6+s11+$0x0], $0xffff;
	[tilespmem:s1], [sflag:$0x9] =	stream.linear.gather [spmem:s23], $0x800, $0x38  }
0x276: {  	v7 =	vmov s25;
	_ =	swait.ge [sflag:s8], $0x800  }
0x277: {  	[sflag:s8] =	ssyncset.done $0x0  }
0x278: {  	s25 =	simm.s32 $0xE810;
	[sflag:s8] =	ssyncadd.s32 $0xFFFFF800;
	s8 =	simm.s32 $0xF000  }
0x279: {  	[tilespmem:s8], [sflag:$0xA] =	stream.linear.gather [spmem:s14], $0x800, $0x38;
	[tilespmem:$0x1EAA0] =	vst v63  }
0x27a: {  	v8 =	vld [tilespmem:s25+$0xFFFFFFF0]  }
0x27b: {  	v7 =	vld.idx.msk [tilespmem:v7+s7+$0x0], $0xffff;
	_ =	sdelay $0x1  }
0x27c: {  	v9 =	vld [tilespmem:s25+$0x0];
	_ =	sdelay $0x2  }
0x27d: {  	s23 =	simm.s32 $0xF810;
	v8 =	vmul.f32 v8, v7  }
0x27e: {  	v10 =	vld [tilespmem:s23+$0xFFFFFFF0]  }
0x27f: {  	v9 =	vmul.f32 v9, v7;
	v8 =	vsub.f32 $0.0e+00, v8  }
0x280: {  	v11 =	vld [tilespmem:s23+$0x0]  }
0x281: {  	v9 =	vsub.f32 $0.0e+00, v9;
	v12 =	vmul.f32 v8, v6;
	_ =	sdelay $0x1  }
0x282: {  	v13 =	vmul.f32 v9, v6;
	v12 =	vadd.f32 v12, v10  }
0x283: {  	s11 =	simm.s32 $0x1;
	v8 =	vmul.f32 v8, v7  }
0x284: {  	s2 =	simm.s32 $0x2;
	s28 =	simm.s32 $0xE810;
	v7 =	vmul.f32 v9, v7;
	v9 =	vmov s11;
	v10 =	vadd.f32 v13, v11;
	[tilespmem:s23+$0xFFFFFFF0] =	vst v12  }
.LBB2_17:
0x285: {  	s25 =	sadd.s32 $0x20, s25  }
0x286: {  	[tilespmem:s23+$0x0] =	vst v10;
	s23 =	sadd.s32 $0x20, s23;
	s8 =	smov.u32 s2;
	s11 =	sadd.s32 $0x1, s2  }
0x287: {  	p0 =	sne.s32 s2, $0x3F;
	[tilespmem:s28+$0xFFFFFFF0] =	vst v8  }
0x288: {  	v8 =	vld [tilespmem:s25+$0xFFFFFFF0];
	[tilespmem:s28+$0x0] =	vst v7;
	s28 =	smov.u32 s25  }
0x289: {  	v7 =	vld.idx.msk [tilespmem:v9+s7+$0x0], $0xffff  }
0x28a: {  	v9 =	vld [tilespmem:s25+$0x0];
	_ =	sdelay $0x4  }
0x28b: {  	v8 =	vmul.f32 v8, v7;
	v9 =	vmul.f32 v9, v7;
	v10 =	vld [tilespmem:s23+$0x0]  }
0x28c: {  	v11 =	vld [tilespmem:s23+$0xFFFFFFF0]  }
0x28d: {  	v8 =	vsub.f32 $0.0e+00, v8;
	v9 =	vsub.f32 $0.0e+00, v9;
	_ =	sdelay $0x1  }
.Ltmp7:
0x28e: {  	v12 =	vmul.f32 v8, v6;
	v13 =	vmul.f32 v9, v6;
	(pc) =	sbr.rel @p0 .LBB2_17-.Ltmp7, $4  }
0x28f: {  	v8 =	vmul.f32 v8, v7;
	v7 =	vmul.f32 v9, v7  }
0x290: {  	v11 =	vadd.f32 v12, v11;
	v10 =	vadd.f32 v13, v10  }
0x291: {  	v9 =	vmov s8  }
0x292: {  	s2 =	smov.u32 s11;
	[tilespmem:s23+$0xFFFFFFF0] =	vst v11  }
0x293: {  	_ = 	snop  }
0x294: {  	[tilespmem:s23+$0x0] =	vst v10  }
0x295: {  	s2 =	sadd.s32 $0x20, s25;
	[tilespmem:s28+$0xFFFFFFF0] =	vst v8  }
0x296: {  	v8 =	vld [tilespmem:s2+$0xFFFFFFF0];
	[tilespmem:s28+$0x0] =	vst v7  }
0x297: {  	v7 =	vld.idx.msk [tilespmem:v9+s7+$0x0], $0xffff  }
0x298: {  	v9 =	vld [tilespmem:s2+$0x0];
	_ =	sdelay $0x3  }
0x299: {  	s8 =	sadd.s32 $0x20, s23;
	v8 =	vmul.f32 v8, v7  }
0x29a: {  	v10 =	vld [tilespmem:s8+$0xFFFFFFF0];
	v9 =	vmul.f32 v9, v7  }
0x29b: {  	v11 =	vld [tilespmem:s8+$0x0];
	v8 =	vsub.f32 $0.0e+00, v8  }
0x29c: {  	v9 =	vsub.f32 $0.0e+00, v9  }
0x29d: {  	v12 =	vmul.f32 v8, v6  }
0x29e: {  	v13 =	vmul.f32 v9, v6  }
0x29f: {  	v10 =	vadd.f32 v12, v10  }
0x2a0: {  	v11 =	vadd.f32 v13, v11  }
0x2a1: {  	v8 =	vmul.f32 v8, v7;
	[tilespmem:s8+$0xFFFFFFF0] =	vst v10  }
0x2a2: {  	v7 =	vmul.f32 v9, v7;
	[tilespmem:s8+$0x0] =	vst v11  }
0x2a3: {  	[tilespmem:s2+$0xFFFFFFF0] =	vst v8  }
0x2a4: {  	s25 =	rddreg [dreg:$0x18];
	s11 =	simm.s32 $0xE000;
	[tilespmem:s2+$0x0] =	vst v7  }
0x2a5: {  	[spmem:s25] =	stream.linear.scatter [tilespmem:s1], [sflag:$0xB], $0x800, $0x38;
	[tilespmem:$0x1EAA0] =	vst v63  }
0x2a6: {  	s23 =	simm.s32 $0xA;
	s8 =	rddreg [dreg:$0x17];
	s25 =	simm.s32 $0x40  }
0x2a7: {  	[spmem:s8] =	stream.linear.scatter [tilespmem:s11], [sflag:$0xD], $0x800, $0x38;
	[tilespmem:$0x1EAA0] =	vst v63  }
0x2a8: {  	v7 =	vmov s25;
	_ =	swait.ge [sflag:s23], $0x800  }
0x2a9: {  	[sflag:s23] =	ssyncset.done $0x0  }
0x2aa: {  	s25 =	simm.s32 $0xF010;
	[sflag:s23] =	ssyncadd.s32 $0xFFFFF800  }
0x2ab: {  	[tilespmem:s1], [sflag:$0x9] =	stream.linear.gather [spmem:s30], $0x800, $0x38;
	[tilespmem:$0x1EAA0] =	vst v63  }
0x2ac: {  	v8 =	vld [tilespmem:s25+$0xFFFFFFF0]  }
0x2ad: {  	v7 =	vld.idx.msk [tilespmem:v7+s7+$0x0], $0xffff;
	_ =	sdelay $0x1  }
0x2ae: {  	v9 =	vld [tilespmem:s25+$0x0];
	_ =	sdelay $0x2  }
0x2af: {  	s23 =	simm.s32 $0x10010;
	v8 =	vmul.f32 v8, v7  }
0x2b0: {  	v10 =	vld [tilespmem:s23+$0xFFFFFFF0]  }
0x2b1: {  	v9 =	vmul.f32 v9, v7;
	v8 =	vsub.f32 $0.0e+00, v8  }
0x2b2: {  	v11 =	vld [tilespmem:s23+$0x0]  }
0x2b3: {  	v9 =	vsub.f32 $0.0e+00, v9;
	v62 =	vmul.f32 v8, v6;
	_ =	sdelay $0x1  }
0x2b4: {  	v63 =	vmul.f32 v9, v6;
	v12 =	vadd.f32 v62, v10  }
0x2b5: {  	s11 =	simm.s32 $0x41;
	v8 =	vmul.f32 v8, v7  }
0x2b6: {  	s28 =	simm.s32 $0xF010;
	s2 =	simm.s32 $0x42;
	v7 =	vmul.f32 v9, v7;
	v9 =	vmov s11;
	v10 =	vadd.f32 v63, v11;
	[tilespmem:s23+$0xFFFFFFF0] =	vst v12  }
.LBB2_19:
0x2b7: {  	s25 =	sadd.s32 $0x20, s25  }
0x2b8: {  	[tilespmem:s23+$0x0] =	vst v10;
	s23 =	sadd.s32 $0x20, s23;
	s8 =	smov.u32 s2;
	s11 =	sadd.s32 $0x1, s2  }
0x2b9: {  	p0 =	sne.s32 s2, $0x7F;
	[tilespmem:s28+$0xFFFFFFF0] =	vst v8  }
0x2ba: {  	v8 =	vld [tilespmem:s25+$0xFFFFFFF0];
	[tilespmem:s28+$0x0] =	vst v7;
	s28 =	smov.u32 s25  }
0x2bb: {  	v7 =	vld.idx.msk [tilespmem:v9+s7+$0x0], $0xffff  }
0x2bc: {  	v9 =	vld [tilespmem:s25+$0x0];
	_ =	sdelay $0x4  }
0x2bd: {  	v8 =	vmul.f32 v8, v7;
	v9 =	vmul.f32 v9, v7;
	v10 =	vld [tilespmem:s23+$0x0]  }
0x2be: {  	v11 =	vld [tilespmem:s23+$0xFFFFFFF0]  }
0x2bf: {  	v8 =	vsub.f32 $0.0e+00, v8;
	v9 =	vsub.f32 $0.0e+00, v9;
	_ =	sdelay $0x1  }
.Ltmp8:
0x2c0: {  	v12 =	vmul.f32 v8, v6;
	v13 =	vmul.f32 v9, v6;
	(pc) =	sbr.rel @p0 .LBB2_19-.Ltmp8, $4  }
0x2c1: {  	v8 =	vmul.f32 v8, v7;
	v7 =	vmul.f32 v9, v7  }
0x2c2: {  	v11 =	vadd.f32 v12, v11;
	v10 =	vadd.f32 v13, v10  }
0x2c3: {  	v9 =	vmov s8  }
0x2c4: {  	s2 =	smov.u32 s11;
	[tilespmem:s23+$0xFFFFFFF0] =	vst v11  }
0x2c5: {  	_ = 	snop  }
0x2c6: {  	[tilespmem:s23+$0x0] =	vst v10  }
0x2c7: {  	s2 =	sadd.s32 $0x20, s25;
	[tilespmem:s28+$0xFFFFFFF0] =	vst v8  }
0x2c8: {  	v8 =	vld [tilespmem:s2+$0xFFFFFFF0];
	[tilespmem:s28+$0x0] =	vst v7  }
0x2c9: {  	v7 =	vld.idx.msk [tilespmem:v9+s7+$0x0], $0xffff  }
0x2ca: {  	v9 =	vld [tilespmem:s2+$0x0];
	_ =	sdelay $0x3  }
0x2cb: {  	s8 =	sadd.s32 $0x20, s23;
	v8 =	vmul.f32 v8, v7  }
0x2cc: {  	v10 =	vld [tilespmem:s8+$0xFFFFFFF0];
	v9 =	vmul.f32 v9, v7  }
0x2cd: {  	v11 =	vld [tilespmem:s8+$0x0];
	v8 =	vsub.f32 $0.0e+00, v8  }
0x2ce: {  	v9 =	vsub.f32 $0.0e+00, v9  }
0x2cf: {  	v12 =	vmul.f32 v8, v6  }
0x2d0: {  	v13 =	vmul.f32 v9, v6  }
0x2d1: {  	v10 =	vadd.f32 v12, v10  }
0x2d2: {  	v11 =	vadd.f32 v13, v11  }
0x2d3: {  	v8 =	vmul.f32 v8, v7;
	[tilespmem:s8+$0xFFFFFFF0] =	vst v10  }
0x2d4: {  	v7 =	vmul.f32 v9, v7;
	[tilespmem:s8+$0x0] =	vst v11  }
0x2d5: {  	[tilespmem:s2+$0xFFFFFFF0] =	vst v8  }
0x2d6: {  	s23 =	rddreg [dreg:$0xb];
	s11 =	simm.s32 $0xF000;
	[tilespmem:s2+$0x0] =	vst v7  }
0x2d7: {  	[spmem:s23] =	stream.linear.scatter [tilespmem:s11], [sflag:$0xC], $0x800, $0x38;
	[tilespmem:$0x1EAA0] =	vst v63  }
0x2d8: {  	s25 =	simm.s32 $0xE000;
	s8 =	simm.s32 $0xB  }
0x2d9: {  	[spmem:s14] =	stream.linear.scatter [tilespmem:s25], [sflag:$0xD], $0x800, $0x38;
	[tilespmem:$0x1EAA0] =	vst v63  }
0x2da: {  	_ =	swait.ge [sflag:s8], $0x800  }
0x2db: {  	[sflag:s8] =	ssyncset.done $0x0  }
0x2dc: {  	s23 =	simm.s32 $0x9;
	s25 =	simm.s32 $0x80;
	[sflag:s8] =	ssyncadd.s32 $0xFFFFF800  }
0x2dd: {  	v7 =	vmov s25;
	_ =	swait.ge [sflag:s23], $0x800  }
0x2de: {  	[sflag:s23] =	ssyncset.done $0x0  }
0x2df: {  	s25 =	simm.s32 $0xE810;
	s8 =	rddreg [dreg:$0xc];
	[sflag:s23] =	ssyncadd.s32 $0xFFFFF800  }
0x2e0: {  	[tilespmem:s11], [sflag:$0xA] =	stream.linear.gather [spmem:s8], $0x800, $0x38;
	[tilespmem:$0x1EAA0] =	vst v63  }
0x2e1: {  	v8 =	vld [tilespmem:s25+$0xFFFFFFF0]  }
0x2e2: {  	v7 =	vld.idx.msk [tilespmem:v7+s7+$0x0], $0xffff;
	_ =	sdelay $0x1  }
0x2e3: {  	v9 =	vld [tilespmem:s25+$0x0];
	_ =	sdelay $0x2  }
0x2e4: {  	s23 =	simm.s32 $0x10810;
	v8 =	vmul.f32 v8, v7  }
0x2e5: {  	v10 =	vld [tilespmem:s23+$0xFFFFFFF0]  }
0x2e6: {  	v9 =	vmul.f32 v9, v7;
	v8 =	vsub.f32 $0.0e+00, v8  }
0x2e7: {  	v11 =	vld [tilespmem:s23+$0x0]  }
0x2e8: {  	v9 =	vsub.f32 $0.0e+00, v9;
	v62 =	vmul.f32 v8, v6;
	_ =	sdelay $0x1  }
0x2e9: {  	v63 =	vmul.f32 v9, v6;
	v12 =	vadd.f32 v62, v10  }
0x2ea: {  	s11 =	simm.s32 $0x81;
	v8 =	vmul.f32 v8, v7  }
0x2eb: {  	s28 =	simm.s32 $0xE810;
	s2 =	simm.s32 $0x82;
	v7 =	vmul.f32 v9, v7;
	v9 =	vmov s11;
	v10 =	vadd.f32 v63, v11;
	[tilespmem:s23+$0xFFFFFFF0] =	vst v12  }
.LBB2_21:
0x2ec: {  	s25 =	sadd.s32 $0x20, s25  }
0x2ed: {  	[tilespmem:s23+$0x0] =	vst v10;
	s23 =	sadd.s32 $0x20, s23;
	s8 =	smov.u32 s2;
	s11 =	sadd.s32 $0x1, s2  }
0x2ee: {  	p0 =	sne.s32 s2, $0xBF;
	[tilespmem:s28+$0xFFFFFFF0] =	vst v8  }
0x2ef: {  	v8 =	vld [tilespmem:s25+$0xFFFFFFF0];
	[tilespmem:s28+$0x0] =	vst v7;
	s28 =	smov.u32 s25  }
0x2f0: {  	v7 =	vld.idx.msk [tilespmem:v9+s7+$0x0], $0xffff  }
0x2f1: {  	v9 =	vld [tilespmem:s25+$0x0];
	_ =	sdelay $0x4  }
0x2f2: {  	v8 =	vmul.f32 v8, v7;
	v9 =	vmul.f32 v9, v7;
	v10 =	vld [tilespmem:s23+$0x0]  }
0x2f3: {  	v11 =	vld [tilespmem:s23+$0xFFFFFFF0]  }
0x2f4: {  	v8 =	vsub.f32 $0.0e+00, v8;
	v9 =	vsub.f32 $0.0e+00, v9;
	_ =	sdelay $0x1  }
.Ltmp9:
0x2f5: {  	v12 =	vmul.f32 v8, v6;
	v13 =	vmul.f32 v9, v6;
	(pc) =	sbr.rel @p0 .LBB2_21-.Ltmp9, $4  }
0x2f6: {  	v8 =	vmul.f32 v8, v7;
	v7 =	vmul.f32 v9, v7  }
0x2f7: {  	v11 =	vadd.f32 v12, v11;
	v10 =	vadd.f32 v13, v10  }
0x2f8: {  	v9 =	vmov s8  }
0x2f9: {  	s2 =	smov.u32 s11;
	[tilespmem:s23+$0xFFFFFFF0] =	vst v11  }
0x2fa: {  	_ = 	snop  }
0x2fb: {  	[tilespmem:s23+$0x0] =	vst v10  }
0x2fc: {  	s2 =	sadd.s32 $0x20, s25;
	[tilespmem:s28+$0xFFFFFFF0] =	vst v8  }
0x2fd: {  	v8 =	vld [tilespmem:s2+$0xFFFFFFF0];
	[tilespmem:s28+$0x0] =	vst v7  }
0x2fe: {  	v7 =	vld.idx.msk [tilespmem:v9+s7+$0x0], $0xffff  }
0x2ff: {  	v9 =	vld [tilespmem:s2+$0x0];
	_ =	sdelay $0x3  }
0x300: {  	s8 =	sadd.s32 $0x20, s23;
	v8 =	vmul.f32 v8, v7  }
0x301: {  	v10 =	vld [tilespmem:s8+$0xFFFFFFF0];
	v9 =	vmul.f32 v9, v7  }
0x302: {  	v11 =	vld [tilespmem:s8+$0x0];
	v8 =	vsub.f32 $0.0e+00, v8  }
0x303: {  	v9 =	vsub.f32 $0.0e+00, v9  }
0x304: {  	v12 =	vmul.f32 v8, v6  }
0x305: {  	v13 =	vmul.f32 v9, v6  }
0x306: {  	v10 =	vadd.f32 v12, v10  }
0x307: {  	v11 =	vadd.f32 v13, v11  }
0x308: {  	v8 =	vmul.f32 v8, v7;
	[tilespmem:s8+$0xFFFFFFF0] =	vst v10  }
0x309: {  	v7 =	vmul.f32 v9, v7;
	[tilespmem:s8+$0x0] =	vst v11  }
0x30a: {  	[tilespmem:s2+$0xFFFFFFF0] =	vst v8  }
0x30b: {  	s8 =	rddreg [dreg:$0xd];
	[tilespmem:s2+$0x0] =	vst v7  }
0x30c: {  	[spmem:s8] =	stream.linear.scatter [tilespmem:s1], [sflag:$0xB], $0x800, $0x38;
	[tilespmem:$0x1EAA0] =	vst v63  }
0x30d: {  	s11 =	simm.s32 $0xE000  }
0x30e: {  	[spmem:s30] =	stream.linear.scatter [tilespmem:s11], [sflag:$0xD], $0x800, $0x38;
	[tilespmem:$0x1EAA0] =	vst v63  }
0x30f: {  	_ =	swait.ge [sflag:s16], $0x800  }
0x310: {  	[sflag:s16] =	ssyncset.done $0x0  }
0x311: {  	s23 =	simm.s32 $0xA;
	s25 =	simm.s32 $0xC0;
	[sflag:s16] =	ssyncadd.s32 $0xFFFFF800  }
0x312: {  	v7 =	vmov s25;
	_ =	swait.ge [sflag:s23], $0x800  }
0x313: {  	[sflag:s23] =	ssyncset.done $0x0  }
0x314: {  	s25 =	simm.s32 $0xF010;
	s8 =	rddreg [dreg:$0xe];
	[sflag:s23] =	ssyncadd.s32 $0xFFFFF800  }
0x315: {  	[tilespmem:s1], [sflag:$0x9] =	stream.linear.gather [spmem:s8], $0x800, $0x38;
	[tilespmem:$0x1EAA0] =	vst v63  }
0x316: {  	v8 =	vld [tilespmem:s25+$0xFFFFFFF0]  }
0x317: {  	v7 =	vld.idx.msk [tilespmem:v7+s7+$0x0], $0xffff;
	_ =	sdelay $0x1  }
0x318: {  	v9 =	vld [tilespmem:s25+$0x0];
	_ =	sdelay $0x2  }
0x319: {  	s23 =	simm.s32 $0x11010;
	v8 =	vmul.f32 v8, v7  }
0x31a: {  	v10 =	vld [tilespmem:s23+$0xFFFFFFF0]  }
0x31b: {  	v9 =	vmul.f32 v9, v7;
	v8 =	vsub.f32 $0.0e+00, v8  }
0x31c: {  	v11 =	vld [tilespmem:s23+$0x0]  }
0x31d: {  	v9 =	vsub.f32 $0.0e+00, v9;
	v62 =	vmul.f32 v8, v6;
	_ =	sdelay $0x1  }
0x31e: {  	v63 =	vmul.f32 v9, v6;
	v12 =	vadd.f32 v62, v10  }
0x31f: {  	s11 =	simm.s32 $0xC1;
	v8 =	vmul.f32 v8, v7  }
0x320: {  	s28 =	simm.s32 $0xF010;
	s2 =	simm.s32 $0xC2;
	v7 =	vmul.f32 v9, v7;
	v9 =	vmov s11;
	v10 =	vadd.f32 v63, v11;
	[tilespmem:s23+$0xFFFFFFF0] =	vst v12  }
.LBB2_23:
0x321: {  	s25 =	sadd.s32 $0x20, s25  }
0x322: {  	[tilespmem:s23+$0x0] =	vst v10;
	s23 =	sadd.s32 $0x20, s23;
	s8 =	smov.u32 s2;
	s11 =	sadd.s32 $0x1, s2  }
0x323: {  	p0 =	sne.s32 s2, $0xFF;
	[tilespmem:s28+$0xFFFFFFF0] =	vst v8  }
0x324: {  	v8 =	vld [tilespmem:s25+$0xFFFFFFF0];
	[tilespmem:s28+$0x0] =	vst v7;
	s28 =	smov.u32 s25  }
0x325: {  	v7 =	vld.idx.msk [tilespmem:v9+s7+$0x0], $0xffff  }
0x326: {  	v9 =	vld [tilespmem:s25+$0x0];
	_ =	sdelay $0x4  }
0x327: {  	v8 =	vmul.f32 v8, v7;
	v9 =	vmul.f32 v9, v7;
	v10 =	vld [tilespmem:s23+$0x0]  }
0x328: {  	v11 =	vld [tilespmem:s23+$0xFFFFFFF0]  }
0x329: {  	v8 =	vsub.f32 $0.0e+00, v8;
	v9 =	vsub.f32 $0.0e+00, v9;
	_ =	sdelay $0x1  }
.Ltmp10:
0x32a: {  	v12 =	vmul.f32 v8, v6;
	v13 =	vmul.f32 v9, v6;
	(pc) =	sbr.rel @p0 .LBB2_23-.Ltmp10, $4  }
0x32b: {  	v8 =	vmul.f32 v8, v7;
	v7 =	vmul.f32 v9, v7  }
0x32c: {  	v11 =	vadd.f32 v12, v11;
	v10 =	vadd.f32 v13, v10  }
0x32d: {  	v9 =	vmov s8  }
0x32e: {  	s2 =	smov.u32 s11;
	[tilespmem:s23+$0xFFFFFFF0] =	vst v11  }
0x32f: {  	_ = 	snop  }
0x330: {  	[tilespmem:s23+$0x0] =	vst v10  }
0x331: {  	s2 =	sadd.s32 $0x20, s25;
	[tilespmem:s28+$0xFFFFFFF0] =	vst v8  }
0x332: {  	v8 =	vld [tilespmem:s2+$0xFFFFFFF0];
	[tilespmem:s28+$0x0] =	vst v7  }
0x333: {  	v7 =	vld.idx.msk [tilespmem:v9+s7+$0x0], $0xffff  }
0x334: {  	v9 =	vld [tilespmem:s2+$0x0];
	_ =	sdelay $0x3  }
0x335: {  	s8 =	sadd.s32 $0x20, s23;
	v8 =	vmul.f32 v8, v7  }
0x336: {  	v10 =	vld [tilespmem:s8+$0xFFFFFFF0];
	v9 =	vmul.f32 v9, v7  }
0x337: {  	v11 =	vld [tilespmem:s8+$0x0];
	v8 =	vsub.f32 $0.0e+00, v8  }
0x338: {  	v9 =	vsub.f32 $0.0e+00, v9  }
0x339: {  	v12 =	vmul.f32 v8, v6  }
0x33a: {  	v13 =	vmul.f32 v9, v6  }
0x33b: {  	v10 =	vadd.f32 v12, v10  }
0x33c: {  	v11 =	vadd.f32 v13, v11  }
0x33d: {  	v8 =	vmul.f32 v8, v7;
	[tilespmem:s8+$0xFFFFFFF0] =	vst v10  }
0x33e: {  	v7 =	vmul.f32 v9, v7;
	[tilespmem:s8+$0x0] =	vst v11  }
0x33f: {  	[tilespmem:s2+$0xFFFFFFF0] =	vst v8  }
0x340: {  	s11 =	simm.s32 $0xF000;
	s8 =	rddreg [dreg:$0xf];
	[tilespmem:s2+$0x0] =	vst v7  }
0x341: {  	[spmem:s8] =	stream.linear.scatter [tilespmem:s11], [sflag:$0xC], $0x800, $0x38;
	[tilespmem:$0x1EAA0] =	vst v63  }
0x342: {  	s23 =	rddreg [dreg:$0xc];
	s25 =	simm.s32 $0xE000;
	s8 =	simm.s32 $0xB  }
0x343: {  	[spmem:s23] =	stream.linear.scatter [tilespmem:s25], [sflag:$0xD], $0x800, $0x38;
	[tilespmem:$0x1EAA0] =	vst v63  }
0x344: {  	_ =	swait.ge [sflag:s8], $0x800  }
0x345: {  	[sflag:s8] =	ssyncset.done $0x0  }
0x346: {  	s23 =	simm.s32 $0x9;
	s25 =	simm.s32 $0x100;
	[sflag:s8] =	ssyncadd.s32 $0xFFFFF800  }
0x347: {  	v7 =	vmov s25;
	_ =	swait.ge [sflag:s23], $0x800  }
0x348: {  	[sflag:s23] =	ssyncset.done $0x0  }
0x349: {  	s25 =	simm.s32 $0xE810;
	s8 =	rddreg [dreg:$0x10];
	[sflag:s23] =	ssyncadd.s32 $0xFFFFF800  }
0x34a: {  	[tilespmem:s11], [sflag:$0xA] =	stream.linear.gather [spmem:s8], $0x800, $0x38;
	[tilespmem:$0x1EAA0] =	vst v63  }
0x34b: {  	v8 =	vld [tilespmem:s25+$0xFFFFFFF0]  }
0x34c: {  	v7 =	vld.idx.msk [tilespmem:v7+s7+$0x0], $0xffff;
	_ =	sdelay $0x1  }
0x34d: {  	v9 =	vld [tilespmem:s25+$0x0];
	_ =	sdelay $0x2  }
0x34e: {  	s23 =	simm.s32 $0x11810;
	v8 =	vmul.f32 v8, v7  }
0x34f: {  	v10 =	vld [tilespmem:s23+$0xFFFFFFF0]  }
0x350: {  	v9 =	vmul.f32 v9, v7;
	v8 =	vsub.f32 $0.0e+00, v8  }
0x351: {  	v11 =	vld [tilespmem:s23+$0x0]  }
0x352: {  	v9 =	vsub.f32 $0.0e+00, v9;
	v62 =	vmul.f32 v8, v6;
	_ =	sdelay $0x1  }
0x353: {  	v63 =	vmul.f32 v9, v6;
	v12 =	vadd.f32 v62, v10  }
0x354: {  	s11 =	simm.s32 $0x101;
	v8 =	vmul.f32 v8, v7  }
0x355: {  	s28 =	simm.s32 $0xE810;
	s2 =	simm.s32 $0x102;
	v7 =	vmul.f32 v9, v7;
	v9 =	vmov s11;
	v10 =	vadd.f32 v63, v11;
	[tilespmem:s23+$0xFFFFFFF0] =	vst v12  }
.LBB2_25:
0x356: {  	s25 =	sadd.s32 $0x20, s25  }
0x357: {  	[tilespmem:s23+$0x0] =	vst v10;
	s23 =	sadd.s32 $0x20, s23;
	s8 =	smov.u32 s2;
	s11 =	sadd.s32 $0x1, s2  }
0x358: {  	p0 =	sne.s32 s2, $0x13F;
	[tilespmem:s28+$0xFFFFFFF0] =	vst v8  }
0x359: {  	v8 =	vld [tilespmem:s25+$0xFFFFFFF0];
	[tilespmem:s28+$0x0] =	vst v7;
	s28 =	smov.u32 s25  }
0x35a: {  	v7 =	vld.idx.msk [tilespmem:v9+s7+$0x0], $0xffff  }
0x35b: {  	v9 =	vld [tilespmem:s25+$0x0];
	_ =	sdelay $0x4  }
0x35c: {  	v8 =	vmul.f32 v8, v7;
	v9 =	vmul.f32 v9, v7;
	v10 =	vld [tilespmem:s23+$0x0]  }
0x35d: {  	v11 =	vld [tilespmem:s23+$0xFFFFFFF0]  }
0x35e: {  	v8 =	vsub.f32 $0.0e+00, v8;
	v9 =	vsub.f32 $0.0e+00, v9;
	_ =	sdelay $0x1  }
.Ltmp11:
0x35f: {  	v12 =	vmul.f32 v8, v6;
	v13 =	vmul.f32 v9, v6;
	(pc) =	sbr.rel @p0 .LBB2_25-.Ltmp11, $4  }
0x360: {  	v8 =	vmul.f32 v8, v7;
	v7 =	vmul.f32 v9, v7  }
0x361: {  	v11 =	vadd.f32 v12, v11;
	v10 =	vadd.f32 v13, v10  }
0x362: {  	v9 =	vmov s8  }
0x363: {  	s2 =	smov.u32 s11;
	[tilespmem:s23+$0xFFFFFFF0] =	vst v11  }
0x364: {  	_ = 	snop  }
0x365: {  	[tilespmem:s23+$0x0] =	vst v10  }
0x366: {  	s2 =	sadd.s32 $0x20, s25;
	[tilespmem:s28+$0xFFFFFFF0] =	vst v8  }
0x367: {  	v8 =	vld [tilespmem:s2+$0xFFFFFFF0];
	[tilespmem:s28+$0x0] =	vst v7  }
0x368: {  	v7 =	vld.idx.msk [tilespmem:v9+s7+$0x0], $0xffff  }
0x369: {  	v9 =	vld [tilespmem:s2+$0x0];
	_ =	sdelay $0x3  }
0x36a: {  	s8 =	sadd.s32 $0x20, s23;
	v8 =	vmul.f32 v8, v7  }
0x36b: {  	v10 =	vld [tilespmem:s8+$0xFFFFFFF0];
	v9 =	vmul.f32 v9, v7  }
0x36c: {  	v11 =	vld [tilespmem:s8+$0x0];
	v8 =	vsub.f32 $0.0e+00, v8  }
0x36d: {  	v9 =	vsub.f32 $0.0e+00, v9  }
0x36e: {  	v12 =	vmul.f32 v8, v6  }
0x36f: {  	v13 =	vmul.f32 v9, v6  }
0x370: {  	v10 =	vadd.f32 v12, v10  }
0x371: {  	v11 =	vadd.f32 v13, v11  }
0x372: {  	v8 =	vmul.f32 v8, v7;
	[tilespmem:s8+$0xFFFFFFF0] =	vst v10  }
0x373: {  	v7 =	vmul.f32 v9, v7;
	[tilespmem:s8+$0x0] =	vst v11  }
0x374: {  	[tilespmem:s2+$0xFFFFFFF0] =	vst v8  }
0x375: {  	s25 =	rddreg [dreg:$0x11];
	[tilespmem:s2+$0x0] =	vst v7  }
0x376: {  	[spmem:s25] =	stream.linear.scatter [tilespmem:s1], [sflag:$0xB], $0x800, $0x38;
	[tilespmem:$0x1EAA0] =	vst v63  }
0x377: {  	s11 =	simm.s32 $0xE000;
	s8 =	rddreg [dreg:$0xe]  }
0x378: {  	[spmem:s8] =	stream.linear.scatter [tilespmem:s11], [sflag:$0xD], $0x800, $0x38;
	[tilespmem:$0x1EAA0] =	vst v63  }
0x379: {  	_ =	swait.ge [sflag:s16], $0x800  }
0x37a: {  	[sflag:s16] =	ssyncset.done $0x0  }
0x37b: {  	s23 =	simm.s32 $0xA;
	s25 =	simm.s32 $0x140;
	[sflag:s16] =	ssyncadd.s32 $0xFFFFF800  }
0x37c: {  	v7 =	vmov s25;
	_ =	swait.ge [sflag:s23], $0x800  }
0x37d: {  	[sflag:s23] =	ssyncset.done $0x0  }
0x37e: {  	s25 =	simm.s32 $0xF010;
	s8 =	rddreg [dreg:$0x12];
	[sflag:s23] =	ssyncadd.s32 $0xFFFFF800  }
0x37f: {  	[tilespmem:s1], [sflag:$0x9] =	stream.linear.gather [spmem:s8], $0x800, $0x38;
	[tilespmem:$0x1EAA0] =	vst v63  }
0x380: {  	v8 =	vld [tilespmem:s25+$0xFFFFFFF0]  }
0x381: {  	v7 =	vld.idx.msk [tilespmem:v7+s7+$0x0], $0xffff;
	_ =	sdelay $0x1  }
0x382: {  	v9 =	vld [tilespmem:s25+$0x0];
	_ =	sdelay $0x2  }
0x383: {  	s23 =	simm.s32 $0x12010;
	v8 =	vmul.f32 v8, v7  }
0x384: {  	v10 =	vld [tilespmem:s23+$0xFFFFFFF0]  }
0x385: {  	v9 =	vmul.f32 v9, v7;
	v8 =	vsub.f32 $0.0e+00, v8  }
0x386: {  	v11 =	vld [tilespmem:s23+$0x0]  }
0x387: {  	v9 =	vsub.f32 $0.0e+00, v9;
	v62 =	vmul.f32 v8, v6;
	_ =	sdelay $0x1  }
0x388: {  	v63 =	vmul.f32 v9, v6;
	v12 =	vadd.f32 v62, v10  }
0x389: {  	s11 =	simm.s32 $0x141;
	v8 =	vmul.f32 v8, v7  }
0x38a: {  	s28 =	simm.s32 $0xF010;
	s2 =	simm.s32 $0x142;
	v7 =	vmul.f32 v9, v7;
	v9 =	vmov s11;
	v10 =	vadd.f32 v63, v11;
	[tilespmem:s23+$0xFFFFFFF0] =	vst v12  }
.LBB2_27:
0x38b: {  	s25 =	sadd.s32 $0x20, s25  }
0x38c: {  	[tilespmem:s23+$0x0] =	vst v10;
	s23 =	sadd.s32 $0x20, s23;
	s8 =	smov.u32 s2;
	s11 =	sadd.s32 $0x1, s2  }
0x38d: {  	p0 =	sne.s32 s2, $0x17F;
	[tilespmem:s28+$0xFFFFFFF0] =	vst v8  }
0x38e: {  	v8 =	vld [tilespmem:s25+$0xFFFFFFF0];
	[tilespmem:s28+$0x0] =	vst v7;
	s28 =	smov.u32 s25  }
0x38f: {  	v7 =	vld.idx.msk [tilespmem:v9+s7+$0x0], $0xffff  }
0x390: {  	v9 =	vld [tilespmem:s25+$0x0];
	_ =	sdelay $0x4  }
0x391: {  	v8 =	vmul.f32 v8, v7;
	v9 =	vmul.f32 v9, v7;
	v10 =	vld [tilespmem:s23+$0x0]  }
0x392: {  	v11 =	vld [tilespmem:s23+$0xFFFFFFF0]  }
0x393: {  	v8 =	vsub.f32 $0.0e+00, v8;
	v9 =	vsub.f32 $0.0e+00, v9;
	_ =	sdelay $0x1  }
.Ltmp12:
0x394: {  	v12 =	vmul.f32 v8, v6;
	v13 =	vmul.f32 v9, v6;
	(pc) =	sbr.rel @p0 .LBB2_27-.Ltmp12, $4  }
0x395: {  	v8 =	vmul.f32 v8, v7;
	v7 =	vmul.f32 v9, v7  }
0x396: {  	v11 =	vadd.f32 v12, v11;
	v10 =	vadd.f32 v13, v10  }
0x397: {  	v9 =	vmov s8  }
0x398: {  	s2 =	smov.u32 s11;
	[tilespmem:s23+$0xFFFFFFF0] =	vst v11  }
0x399: {  	_ = 	snop  }
0x39a: {  	[tilespmem:s23+$0x0] =	vst v10  }
0x39b: {  	s2 =	sadd.s32 $0x20, s25;
	[tilespmem:s28+$0xFFFFFFF0] =	vst v8  }
0x39c: {  	v8 =	vld [tilespmem:s2+$0xFFFFFFF0];
	[tilespmem:s28+$0x0] =	vst v7  }
0x39d: {  	v7 =	vld.idx.msk [tilespmem:v9+s7+$0x0], $0xffff  }
0x39e: {  	v9 =	vld [tilespmem:s2+$0x0];
	_ =	sdelay $0x3  }
0x39f: {  	s8 =	sadd.s32 $0x20, s23;
	v8 =	vmul.f32 v8, v7  }
0x3a0: {  	v10 =	vld [tilespmem:s8+$0xFFFFFFF0];
	v9 =	vmul.f32 v9, v7  }
0x3a1: {  	v11 =	vld [tilespmem:s8+$0x0];
	v8 =	vsub.f32 $0.0e+00, v8  }
0x3a2: {  	v9 =	vsub.f32 $0.0e+00, v9  }
0x3a3: {  	v12 =	vmul.f32 v8, v6  }
0x3a4: {  	v13 =	vmul.f32 v9, v6  }
0x3a5: {  	v10 =	vadd.f32 v12, v10  }
0x3a6: {  	v11 =	vadd.f32 v13, v11  }
0x3a7: {  	v8 =	vmul.f32 v8, v7;
	[tilespmem:s8+$0xFFFFFFF0] =	vst v10  }
0x3a8: {  	v7 =	vmul.f32 v9, v7;
	[tilespmem:s8+$0x0] =	vst v11  }
0x3a9: {  	[tilespmem:s2+$0xFFFFFFF0] =	vst v8  }
0x3aa: {  	s11 =	simm.s32 $0xF000;
	s8 =	rddreg [dreg:$0x13];
	[tilespmem:s2+$0x0] =	vst v7  }
0x3ab: {  	[spmem:s8] =	stream.linear.scatter [tilespmem:s11], [sflag:$0xC], $0x800, $0x38;
	[tilespmem:$0x1EAA0] =	vst v63  }
0x3ac: {  	s23 =	rddreg [dreg:$0x10];
	s25 =	simm.s32 $0xE000;
	s8 =	simm.s32 $0xB  }
0x3ad: {  	[spmem:s23] =	stream.linear.scatter [tilespmem:s25], [sflag:$0xD], $0x800, $0x38;
	[tilespmem:$0x1EAA0] =	vst v63  }
0x3ae: {  	_ =	swait.ge [sflag:s8], $0x800  }
0x3af: {  	[sflag:s8] =	ssyncset.done $0x0  }
0x3b0: {  	s23 =	simm.s32 $0x9;
	s25 =	simm.s32 $0x180;
	[sflag:s8] =	ssyncadd.s32 $0xFFFFF800  }
0x3b1: {  	v7 =	vmov s25;
	_ =	swait.ge [sflag:s23], $0x800  }
0x3b2: {  	[sflag:s23] =	ssyncset.done $0x0  }
0x3b3: {  	s25 =	simm.s32 $0xE810;
	s8 =	rddreg [dreg:$0x15];
	[sflag:s23] =	ssyncadd.s32 $0xFFFFF800  }
0x3b4: {  	[tilespmem:s11], [sflag:$0xA] =	stream.linear.gather [spmem:s8], $0x800, $0x38;
	[tilespmem:$0x1EAA0] =	vst v63  }
0x3b5: {  	v8 =	vld [tilespmem:s25+$0xFFFFFFF0]  }
0x3b6: {  	v7 =	vld.idx.msk [tilespmem:v7+s7+$0x0], $0xffff;
	_ =	sdelay $0x1  }
0x3b7: {  	v9 =	vld [tilespmem:s25+$0x0];
	_ =	sdelay $0x2  }
0x3b8: {  	s23 =	simm.s32 $0x12810;
	v8 =	vmul.f32 v8, v7  }
0x3b9: {  	v10 =	vld [tilespmem:s23+$0xFFFFFFF0]  }
0x3ba: {  	v9 =	vmul.f32 v9, v7;
	v8 =	vsub.f32 $0.0e+00, v8  }
0x3bb: {  	v11 =	vld [tilespmem:s23+$0x0]  }
0x3bc: {  	v9 =	vsub.f32 $0.0e+00, v9;
	v62 =	vmul.f32 v8, v6;
	_ =	sdelay $0x1  }
0x3bd: {  	v63 =	vmul.f32 v9, v6;
	v12 =	vadd.f32 v62, v10  }
0x3be: {  	s11 =	simm.s32 $0x181;
	v8 =	vmul.f32 v8, v7  }
0x3bf: {  	s28 =	simm.s32 $0xE810;
	s2 =	simm.s32 $0x182;
	v7 =	vmul.f32 v9, v7;
	v9 =	vmov s11;
	v10 =	vadd.f32 v63, v11;
	[tilespmem:s23+$0xFFFFFFF0] =	vst v12  }
.LBB2_29:
0x3c0: {  	s25 =	sadd.s32 $0x20, s25  }
0x3c1: {  	[tilespmem:s23+$0x0] =	vst v10;
	s23 =	sadd.s32 $0x20, s23;
	s8 =	smov.u32 s2;
	s11 =	sadd.s32 $0x1, s2  }
0x3c2: {  	p0 =	sne.s32 s2, $0x1BF;
	[tilespmem:s28+$0xFFFFFFF0] =	vst v8  }
0x3c3: {  	v8 =	vld [tilespmem:s25+$0xFFFFFFF0];
	[tilespmem:s28+$0x0] =	vst v7;
	s28 =	smov.u32 s25  }
0x3c4: {  	v7 =	vld.idx.msk [tilespmem:v9+s7+$0x0], $0xffff  }
0x3c5: {  	v9 =	vld [tilespmem:s25+$0x0];
	_ =	sdelay $0x4  }
0x3c6: {  	v8 =	vmul.f32 v8, v7;
	v9 =	vmul.f32 v9, v7;
	v10 =	vld [tilespmem:s23+$0x0]  }
0x3c7: {  	v11 =	vld [tilespmem:s23+$0xFFFFFFF0]  }
0x3c8: {  	v8 =	vsub.f32 $0.0e+00, v8;
	v9 =	vsub.f32 $0.0e+00, v9;
	_ =	sdelay $0x1  }
.Ltmp13:
0x3c9: {  	v12 =	vmul.f32 v8, v6;
	v13 =	vmul.f32 v9, v6;
	(pc) =	sbr.rel @p0 .LBB2_29-.Ltmp13, $4  }
0x3ca: {  	v8 =	vmul.f32 v8, v7;
	v7 =	vmul.f32 v9, v7  }
0x3cb: {  	v11 =	vadd.f32 v12, v11;
	v10 =	vadd.f32 v13, v10  }
0x3cc: {  	v9 =	vmov s8  }
0x3cd: {  	s2 =	smov.u32 s11;
	[tilespmem:s23+$0xFFFFFFF0] =	vst v11  }
0x3ce: {  	_ = 	snop  }
0x3cf: {  	[tilespmem:s23+$0x0] =	vst v10  }
0x3d0: {  	s2 =	sadd.s32 $0x20, s25;
	[tilespmem:s28+$0xFFFFFFF0] =	vst v8  }
0x3d1: {  	v8 =	vld [tilespmem:s2+$0xFFFFFFF0];
	[tilespmem:s28+$0x0] =	vst v7  }
0x3d2: {  	v7 =	vld.idx.msk [tilespmem:v9+s7+$0x0], $0xffff  }
0x3d3: {  	v9 =	vld [tilespmem:s2+$0x0];
	_ =	sdelay $0x3  }
0x3d4: {  	s8 =	sadd.s32 $0x20, s23;
	v8 =	vmul.f32 v8, v7  }
0x3d5: {  	v10 =	vld [tilespmem:s8+$0xFFFFFFF0];
	v9 =	vmul.f32 v9, v7  }
0x3d6: {  	v11 =	vld [tilespmem:s8+$0x0];
	v8 =	vsub.f32 $0.0e+00, v8  }
0x3d7: {  	v9 =	vsub.f32 $0.0e+00, v9  }
0x3d8: {  	v12 =	vmul.f32 v8, v6  }
0x3d9: {  	v13 =	vmul.f32 v9, v6  }
0x3da: {  	v10 =	vadd.f32 v12, v10  }
0x3db: {  	v11 =	vadd.f32 v13, v11  }
0x3dc: {  	v8 =	vmul.f32 v8, v7;
	[tilespmem:s8+$0xFFFFFFF0] =	vst v10  }
0x3dd: {  	v7 =	vmul.f32 v9, v7;
	[tilespmem:s8+$0x0] =	vst v11  }
0x3de: {  	[tilespmem:s2+$0xFFFFFFF0] =	vst v8  }
0x3df: {  	s25 =	rddreg [dreg:$0x14];
	[tilespmem:s2+$0x0] =	vst v7  }
0x3e0: {  	[spmem:s25] =	stream.linear.scatter [tilespmem:s1], [sflag:$0xB], $0x800, $0x38;
	[tilespmem:$0x1EAA0] =	vst v63  }
0x3e1: {  	s11 =	simm.s32 $0xE000;
	s8 =	rddreg [dreg:$0x12]  }
0x3e2: {  	[spmem:s8] =	stream.linear.scatter [tilespmem:s11], [sflag:$0xD], $0x800, $0x38;
	[tilespmem:$0x1EAA0] =	vst v63  }
0x3e3: {  	_ =	swait.ge [sflag:s16], $0x800  }
0x3e4: {  	[sflag:s16] =	ssyncset.done $0x0  }
0x3e5: {  	s23 =	simm.s32 $0xA;
	s25 =	simm.s32 $0x1C0;
	[sflag:s16] =	ssyncadd.s32 $0xFFFFF800  }
0x3e6: {  	v7 =	vmov s25;
	_ =	swait.ge [sflag:s23], $0x800  }
0x3e7: {  	[sflag:s23] =	ssyncset.done $0x0  }
0x3e8: {  	s25 =	simm.s32 $0xF010;
	s8 =	rddreg [dreg:$0x19];
	[sflag:s23] =	ssyncadd.s32 $0xFFFFF800  }
0x3e9: {  	[tilespmem:s1], [sflag:$0x9] =	stream.linear.gather [spmem:s8], $0x800, $0x38;
	[tilespmem:$0x1EAA0] =	vst v63  }
0x3ea: {  	v8 =	vld [tilespmem:s25+$0xFFFFFFF0]  }
0x3eb: {  	v7 =	vld.idx.msk [tilespmem:v7+s7+$0x0], $0xffff;
	_ =	sdelay $0x1  }
0x3ec: {  	v9 =	vld [tilespmem:s25+$0x0];
	_ =	sdelay $0x2  }
0x3ed: {  	s23 =	simm.s32 $0x13010;
	v8 =	vmul.f32 v8, v7  }
0x3ee: {  	v10 =	vld [tilespmem:s23+$0xFFFFFFF0]  }
0x3ef: {  	v9 =	vmul.f32 v9, v7;
	v8 =	vsub.f32 $0.0e+00, v8  }
0x3f0: {  	v11 =	vld [tilespmem:s23+$0x0]  }
0x3f1: {  	v9 =	vsub.f32 $0.0e+00, v9;
	v62 =	vmul.f32 v8, v6;
	_ =	sdelay $0x1  }
0x3f2: {  	v63 =	vmul.f32 v9, v6;
	v12 =	vadd.f32 v62, v10  }
0x3f3: {  	s11 =	simm.s32 $0x1C1;
	v8 =	vmul.f32 v8, v7  }
0x3f4: {  	s28 =	simm.s32 $0xF010;
	s2 =	simm.s32 $0x1C2;
	v7 =	vmul.f32 v9, v7;
	v9 =	vmov s11;
	v10 =	vadd.f32 v63, v11;
	[tilespmem:s23+$0xFFFFFFF0] =	vst v12  }
.LBB2_31:
0x3f5: {  	s25 =	sadd.s32 $0x20, s25  }
0x3f6: {  	[tilespmem:s23+$0x0] =	vst v10;
	s23 =	sadd.s32 $0x20, s23;
	s8 =	smov.u32 s2;
	s11 =	sadd.s32 $0x1, s2  }
0x3f7: {  	p0 =	sne.s32 s2, $0x1FF;
	[tilespmem:s28+$0xFFFFFFF0] =	vst v8  }
0x3f8: {  	v8 =	vld [tilespmem:s25+$0xFFFFFFF0];
	[tilespmem:s28+$0x0] =	vst v7;
	s28 =	smov.u32 s25  }
0x3f9: {  	v7 =	vld.idx.msk [tilespmem:v9+s7+$0x0], $0xffff  }
0x3fa: {  	v9 =	vld [tilespmem:s25+$0x0];
	_ =	sdelay $0x4  }
0x3fb: {  	v8 =	vmul.f32 v8, v7;
	v9 =	vmul.f32 v9, v7;
	v10 =	vld [tilespmem:s23+$0x0]  }
0x3fc: {  	v11 =	vld [tilespmem:s23+$0xFFFFFFF0]  }
0x3fd: {  	v8 =	vsub.f32 $0.0e+00, v8;
	v9 =	vsub.f32 $0.0e+00, v9;
	_ =	sdelay $0x1  }
.Ltmp14:
0x3fe: {  	v12 =	vmul.f32 v8, v6;
	v13 =	vmul.f32 v9, v6;
	(pc) =	sbr.rel @p0 .LBB2_31-.Ltmp14, $4  }
0x3ff: {  	v8 =	vmul.f32 v8, v7;
	v7 =	vmul.f32 v9, v7  }
0x400: {  	v11 =	vadd.f32 v12, v11;
	v10 =	vadd.f32 v13, v10  }
0x401: {  	v9 =	vmov s8  }
0x402: {  	s2 =	smov.u32 s11;
	[tilespmem:s23+$0xFFFFFFF0] =	vst v11  }
0x403: {  	_ = 	snop  }
0x404: {  	[tilespmem:s23+$0x0] =	vst v10  }
0x405: {  	s2 =	sadd.s32 $0x20, s25;
	[tilespmem:s28+$0xFFFFFFF0] =	vst v8  }
0x406: {  	v8 =	vld [tilespmem:s2+$0xFFFFFFF0];
	[tilespmem:s28+$0x0] =	vst v7  }
0x407: {  	v7 =	vld.idx.msk [tilespmem:v9+s7+$0x0], $0xffff  }
0x408: {  	v9 =	vld [tilespmem:s2+$0x0];
	_ =	sdelay $0x3  }
0x409: {  	s8 =	sadd.s32 $0x20, s23;
	v8 =	vmul.f32 v8, v7  }
0x40a: {  	v10 =	vld [tilespmem:s8+$0xFFFFFFF0];
	v9 =	vmul.f32 v9, v7  }
0x40b: {  	v11 =	vld [tilespmem:s8+$0x0];
	v8 =	vsub.f32 $0.0e+00, v8  }
0x40c: {  	v9 =	vsub.f32 $0.0e+00, v9  }
0x40d: {  	v12 =	vmul.f32 v8, v6  }
0x40e: {  	v13 =	vmul.f32 v9, v6  }
0x40f: {  	v10 =	vadd.f32 v12, v10  }
0x410: {  	v11 =	vadd.f32 v13, v11  }
0x411: {  	v8 =	vmul.f32 v8, v7;
	[tilespmem:s8+$0xFFFFFFF0] =	vst v10  }
0x412: {  	v7 =	vmul.f32 v9, v7;
	[tilespmem:s8+$0x0] =	vst v11  }
0x413: {  	[tilespmem:s2+$0xFFFFFFF0] =	vst v8  }
0x414: {  	s11 =	simm.s32 $0xF000;
	s8 =	rddreg [dreg:$0x16];
	[tilespmem:s2+$0x0] =	vst v7  }
0x415: {  	[spmem:s8] =	stream.linear.scatter [tilespmem:s11], [sflag:$0xC], $0x800, $0x38;
	[tilespmem:$0x1EAA0] =	vst v63  }
0x416: {  	s23 =	rddreg [dreg:$0x15];
	s25 =	simm.s32 $0xE000;
	s8 =	simm.s32 $0xB  }
0x417: {  	[spmem:s23] =	stream.linear.scatter [tilespmem:s25], [sflag:$0xD], $0x800, $0x38;
	[tilespmem:$0x1EAA0] =	vst v63  }
0x418: {  	_ =	swait.ge [sflag:s8], $0x800  }
0x419: {  	[sflag:s8] =	ssyncset.done $0x0  }
0x41a: {  	s23 =	simm.s32 $0x9;
	s25 =	simm.s32 $0x200;
	[sflag:s8] =	ssyncadd.s32 $0xFFFFF800  }
0x41b: {  	v7 =	vmov s25;
	_ =	swait.ge [sflag:s23], $0x800  }
0x41c: {  	[sflag:s23] =	ssyncset.done $0x0  }
0x41d: {  	s8 =	rddreg [dreg:$0x1b];
	[sflag:s23] =	ssyncadd.s32 $0xFFFFF800;
	s23 =	simm.s32 $0xE810  }
0x41e: {  	[tilespmem:s11], [sflag:$0xA] =	stream.linear.gather [spmem:s8], $0x800, $0x38;
	[tilespmem:$0x1EAA0] =	vst v63  }
0x41f: {  	v8 =	vld [tilespmem:s23+$0xFFFFFFF0]  }
0x420: {  	v9 =	vld.idx.msk [tilespmem:v7+s7+$0x0], $0xffff;
	_ =	sdelay $0x1  }
0x421: {  	v7 =	vld [tilespmem:s23+$0x0];
	_ =	sdelay $0x2  }
0x422: {  	s25 =	simm.s32 $0x13800;
	v8 =	vmul.f32 v8, v9  }
0x423: {  	v10 =	vld [tilespmem:s25+$0x0]  }
0x424: {  	v7 =	vmul.f32 v7, v9;
	v8 =	vsub.f32 $0.0e+00, v8  }
0x425: {  	v11 =	vld [tilespmem:s25+$0x10]  }
0x426: {  	v62 =	vsub.f32 $0.0e+00, v7;
	v7 =	vmul.f32 v8, v6;
	_ =	sdelay $0x1  }
0x427: {  	v63 =	vmul.f32 v62, v6;
	v7 =	vadd.f32 v7, v10  }
0x428: {  	s11 =	simm.s32 $0x201  }
0x429: {  	v10 =	vadd.f32 v63, v11;
	[tilespmem:s25+$0x0] =	vst v7;
	v7 =	vmul.f32 v8, v9;
	v8 =	vmov s11  }
0x42a: {  	v9 =	vmul.f32 v62, v9  }
0x42b: {  	s28 =	simm.s32 $0xE830;
	s8 =	simm.s32 $0x202;
	[tilespmem:s25+$0x10] =	vst v10  }
.LBB2_33:
0x42c: {  	p0 =	sne.s32 s8, $0x23F;
	v10 =	vld [tilespmem:s28+$0xFFFFFFF0];
	[tilespmem:s23+$0x0] =	vst v9  }
0x42d: {  	[tilespmem:s23+$0xFFFFFFF0] =	vst v7;
	s23 =	smov.u32 s28  }
0x42e: {  	s25 =	sadd.s32 $0x20, s25;
	v9 =	vld.idx.msk [tilespmem:v8+s7+$0x0], $0xffff  }
0x42f: {  	v8 =	vld [tilespmem:s25+$0x0]  }
0x430: {  	v7 =	vld [tilespmem:s28+$0x0]  }
0x431: {  	v11 =	vld [tilespmem:s25+$0x10];
	_ =	sdelay $0x2  }
0x432: {  	v10 =	vmul.f32 v10, v9  }
0x433: {  	v7 =	vmul.f32 v7, v9  }
0x434: {  	v10 =	vsub.f32 $0.0e+00, v10  }
0x435: {  	v12 =	vsub.f32 $0.0e+00, v7  }
0x436: {  	v13 =	vmul.f32 v10, v6;
	v7 =	vmul.f32 v10, v9  }
.Ltmp15:
0x437: {  	v10 =	vmul.f32 v12, v6;
	(pc) =	sbr.rel @p0 .LBB2_33-.Ltmp15, $4  }
0x438: {  	v13 =	vadd.f32 v13, v8  }
0x439: {  	v8 =	vmov s8;
	v10 =	vadd.f32 v10, v11  }
0x43a: {  	v9 =	vmul.f32 v12, v9;
	[tilespmem:s25+$0x0] =	vst v13  }
0x43b: {  	s28 =	sadd.s32 $0x20, s28;
	s8 =	sadd.s32 $0x1, s8;
	[tilespmem:s25+$0x10] =	vst v10  }
0x43c: {  	_ =	sdelay $0x1  }
0x43d: {  	v10 =	vld [tilespmem:s28+$0xFFFFFFF0];
	[tilespmem:s23+$0x0] =	vst v9  }
0x43e: {  	[tilespmem:s23+$0xFFFFFFF0] =	vst v7  }
0x43f: {  	v7 =	vld.idx.msk [tilespmem:v8+s7+$0x0], $0xffff  }
0x440: {  	v8 =	vld [tilespmem:s28+$0x0];
	_ =	sdelay $0x3  }
0x441: {  	s2 =	sadd.s32 $0x20, s25;
	v9 =	vmul.f32 v10, v7  }
0x442: {  	v10 =	vld [tilespmem:s2+$0x0];
	v8 =	vmul.f32 v8, v7  }
0x443: {  	v11 =	vld [tilespmem:s2+$0x10];
	v9 =	vsub.f32 $0.0e+00, v9  }
0x444: {  	v8 =	vsub.f32 $0.0e+00, v8  }
0x445: {  	v12 =	vmul.f32 v9, v6  }
0x446: {  	v13 =	vmul.f32 v8, v6  }
0x447: {  	v10 =	vadd.f32 v12, v10  }
0x448: {  	v11 =	vadd.f32 v13, v11  }
0x449: {  	v8 =	vmul.f32 v8, v7;
	[tilespmem:s2+$0x0] =	vst v10  }
0x44a: {  	v7 =	vmul.f32 v9, v7;
	[tilespmem:s2+$0x10] =	vst v11  }
0x44b: {  	[tilespmem:s28+$0x0] =	vst v8  }
0x44c: {  	s11 =	rddreg [dreg:$0x1a];
	[tilespmem:s28+$0xFFFFFFF0] =	vst v7  }
0x44d: {  	[spmem:s11] =	stream.linear.scatter [tilespmem:s1], [sflag:$0xB], $0x800, $0x38;
	[tilespmem:$0x1EAA0] =	vst v63  }
0x44e: {  	s23 =	rddreg [dreg:$0x19];
	s8 =	simm.s32 $0xE000  }
0x44f: {  	[spmem:s23] =	stream.linear.scatter [tilespmem:s8], [sflag:$0xD], $0x800, $0x38;
	[tilespmem:$0x1EAA0] =	vst v63  }
0x450: {  	_ =	swait.ge [sflag:s16], $0x800  }
0x451: {  	s25 =	simm.s32 $0x240;
	[sflag:s16] =	ssyncset.done $0x0  }
0x452: {  	v7 =	vmov s25;
	s8 =	simm.s32 $0xA;
	[sflag:s16] =	ssyncadd.s32 $0xFFFFF800  }
0x453: {  	_ =	swait.ge [sflag:s8], $0x800  }
0x454: {  	[sflag:s8] =	ssyncset.done $0x0  }
0x455: {  	s23 =	simm.s32 $0xF010;
	[sflag:s8] =	ssyncadd.s32 $0xFFFFF800  }
0x456: {  	v8 =	vld [tilespmem:s23+$0xFFFFFFF0]  }
0x457: {  	v9 =	vld.idx.msk [tilespmem:v7+s7+$0x0], $0xffff;
	_ =	sdelay $0x1  }
0x458: {  	v7 =	vld [tilespmem:s23+$0x0];
	_ =	sdelay $0x2  }
0x459: {  	s25 =	simm.s32 $0x14000;
	v8 =	vmul.f32 v8, v9  }
0x45a: {  	v10 =	vld [tilespmem:s25+$0x0]  }
0x45b: {  	v7 =	vmul.f32 v7, v9;
	v8 =	vsub.f32 $0.0e+00, v8  }
0x45c: {  	v11 =	vld [tilespmem:s25+$0x10]  }
0x45d: {  	v62 =	vsub.f32 $0.0e+00, v7;
	v7 =	vmul.f32 v8, v6;
	_ =	sdelay $0x1  }
0x45e: {  	v63 =	vmul.f32 v62, v6;
	v7 =	vadd.f32 v7, v10  }
0x45f: {  	s11 =	simm.s32 $0x241  }
0x460: {  	v10 =	vadd.f32 v63, v11;
	[tilespmem:s25+$0x0] =	vst v7;
	v7 =	vmul.f32 v8, v9;
	v8 =	vmov s11  }
0x461: {  	v9 =	vmul.f32 v62, v9  }
0x462: {  	s28 =	simm.s32 $0xF030;
	s8 =	simm.s32 $0x242;
	[tilespmem:s25+$0x10] =	vst v10  }
.LBB2_35:
0x463: {  	p0 =	sne.s32 s8, $0x27F;
	v10 =	vld [tilespmem:s28+$0xFFFFFFF0];
	[tilespmem:s23+$0x0] =	vst v9  }
0x464: {  	[tilespmem:s23+$0xFFFFFFF0] =	vst v7;
	s23 =	smov.u32 s28  }
0x465: {  	s25 =	sadd.s32 $0x20, s25;
	v9 =	vld.idx.msk [tilespmem:v8+s7+$0x0], $0xffff  }
0x466: {  	v8 =	vld [tilespmem:s25+$0x0]  }
0x467: {  	v7 =	vld [tilespmem:s28+$0x0]  }
0x468: {  	v11 =	vld [tilespmem:s25+$0x10];
	_ =	sdelay $0x2  }
0x469: {  	v10 =	vmul.f32 v10, v9  }
0x46a: {  	v7 =	vmul.f32 v7, v9  }
0x46b: {  	v10 =	vsub.f32 $0.0e+00, v10  }
0x46c: {  	v12 =	vsub.f32 $0.0e+00, v7  }
0x46d: {  	v13 =	vmul.f32 v10, v6;
	v7 =	vmul.f32 v10, v9  }
.Ltmp16:
0x46e: {  	v10 =	vmul.f32 v12, v6;
	(pc) =	sbr.rel @p0 .LBB2_35-.Ltmp16, $4  }
0x46f: {  	v13 =	vadd.f32 v13, v8  }
0x470: {  	v8 =	vmov s8;
	v10 =	vadd.f32 v10, v11  }
0x471: {  	v9 =	vmul.f32 v12, v9;
	[tilespmem:s25+$0x0] =	vst v13  }
0x472: {  	s28 =	sadd.s32 $0x20, s28;
	s8 =	sadd.s32 $0x1, s8;
	[tilespmem:s25+$0x10] =	vst v10  }
0x473: {  	_ =	sdelay $0x1  }
0x474: {  	v10 =	vld [tilespmem:s28+$0xFFFFFFF0];
	[tilespmem:s23+$0x0] =	vst v9  }
0x475: {  	[tilespmem:s23+$0xFFFFFFF0] =	vst v7  }
0x476: {  	v7 =	vld.idx.msk [tilespmem:v8+s7+$0x0], $0xffff  }
0x477: {  	v61 =	vld [tilespmem:s28+$0x0];
	_ =	sdelay $0x3  }
0x478: {  	s2 =	sadd.s32 $0x20, s25;
	v62 =	vmul.f32 v10, v7  }
0x479: {  	v63 =	vld [tilespmem:s2+$0x0];
	v8 =	vmul.f32 v61, v7  }
0x47a: {  	v11 =	vld [tilespmem:s2+$0x10];
	v9 =	vsub.f32 $0.0e+00, v62  }
0x47b: {  	v8 =	vsub.f32 $0.0e+00, v8  }
0x47c: {  	v12 =	vmul.f32 v9, v6  }
0x47d: {  	v6 =	vmul.f32 v8, v6  }
0x47e: {  	v10 =	vadd.f32 v12, v63  }
0x47f: {  	v6 =	vadd.f32 v6, v11  }
0x480: {  	v8 =	vmul.f32 v8, v7;
	[tilespmem:s2+$0x0] =	vst v10  }
0x481: {  	v7 =	vmul.f32 v9, v7;
	[tilespmem:s2+$0x10] =	vst v6  }
0x482: {  	[tilespmem:s28+$0x0] =	vst v8  }
0x483: {  	s11 =	rddreg [dreg:$0x1c];
	s8 =	simm.s32 $0xF000;
	[tilespmem:s28+$0xFFFFFFF0] =	vst v7  }
0x484: {  	[spmem:s11] =	stream.linear.scatter [tilespmem:s8], [sflag:$0xC], $0x800, $0x38;
	[tilespmem:$0x1EAA0] =	vst v63  }
0x485: {  	s23 =	rddreg [dreg:$0x1b];
	s25 =	simm.s32 $0xE000;
	s28 =	simm.s32 $0xB  }
0x486: {  	[spmem:s23] =	stream.linear.scatter [tilespmem:s25], [sflag:$0xD], $0x800, $0x38;
	[tilespmem:$0x1EAA0] =	vst v63  }
0x487: {  	_ =	swait.ge [sflag:s28], $0x800  }
0x488: {  	[sflag:s28] =	ssyncset.done $0x0  }
0x489: {  	[sflag:s28] =	ssyncadd.s32 $0xFFFFF800  }
0x48a: {  	_ =	swait.ge [sflag:s16], $0x800  }
0x48b: {  	[sflag:s16] =	ssyncset.done $0x0  }
0x48c: {  	[sflag:s16] =	ssyncadd.s32 $0xFFFFF800  }
0x48d: {  	_ =	swait.ge [sflag:s18], $0x800  }
0x48e: {  	[sflag:s18] =	ssyncset.done $0x0  }
0x48f: {  	[sflag:s18] =	ssyncadd.s32 $0xFFFFF800  }
0x490: {  	_ =	swait.ge [sflag:s18], $0x800  }
0x491: {  	[sflag:s18] =	ssyncset.done $0x0  }
0x492: {  	[sflag:s18] =	ssyncadd.s32 $0xFFFFF800  }
0x493: {  	_ =	swait.ge [sflag:s18], $0x800  }
0x494: {  	[sflag:s18] =	ssyncset.done $0x0  }
0x495: {  	[sflag:s18] =	ssyncadd.s32 $0xFFFFF800  }
0x496: {  	_ =	swait.ge [sflag:s18], $0x800  }
0x497: {  	[sflag:s18] =	ssyncset.done $0x0  }
0x498: {  	[sflag:s18] =	ssyncadd.s32 $0xFFFFF800  }
0x499: {  	_ =	swait.ge [sflag:s18], $0x800  }
0x49a: {  	[sflag:s18] =	ssyncset.done $0x0  }
0x49b: {  	[sflag:s18] =	ssyncadd.s32 $0xFFFFF800  }
0x49c: {  	_ =	swait.ge [sflag:s18], $0x800  }
0x49d: {  	[sflag:s18] =	ssyncset.done $0x0  }
0x49e: {  	[sflag:s18] =	ssyncadd.s32 $0xFFFFF800  }
0x49f: {  	_ =	swait.ge [sflag:s18], $0x800  }
0x4a0: {  	[sflag:s18] =	ssyncset.done $0x0  }
0x4a1: {  	[sflag:s18] =	ssyncadd.s32 $0xFFFFF800  }
0x4a2: {  	_ =	swait.ge [sflag:s18], $0x800  }
0x4a3: {  	[sflag:s18] =	ssyncset.done $0x0  }
0x4a4: {  	[sflag:s18] =	ssyncadd.s32 $0xFFFFF800  }
0x4a5: {  	_ =	swait.ge [sflag:s18], $0x800  }
0x4a6: {  	s20 =	sadd.s32 $0x1, s20;
	[sflag:s18] =	ssyncset.done $0x0  }
0x4a7: {  	p0 =	sne.s32 s20, $0xB;
	[sflag:s18] =	ssyncadd.s32 $0xFFFFF800  }
.Ltmp17:
0x4a8: {  	_ =	swait.ge [sflag:s18], $0x800;
	(pc) =	sbr.rel @p0 .LBB2_14-.Ltmp17, $3  }
0x4a9: {  	[sflag:s18] =	ssyncset.done $0x0  }
0x4aa: {  	[sflag:s18] =	ssyncadd.s32 $0xFFFFF800  }
0x4ab: {  	[bflag:$0x0] =	sbarrier.arrive $0xFFFF;
	_ =	sdelay $0x1  }
0x4ac: {  	s2 =	rddreg [dreg:$0x1d];
	s8 =	simm.s32 $0xF800  }
0x4ad: {  	[hbm4b:s2+s12] =	stream.linear.scatter [tilespmem:s8], [sflag:$0xE], $0x5000, $0x38;
	[tilespmem:$0x1EAA0] =	vst v63  }
0x4ae: {  	_ =	swait.ge [sflag:s9], $0x5000  }
0x4af: {  	s28 =	sld [smem:$0x7F4];
	_ =	sdelay $0x2  }
0x4b0: {  	s30 =	rddreg [dreg:$0x1e];
	s8 =	sadd.s32 $0x1, s28  }
0x4b1: {  	p0 =	sne.s32 s8, s30  }
.Ltmp18:
0x4b2: {  	_ = 	snop;
	(pc) =	sbr.rel @p0 .LBB2_1-.Ltmp18, $3  }
0x4b3: {  	_ =	sdelay $0x1  }
0x4b4: {  	[sflag:s9] =	ssyncset.done $0x0  }
0x4b5: {  	[sflag:s9] =	ssyncadd.s32 $0xFFFFB000  }
0x4b6: {  	_ =	sfence.sel $0x180000  }
0x4b7: {  	[bflag:$0x0] =	sbarrier.arrive $0xFFFF  }
0x4b8: {  	_ =	strace $0x90000047  }
0x4b9: {  	s0 =	stileid.u32;
	[bflag:$0x2] =	sbarrier.arrive $0xFFFF  }
0x4ba: {  	p0 =	sne.s32 s0, $0x0;
	s0 =	rddreg [dreg:$0x4]  }
0x4bb: {  	s0 =	sadd.s32 @!p0 $0x100000, s0  }
0x4bc: {  	[sflag:s0] =	ssyncadd.tile.s32 @!p0 $0x1;
	_ =	shalt  }
.Lfunc_end2:
_tile_overlayer_lowered:
.L_overlay_start_2:
0x4bd: {  	(tag) =	ssettag $0x2  }
0x4be: {  	s0 =	rddreg [dreg:$0x0];
	s2 =	stileid.u32  }
0x4bf: {  	s1 =	rddreg [dreg:$0x1];
	p0 =	sne.s32 s2, $0x0  }
0x4c0: {  	s3 =	rddreg [dreg:$0x2];
	[bflag:$0x3] =	sbarrier.arrive $0xFFFF;
	s2 =	simm.s32 @!p0 $0x1C0E  }
0x4c1: {  	[timem:s3], [sflag:s2] =	dma.local @!p0 [hbm:s0], s1  }
0x4c2: {  	s0 =	simm.s32 @!p0 $0xE  }
0x4c3: {  	_ =	swait.ge @!p0 [sflag:s0], s1  }
0x4c4: {  	s1 =	ssub.s32 @!p0 $0x0, s1;
	[sflag:s0] =	ssyncset.done @!p0 $0x0  }
0x4c5: {  	[sflag:s0] =	ssyncadd.s32 @!p0 s1  }
0x4c6: {  	[bflag:$0x3] =	sbarrier.arrive $0xFFFF  }
0x4c7: {  	_ =	shalt  }

</sc_bundles>
